<compile_context>
chip_gen: v7x
topology: tpu7x:2x2x1
jax: 0.10.2.dev20260603
libtpu: 0.0.44.dev20260713+nightly
codegen_flags: <defaults>
</compile_context>

<pallas_src>
import jax
import jax.numpy as jnp
from jax import lax
from jax.experimental import pallas as pl
from jax.experimental.pallas import tpu as pltpu
from jax.experimental.pallas import tpu_sc as plsc

D = 64
SCALE = 8.0
B_TOKENS = 16384
SEQ = 50
NC = 2
NS = 16
NW = NC * NS
BW = B_TOKENS // NW
R = 256
OUT_ELEMS = B_TOKENS * SEQ * D
S_STRIDE = D * B_TOKENS
DR_STRIDE = 8 * B_TOKENS
SEG = 2 * 8 * 128


def _build_diag_tables(colv_tab, offv_tab):
    lane = jax.lax.iota(jnp.int32, 16)

    @plsc.parallel_loop(0, D, 1, unroll=2)
    def _(c0):
        cc = (c0 + lane) & (D - 1)
        colv_tab[pl.ds(c0 * 16, 16)] = cc
        offv_tab[pl.ds(c0 * 16, 16)] = ((cc >> 3) << 11) + ((cc & 7) << 7) + lane


def _retile_scale(gbuf, stage, colv_tab, offv_tab):
    lane = jax.lax.iota(jnp.int32, 16)
    for j in range(2):

        @plsc.parallel_loop(0, D, 1, unroll=2)
        def _(c0):
            colv = colv_tab[pl.ds(c0 * 16, 16)]
            offv = offv_tab[pl.ds(c0 * 16, 16)]
            for t0 in range(0, 128, 16):
                rows = lane + (j * 128 + t0)
                vec = plsc.load_gather(gbuf, [rows, colv])
                offs = offv + (j * 1024 + t0)
                plsc.store_scatter(stage, [offs], vec * SCALE)


def _emb_body(xT_hbm, lut_hbm, out_hbm, idx_v, g0, g1, st0, st1, colv_tab,
              offv_tab, gsem0, gsem1, osem0, osem1):
    wid = lax.axis_index("s") * NC + lax.axis_index("c")
    b0 = wid * BW
    bc0 = wid * 4

    _build_diag_tables(colv_tab, offv_tab)

    pltpu.sync_copy(xT_hbm.at[:, pl.ds(b0, BW)], idx_v)

    def gather(s, h, gbuf, gsem):
        idx_sl = idx_v.at[s, pl.ds(h * R, R)]
        pltpu.make_async_copy(
            lut_hbm.at[idx_sl], gbuf, gsem
        ).start()

    def out_descs(s, h, stage, osem):
        base = s * S_STRIDE + (bc0 + 2 * h) * 1024
        return [
            pltpu.make_async_copy(
                stage.at[pl.ds(dr * SEG, SEG)],
                out_hbm.at[pl.ds(base + dr * DR_STRIDE, SEG)],
                osem,
            )
            for dr in range(8)
        ]

    gather(0, 0, g0, gsem0)

    def pair(p, carry):
        pltpu.make_async_copy(lut_hbm.at[idx_v.at[p, pl.ds(0, R)]],
                              g0, gsem0).wait()
        gather(p, 1, g1, gsem1)

        @pl.when(p >= 1)
        def _():
            for c in out_descs(p - 1, 0, st0, osem0):
                c.wait()

        _retile_scale(g0, st0, colv_tab, offv_tab)
        for c in out_descs(p, 0, st0, osem0):
            c.start()

        pltpu.make_async_copy(lut_hbm.at[idx_v.at[p, pl.ds(R, R)]],
                              g1, gsem1).wait()

        @pl.when(p < SEQ - 1)
        def _():
            gather(p + 1, 0, g0, gsem0)

        @pl.when(p >= 1)
        def _():
            for c in out_descs(p - 1, 1, st1, osem1):
                c.wait()

        _retile_scale(g1, st1, colv_tab, offv_tab)
        for c in out_descs(p, 1, st1, osem1):
            c.start()
        return carry

    lax.fori_loop(0, SEQ, pair, 0)

    for c in out_descs(SEQ - 1, 0, st0, osem0):
        c.wait()
    for c in out_descs(SEQ - 1, 1, st1, osem1):
        c.wait()


def kernel(x, lut):
    xT = jnp.swapaxes(x, 0, 1).astype(jnp.int32)
    mesh = plsc.VectorSubcoreMesh(core_axis_name="c", subcore_axis_name="s")
    out_flat = pl.kernel(
        _emb_body,
        mesh=mesh,
        out_type=jax.ShapeDtypeStruct((OUT_ELEMS,), jnp.float32),
        scratch_types=[
            pltpu.VMEM((SEQ, BW), jnp.int32),
            pltpu.VMEM((R, D), jnp.float32),
            pltpu.VMEM((R, D), jnp.float32),
            pltpu.VMEM((R * D,), jnp.float32),
            pltpu.VMEM((R * D,), jnp.float32),
            pltpu.VMEM((D * 16,), jnp.int32),
            pltpu.VMEM((D * 16,), jnp.int32),
            pltpu.SemaphoreType.DMA,
            pltpu.SemaphoreType.DMA,
            pltpu.SemaphoreType.DMA,
            pltpu.SemaphoreType.DMA,
        ],
        compiler_params=pltpu.CompilerParams(
            use_tc_tiling_on_sc=False, needs_layout_passes=False
        ),
    )(xT, lut)
    out5 = jnp.reshape(out_flat, (SEQ, 8, 128, 8, 128))
    out = jnp.transpose(out5, (2, 4, 0, 1, 3))
    return jnp.reshape(out, (B_TOKENS, SEQ, D))

# --- scband reference (transcript-rebuilt; emitter-appended) ---
"""Pipeline reference for scband-embedding-layer-2954937500212 (READ-ONLY COPY).

The authoritative reference and input builder live on the scoring server;
editing this copy changes nothing except your own understanding.
"""

import math
import jax, jax.numpy as jnp
import numpy as np

VOCAB = 1000000
D_MODEL = 64

def setup_inputs(seed: int = 0) -> dict:
    key = jax.random.key(seed)
    k1, k2 = jax.random.split(key)
    x = jax.random.randint(k1, (16384, 50), 0, VOCAB, dtype=jnp.int64)
    # nn.Embedding default init: N(0, 1)
    lut = jax.random.normal(k2, (VOCAB, D_MODEL), dtype=jnp.float32)
    return {"x": x, "lut": lut}

def reference(x, lut):
    emb = jnp.take(lut, x, axis=0)
    return emb * math.sqrt(D_MODEL)

if __name__ == "__main__":
    import jax
    _d = setup_inputs()
    print(jax.jit(kernel)(*tuple(_d.values())))

</pallas_src>

<mosaic_0001>
#map = affine_map<(d0, d1) -> (0, 0)>
#map1 = affine_map<(d0, d1) -> (0)>
module attributes {stable_mosaic.version = 14 : i64} {
  func.func @_emb_body(%arg0: i32, %arg1: i32, %arg2: memref<50x16384xi32, #tpu.memory_space<hbm>>, %arg3: memref<1000000x64xf32, #tpu.memory_space<hbm>>, %arg4: memref<52428800xf32, #tpu.memory_space<hbm>>, %arg5: memref<50x512xi32, #tpu.memory_space<vmem>>, %arg6: memref<256x64xf32, #tpu.memory_space<vmem>>, %arg7: memref<256x64xf32, #tpu.memory_space<vmem>>, %arg8: memref<16384xf32, #tpu.memory_space<vmem>>, %arg9: memref<16384xf32, #tpu.memory_space<vmem>>, %arg10: memref<1024xi32, #tpu.memory_space<vmem>>, %arg11: memref<1024xi32, #tpu.memory_space<vmem>>, %arg12: memref<!tpu.dma_semaphore, #tpu.memory_space<semaphore_mem>>, %arg13: memref<!tpu.dma_semaphore, #tpu.memory_space<semaphore_mem>>, %arg14: memref<!tpu.dma_semaphore, #tpu.memory_space<semaphore_mem>>, %arg15: memref<!tpu.dma_semaphore, #tpu.memory_space<semaphore_mem>>) attributes {dimension_semantics = [#tpu.dimension_semantics<core_parallel>, #tpu.dimension_semantics<subcore_parallel>], iteration_bounds = array<i64: 2, 16>, scalar_prefetch = 0 : i64, scratch_operands = 11 : i64, tpu.core_type = #tpu.core_type<sc_vector_subcore>, window_params = [{transform_indices = #map}, {transform_indices = #map}, {transform_indices = #map1}]} {
    %mul3A = arith.constant 2 : i32
    %mul3A_0 = arith.muli %arg1, %mul3A : i32
    %add3A = arith.addi %mul3A_0, %arg0 : i32
    %mul3A_1 = arith.constant 512 : i32
    %mul3A_2 = arith.muli %add3A, %mul3A_1 : i32
    %mul3A_3 = arith.constant 4 : i32
    %mul3A_4 = arith.muli %add3A, %mul3A_3 : i32
    %iota3A = tpu.iota {dimensions = array<i32: 0>} : vector<16xi32>
    %parallel_loop3A = arith.constant 0 : i32
    %parallel_loop3A_5 = arith.constant 64 : i32
    %parallel_loop3A_6 = arith.constant 1 : i32
    scf.for %parallel_loop3A_157 = %parallel_loop3A to %parallel_loop3A_5 step %parallel_loop3A_6  : i32 {
      %parallel_loop3A_158 = vector.broadcast %parallel_loop3A_157 : i32 to vector<16xi32>
      %parallel_loop3A_159 = arith.addi %parallel_loop3A_158, %iota3A : vector<16xi32>
      %parallel_loop3A_160 = arith.constant 63 : i32
      %parallel_loop3A_161 = vector.broadcast %parallel_loop3A_160 : i32 to vector<16xi32>
      %parallel_loop3A_162 = arith.andi %parallel_loop3A_159, %parallel_loop3A_161 : vector<16xi32>
      %parallel_loop3A_163 = arith.constant 16 : i32
      %parallel_loop3A_164 = arith.muli %parallel_loop3A_157, %parallel_loop3A_163 : i32
      %parallel_loop3A_165 = arith.index_cast %parallel_loop3A_164 : i32 to index
      %parallel_loop3A_166 = tpu.vector_load %arg10[%parallel_loop3A_165] {strides = array<i32>} : memref<1024xi32, #tpu.memory_space<vmem>>, vector<16xi32>,
      tpu.vector_store %arg10[%parallel_loop3A_165], %parallel_loop3A_162 {strides = array<i32>} : memref<1024xi32, #tpu.memory_space<vmem>>, vector<16xi32>,
      %parallel_loop3A_167 = arith.constant 3 : i32
      %parallel_loop3A_168 = vector.broadcast %parallel_loop3A_167 : i32 to vector<16xi32>
      %parallel_loop3A_169 = arith.shrsi %parallel_loop3A_162, %parallel_loop3A_168 : vector<16xi32>
      %parallel_loop3A_170 = arith.constant 11 : i32
      %parallel_loop3A_171 = vector.broadcast %parallel_loop3A_170 : i32 to vector<16xi32>
      %parallel_loop3A_172 = arith.shli %parallel_loop3A_169, %parallel_loop3A_171 : vector<16xi32>
      %parallel_loop3A_173 = arith.constant 7 : i32
      %parallel_loop3A_174 = vector.broadcast %parallel_loop3A_173 : i32 to vector<16xi32>
      %parallel_loop3A_175 = arith.andi %parallel_loop3A_162, %parallel_loop3A_174 : vector<16xi32>
      %parallel_loop3A_176 = arith.constant 7 : i32
      %parallel_loop3A_177 = vector.broadcast %parallel_loop3A_176 : i32 to vector<16xi32>
      %parallel_loop3A_178 = arith.shli %parallel_loop3A_175, %parallel_loop3A_177 : vector<16xi32>
      %parallel_loop3A_179 = arith.addi %parallel_loop3A_172, %parallel_loop3A_178 : vector<16xi32>
      %parallel_loop3A_180 = arith.addi %parallel_loop3A_179, %iota3A : vector<16xi32>
      %parallel_loop3A_181 = arith.constant 16 : i32
      %parallel_loop3A_182 = arith.muli %parallel_loop3A_157, %parallel_loop3A_181 : i32
      %parallel_loop3A_183 = arith.index_cast %parallel_loop3A_182 : i32 to index
      %parallel_loop3A_184 = tpu.vector_load %arg11[%parallel_loop3A_183] {strides = array<i32>} : memref<1024xi32, #tpu.memory_space<vmem>>, vector<16xi32>,
      tpu.vector_store %arg11[%parallel_loop3A_183], %parallel_loop3A_180 {strides = array<i32>} : memref<1024xi32, #tpu.memory_space<vmem>>, vector<16xi32>,
    } {sc.loop_unroll_factor = 2 : i64, sc.parallel_access}
    "tpu.region"() ({
      %run_scoped3A = tpu.sem_alloc : memref<!tpu.dma_semaphore, #tpu.memory_space<semaphore_mem>>
      %dma_start3A_157 = arith.constant 0 : i32
      %dma_start3A_158 = tpu.memref_slice %arg2[%dma_start3A_157, %mul3A_2] : memref<50x16384xi32, #tpu.memory_space<hbm>> -> memref<50x512xi32, #tpu.memory_space<hbm>>
      %dma_start3A_159 = arith.constant 0 : i32
      %dma_start3A_160 = tpu.memref_slice %arg2[%dma_start3A_159, %mul3A_2] : memref<50x16384xi32, #tpu.memory_space<hbm>> -> memref<50x512xi32, #tpu.memory_space<hbm>>
      tpu.enqueue_dma source(%dma_start3A_160 : memref<50x512xi32, #tpu.memory_space<hbm>>) target(%arg5 : memref<50x512xi32, #tpu.memory_space<vmem>>) target_semaphore(%run_scoped3A : memref<!tpu.dma_semaphore, #tpu.memory_space<semaphore_mem>>)
      %dma_wait3A_161 = arith.constant 0 : i32
      %dma_wait3A_162 = tpu.memref_slice %arg2[%dma_wait3A_161, %mul3A_2] : memref<50x16384xi32, #tpu.memory_space<hbm>> -> memref<50x512xi32, #tpu.memory_space<hbm>>
      %dma_wait3A_163 = arith.constant 0 : i32
      %dma_wait3A_164 = tpu.memref_slice %arg2[%dma_wait3A_163, %mul3A_2] : memref<50x16384xi32, #tpu.memory_space<hbm>> -> memref<50x512xi32, #tpu.memory_space<hbm>>
      tpu.wait_dma2 semaphore(%run_scoped3A : memref<!tpu.dma_semaphore, #tpu.memory_space<semaphore_mem>>) src(%dma_wait3A_164 : memref<50x512xi32, #tpu.memory_space<hbm>>) dst(%arg5 : memref<50x512xi32, #tpu.memory_space<vmem>>)
      tpu.yield
    }) : () -> ()
    %dma_start3A = arith.constant 0 : i32
    %dma_start3A_7 = arith.constant 0 : i32
    %dma_start3A_8 = tpu.memref_slice %arg5[%dma_start3A, %dma_start3A_7] : memref<50x512xi32, #tpu.memory_space<vmem>> -> memref<1x256xi32, #tpu.memory_space<vmem>>
    %dma_start3A_9 = tpu.memref_squeeze %dma_start3A_8 : memref<1x256xi32, #tpu.memory_space<vmem>> -> memref<256xi32, #tpu.memory_space<vmem>>
    %dma_start3A_10 = arith.constant 0 : i32
    %dma_start3A_11 = arith.constant 0 : i32
    %dma_start3A_12 = tpu.memref_slice %arg3[%dma_start3A_10, %dma_start3A_11] : memref<1000000x64xf32, #tpu.memory_space<hbm>> -> memref<1000000x64xf32, #tpu.memory_space<hbm>>
    tpu.enqueue_indirect_dma source(%dma_start3A_12 : memref<1000000x64xf32, #tpu.memory_space<hbm>>) target(%arg6 : memref<256x64xf32, #tpu.memory_space<vmem>>) offsets(%dma_start3A_9 : memref<256xi32, #tpu.memory_space<vmem>>) semaphore(%arg12 : memref<!tpu.dma_semaphore, #tpu.memory_space<semaphore_mem>>)
    %scan3A = arith.constant 0 : i32
    %scan3A_13 = arith.constant 0 : i32
    %scan3A_14 = arith.constant 50 : i32
    %scan3A_15 = arith.addi %scan3A_13, %scan3A_14 : i32
    %scan3A_16 = arith.constant 1 : i32
    scf.for %scan3A_157 = %scan3A_13 to %scan3A_15 step %scan3A_16  : i32 {
      %dma_wait3A_158 = arith.constant 0 : i32
      %dma_wait3A_159 = tpu.memref_slice %arg5[%scan3A_157, %dma_wait3A_158] : memref<50x512xi32, #tpu.memory_space<vmem>> -> memref<1x256xi32, #tpu.memory_space<vmem>>
      %dma_wait3A_160 = tpu.memref_squeeze %dma_wait3A_159 : memref<1x256xi32, #tpu.memory_space<vmem>> -> memref<256xi32, #tpu.memory_space<vmem>>
      %dma_wait3A_161 = arith.constant 0 : i32
      %dma_wait3A_162 = arith.constant 0 : i32
      %dma_wait3A_163 = tpu.memref_slice %arg3[%dma_wait3A_161, %dma_wait3A_162] : memref<1000000x64xf32, #tpu.memory_space<hbm>> -> memref<1000000x64xf32, #tpu.memory_space<hbm>>
      tpu.wait_indirect_dma semaphore(%arg12 : memref<!tpu.dma_semaphore, #tpu.memory_space<semaphore_mem>>) src(%dma_wait3A_163 : memref<1000000x64xf32, #tpu.memory_space<hbm>>) dst(%arg6 : memref<256x64xf32, #tpu.memory_space<vmem>>)
      %dma_start3A_164 = arith.constant 256 : i32
      %dma_start3A_165 = tpu.memref_slice %arg5[%scan3A_157, %dma_start3A_164] : memref<50x512xi32, #tpu.memory_space<vmem>> -> memref<1x256xi32, #tpu.memory_space<vmem>>
      %dma_start3A_166 = tpu.memref_squeeze %dma_start3A_165 : memref<1x256xi32, #tpu.memory_space<vmem>> -> memref<256xi32, #tpu.memory_space<vmem>>
      %dma_start3A_167 = arith.constant 0 : i32
      %dma_start3A_168 = arith.constant 0 : i32
      %dma_start3A_169 = tpu.memref_slice %arg3[%dma_start3A_167, %dma_start3A_168] : memref<1000000x64xf32, #tpu.memory_space<hbm>> -> memref<1000000x64xf32, #tpu.memory_space<hbm>>
      tpu.enqueue_indirect_dma source(%dma_start3A_169 : memref<1000000x64xf32, #tpu.memory_space<hbm>>) target(%arg7 : memref<256x64xf32, #tpu.memory_space<vmem>>) offsets(%dma_start3A_166 : memref<256xi32, #tpu.memory_space<vmem>>) semaphore(%arg13 : memref<!tpu.dma_semaphore, #tpu.memory_space<semaphore_mem>>)
      %ge3A = arith.constant 1 : i32
      %ge3A_170 = arith.cmpi sge, %scan3A_157, %ge3A : i32
      %convert_element_type3A = arith.extui %ge3A_170 : i1 to i32
      %cond3A = arith.constant 0 : i32
      %cond3A_171 = arith.cmpi ne, %convert_element_type3A, %cond3A : i32
      scf.if %cond3A_171 {
        %sub3A = arith.constant 1 : i32
        %sub3A_343 = arith.subi %scan3A_157, %sub3A : i32
        %mul3A_344 = arith.constant 1048576 : i32
        %mul3A_345 = arith.muli %sub3A_343, %mul3A_344 : i32
        %add3A_346 = arith.constant 0 : i32
        %add3A_347 = arith.addi %mul3A_4, %add3A_346 : i32
        %mul3A_348 = arith.constant 1024 : i32
        %mul3A_349 = arith.muli %add3A_347, %mul3A_348 : i32
        %add3A_350 = arith.addi %mul3A_345, %mul3A_349 : i32
        %add3A_351 = arith.constant 0 : i32
        %add3A_352 = arith.addi %add3A_350, %add3A_351 : i32
        %add3A_353 = arith.constant 131072 : i32
        %add3A_354 = arith.addi %add3A_350, %add3A_353 : i32
        %add3A_355 = arith.constant 262144 : i32
        %add3A_356 = arith.addi %add3A_350, %add3A_355 : i32
        %add3A_357 = arith.constant 393216 : i32
        %add3A_358 = arith.addi %add3A_350, %add3A_357 : i32
        %add3A_359 = arith.constant 524288 : i32
        %add3A_360 = arith.addi %add3A_350, %add3A_359 : i32
        %add3A_361 = arith.constant 655360 : i32
        %add3A_362 = arith.addi %add3A_350, %add3A_361 : i32
        %add3A_363 = arith.constant 786432 : i32
        %add3A_364 = arith.addi %add3A_350, %add3A_363 : i32
        %add3A_365 = arith.constant 917504 : i32
        %add3A_366 = arith.addi %add3A_350, %add3A_365 : i32
        %dma_wait3A_367 = arith.constant 0 : i32
        %dma_wait3A_368 = tpu.memref_slice %arg8[%dma_wait3A_367] : memref<16384xf32, #tpu.memory_space<vmem>> -> memref<2048xf32, #tpu.memory_space<vmem>>
        %dma_wait3A_369 = tpu.memref_slice %arg4[%add3A_352] : memref<52428800xf32, #tpu.memory_space<hbm>> -> memref<2048xf32, #tpu.memory_space<hbm>>
        %dma_wait3A_370 = tpu.memref_slice %arg4[%add3A_352] : memref<52428800xf32, #tpu.memory_space<hbm>> -> memref<2048xf32, #tpu.memory_space<hbm>>
        %dma_wait3A_371 = arith.constant 0 : i32
        %dma_wait3A_372 = tpu.memref_slice %arg8[%dma_wait3A_371] : memref<16384xf32, #tpu.memory_space<vmem>> -> memref<2048xf32, #tpu.memory_space<vmem>>
        tpu.wait_dma2 semaphore(%arg14 : memref<!tpu.dma_semaphore, #tpu.memory_space<semaphore_mem>>) src(%dma_wait3A_372 : memref<2048xf32, #tpu.memory_space<vmem>>) dst(%dma_wait3A_370 : memref<2048xf32, #tpu.memory_space<hbm>>)
        %dma_wait3A_373 = arith.constant 2048 : i32
        %dma_wait3A_374 = tpu.memref_slice %arg8[%dma_wait3A_373] : memref<16384xf32, #tpu.memory_space<vmem>> -> memref<2048xf32, #tpu.memory_space<vmem>>
        %dma_wait3A_375 = tpu.memref_slice %arg4[%add3A_354] : memref<52428800xf32, #tpu.memory_space<hbm>> -> memref<2048xf32, #tpu.memory_space<hbm>>
        %dma_wait3A_376 = tpu.memref_slice %arg4[%add3A_354] : memref<52428800xf32, #tpu.memory_space<hbm>> -> memref<2048xf32, #tpu.memory_space<hbm>>
        %dma_wait3A_377 = arith.constant 2048 : i32
        %dma_wait3A_378 = tpu.memref_slice %arg8[%dma_wait3A_377] : memref<16384xf32, #tpu.memory_space<vmem>> -> memref<2048xf32, #tpu.memory_space<vmem>>
        tpu.wait_dma2 semaphore(%arg14 : memref<!tpu.dma_semaphore, #tpu.memory_space<semaphore_mem>>) src(%dma_wait3A_378 : memref<2048xf32, #tpu.memory_space<vmem>>) dst(%dma_wait3A_376 : memref<2048xf32, #tpu.memory_space<hbm>>)
        %dma_wait3A_379 = arith.constant 4096 : i32
        %dma_wait3A_380 = tpu.memref_slice %arg8[%dma_wait3A_379] : memref<16384xf32, #tpu.memory_space<vmem>> -> memref<2048xf32, #tpu.memory_space<vmem>>
        %dma_wait3A_381 = tpu.memref_slice %arg4[%add3A_356] : memref<52428800xf32, #tpu.memory_space<hbm>> -> memref<2048xf32, #tpu.memory_space<hbm>>
        %dma_wait3A_382 = tpu.memref_slice %arg4[%add3A_356] : memref<52428800xf32, #tpu.memory_space<hbm>> -> memref<2048xf32, #tpu.memory_space<hbm>>
        %dma_wait3A_383 = arith.constant 4096 : i32
        %dma_wait3A_384 = tpu.memref_slice %arg8[%dma_wait3A_383] : memref<16384xf32, #tpu.memory_space<vmem>> -> memref<2048xf32, #tpu.memory_space<vmem>>
        tpu.wait_dma2 semaphore(%arg14 : memref<!tpu.dma_semaphore, #tpu.memory_space<semaphore_mem>>) src(%dma_wait3A_384 : memref<2048xf32, #tpu.memory_space<vmem>>) dst(%dma_wait3A_382 : memref<2048xf32, #tpu.memory_space<hbm>>)
        %dma_wait3A_385 = arith.constant 6144 : i32
        %dma_wait3A_386 = tpu.memref_slice %arg8[%dma_wait3A_385] : memref<16384xf32, #tpu.memory_space<vmem>> -> memref<2048xf32, #tpu.memory_space<vmem>>
        %dma_wait3A_387 = tpu.memref_slice %arg4[%add3A_358] : memref<52428800xf32, #tpu.memory_space<hbm>> -> memref<2048xf32, #tpu.memory_space<hbm>>
        %dma_wait3A_388 = tpu.memref_slice %arg4[%add3A_358] : memref<52428800xf32, #tpu.memory_space<hbm>> -> memref<2048xf32, #tpu.memory_space<hbm>>
        %dma_wait3A_389 = arith.constant 6144 : i32
        %dma_wait3A_390 = tpu.memref_slice %arg8[%dma_wait3A_389] : memref<16384xf32, #tpu.memory_space<vmem>> -> memref<2048xf32, #tpu.memory_space<vmem>>
        tpu.wait_dma2 semaphore(%arg14 : memref<!tpu.dma_semaphore, #tpu.memory_space<semaphore_mem>>) src(%dma_wait3A_390 : memref<2048xf32, #tpu.memory_space<vmem>>) dst(%dma_wait3A_388 : memref<2048xf32, #tpu.memory_space<hbm>>)
        %dma_wait3A_391 = arith.constant 8192 : i32
        %dma_wait3A_392 = tpu.memref_slice %arg8[%dma_wait3A_391] : memref<16384xf32, #tpu.memory_space<vmem>> -> memref<2048xf32, #tpu.memory_space<vmem>>
        %dma_wait3A_393 = tpu.memref_slice %arg4[%add3A_360] : memref<52428800xf32, #tpu.memory_space<hbm>> -> memref<2048xf32, #tpu.memory_space<hbm>>
        %dma_wait3A_394 = tpu.memref_slice %arg4[%add3A_360] : memref<52428800xf32, #tpu.memory_space<hbm>> -> memref<2048xf32, #tpu.memory_space<hbm>>
        %dma_wait3A_395 = arith.constant 8192 : i32
        %dma_wait3A_396 = tpu.memref_slice %arg8[%dma_wait3A_395] : memref<16384xf32, #tpu.memory_space<vmem>> -> memref<2048xf32, #tpu.memory_space<vmem>>
        tpu.wait_dma2 semaphore(%arg14 : memref<!tpu.dma_semaphore, #tpu.memory_space<semaphore_mem>>) src(%dma_wait3A_396 : memref<2048xf32, #tpu.memory_space<vmem>>) dst(%dma_wait3A_394 : memref<2048xf32, #tpu.memory_space<hbm>>)
        %dma_wait3A_397 = arith.constant 10240 : i32
        %dma_wait3A_398 = tpu.memref_slice %arg8[%dma_wait3A_397] : memref<16384xf32, #tpu.memory_space<vmem>> -> memref<2048xf32, #tpu.memory_space<vmem>>
        %dma_wait3A_399 = tpu.memref_slice %arg4[%add3A_362] : memref<52428800xf32, #tpu.memory_space<hbm>> -> memref<2048xf32, #tpu.memory_space<hbm>>
        %dma_wait3A_400 = tpu.memref_slice %arg4[%add3A_362] : memref<52428800xf32, #tpu.memory_space<hbm>> -> memref<2048xf32, #tpu.memory_space<hbm>>
        %dma_wait3A_401 = arith.constant 10240 : i32
        %dma_wait3A_402 = tpu.memref_slice %arg8[%dma_wait3A_401] : memref<16384xf32, #tpu.memory_space<vmem>> -> memref<2048xf32, #tpu.memory_space<vmem>>
        tpu.wait_dma2 semaphore(%arg14 : memref<!tpu.dma_semaphore, #tpu.memory_space<semaphore_mem>>) src(%dma_wait3A_402 : memref<2048xf32, #tpu.memory_space<vmem>>) dst(%dma_wait3A_400 : memref<2048xf32, #tpu.memory_space<hbm>>)
        %dma_wait3A_403 = arith.constant 12288 : i32
        %dma_wait3A_404 = tpu.memref_slice %arg8[%dma_wait3A_403] : memref<16384xf32, #tpu.memory_space<vmem>> -> memref<2048xf32, #tpu.memory_space<vmem>>
        %dma_wait3A_405 = tpu.memref_slice %arg4[%add3A_364] : memref<52428800xf32, #tpu.memory_space<hbm>> -> memref<2048xf32, #tpu.memory_space<hbm>>
        %dma_wait3A_406 = tpu.memref_slice %arg4[%add3A_364] : memref<52428800xf32, #tpu.memory_space<hbm>> -> memref<2048xf32, #tpu.memory_space<hbm>>
        %dma_wait3A_407 = arith.constant 12288 : i32
        %dma_wait3A_408 = tpu.memref_slice %arg8[%dma_wait3A_407] : memref<16384xf32, #tpu.memory_space<vmem>> -> memref<2048xf32, #tpu.memory_space<vmem>>
        tpu.wait_dma2 semaphore(%arg14 : memref<!tpu.dma_semaphore, #tpu.memory_space<semaphore_mem>>) src(%dma_wait3A_408 : memref<2048xf32, #tpu.memory_space<vmem>>) dst(%dma_wait3A_406 : memref<2048xf32, #tpu.memory_space<hbm>>)
        %dma_wait3A_409 = arith.constant 14336 : i32
        %dma_wait3A_410 = tpu.memref_slice %arg8[%dma_wait3A_409] : memref<16384xf32, #tpu.memory_space<vmem>> -> memref<2048xf32, #tpu.memory_space<vmem>>
        %dma_wait3A_411 = tpu.memref_slice %arg4[%add3A_366] : memref<52428800xf32, #tpu.memory_space<hbm>> -> memref<2048xf32, #tpu.memory_space<hbm>>
        %dma_wait3A_412 = tpu.memref_slice %arg4[%add3A_366] : memref<52428800xf32, #tpu.memory_space<hbm>> -> memref<2048xf32, #tpu.memory_space<hbm>>
        %dma_wait3A_413 = arith.constant 14336 : i32
        %dma_wait3A_414 = tpu.memref_slice %arg8[%dma_wait3A_413] : memref<16384xf32, #tpu.memory_space<vmem>> -> memref<2048xf32, #tpu.memory_space<vmem>>
        tpu.wait_dma2 semaphore(%arg14 : memref<!tpu.dma_semaphore, #tpu.memory_space<semaphore_mem>>) src(%dma_wait3A_414 : memref<2048xf32, #tpu.memory_space<vmem>>) dst(%dma_wait3A_412 : memref<2048xf32, #tpu.memory_space<hbm>>)
      } else {
      }
      %iota3A_172 = tpu.iota {dimensions = array<i32: 0>} : vector<16xi32>
      %parallel_loop3A_173 = arith.constant 0 : i32
      %parallel_loop3A_174 = arith.constant 64 : i32
      %parallel_loop3A_175 = arith.constant 1 : i32
      scf.for %parallel_loop3A_343 = %parallel_loop3A_173 to %parallel_loop3A_174 step %parallel_loop3A_175  : i32 {
        %parallel_loop3A_344 = arith.constant 16 : i32
        %parallel_loop3A_345 = arith.muli %parallel_loop3A_343, %parallel_loop3A_344 : i32
        %parallel_loop3A_346 = arith.index_cast %parallel_loop3A_345 : i32 to index
        %parallel_loop3A_347 = tpu.vector_load %arg10[%parallel_loop3A_346] {strides = array<i32>} : memref<1024xi32, #tpu.memory_space<vmem>>, vector<16xi32>,
        %parallel_loop3A_348 = arith.constant 16 : i32
        %parallel_loop3A_349 = arith.muli %parallel_loop3A_343, %parallel_loop3A_348 : i32
        %parallel_loop3A_350 = arith.index_cast %parallel_loop3A_349 : i32 to index
        %parallel_loop3A_351 = tpu.vector_load %arg11[%parallel_loop3A_350] {strides = array<i32>} : memref<1024xi32, #tpu.memory_space<vmem>>, vector<16xi32>,
        %parallel_loop3A_352 = arith.constant 0 : i32
        %parallel_loop3A_353 = vector.broadcast %parallel_loop3A_352 : i32 to vector<16xi32>
        %parallel_loop3A_354 = arith.addi %iota3A_172, %parallel_loop3A_353 : vector<16xi32>
        %parallel_loop3A_355 = tpu.vector_load_idx %arg6[%parallel_loop3A_354, %parallel_loop3A_347] : memref<256x64xf32, #tpu.memory_space<vmem>>[vector<16xi32>, vector<16xi32>], vector<16xf32>,
        %parallel_loop3A_356 = arith.constant 0 : i32
        %parallel_loop3A_357 = vector.broadcast %parallel_loop3A_356 : i32 to vector<16xi32>
        %parallel_loop3A_358 = arith.addi %parallel_loop3A_351, %parallel_loop3A_357 : vector<16xi32>
        %parallel_loop3A_359 = arith.constant 8.000000e+00 : f32
        %parallel_loop3A_360 = vector.broadcast %parallel_loop3A_359 : f32 to vector<16xf32>
        %parallel_loop3A_361 = arith.mulf %parallel_loop3A_355, %parallel_loop3A_360 : vector<16xf32>
        tpu.vector_store_idx %arg8[%parallel_loop3A_358], %parallel_loop3A_361 : memref<16384xf32, #tpu.memory_space<vmem>>[vector<16xi32>], vector<16xf32>,
        %parallel_loop3A_362 = arith.constant 16 : i32
        %parallel_loop3A_363 = vector.broadcast %parallel_loop3A_362 : i32 to vector<16xi32>
        %parallel_loop3A_364 = arith.addi %iota3A_172, %parallel_loop3A_363 : vector<16xi32>
        %parallel_loop3A_365 = tpu.vector_load_idx %arg6[%parallel_loop3A_364, %parallel_loop3A_347] : memref<256x64xf32, #tpu.memory_space<vmem>>[vector<16xi32>, vector<16xi32>], vector<16xf32>,
        %parallel_loop3A_366 = arith.constant 16 : i32
        %parallel_loop3A_367 = vector.broadcast %parallel_loop3A_366 : i32 to vector<16xi32>
        %parallel_loop3A_368 = arith.addi %parallel_loop3A_351, %parallel_loop3A_367 : vector<16xi32>
        %parallel_loop3A_369 = arith.constant 8.000000e+00 : f32
        %parallel_loop3A_370 = vector.broadcast %parallel_loop3A_369 : f32 to vector<16xf32>
        %parallel_loop3A_371 = arith.mulf %parallel_loop3A_365, %parallel_loop3A_370 : vector<16xf32>
        tpu.vector_store_idx %arg8[%parallel_loop3A_368], %parallel_loop3A_371 : memref<16384xf32, #tpu.memory_space<vmem>>[vector<16xi32>], vector<16xf32>,
        %parallel_loop3A_372 = arith.constant 32 : i32
        %parallel_loop3A_373 = vector.broadcast %parallel_loop3A_372 : i32 to vector<16xi32>
        %parallel_loop3A_374 = arith.addi %iota3A_172, %parallel_loop3A_373 : vector<16xi32>
        %parallel_loop3A_375 = tpu.vector_load_idx %arg6[%parallel_loop3A_374, %parallel_loop3A_347] : memref<256x64xf32, #tpu.memory_space<vmem>>[vector<16xi32>, vector<16xi32>], vector<16xf32>,
        %parallel_loop3A_376 = arith.constant 32 : i32
        %parallel_loop3A_377 = vector.broadcast %parallel_loop3A_376 : i32 to vector<16xi32>
        %parallel_loop3A_378 = arith.addi %parallel_loop3A_351, %parallel_loop3A_377 : vector<16xi32>
        %parallel_loop3A_379 = arith.constant 8.000000e+00 : f32
        %parallel_loop3A_380 = vector.broadcast %parallel_loop3A_379 : f32 to vector<16xf32>
        %parallel_loop3A_381 = arith.mulf %parallel_loop3A_375, %parallel_loop3A_380 : vector<16xf32>
        tpu.vector_store_idx %arg8[%parallel_loop3A_378], %parallel_loop3A_381 : memref<16384xf32, #tpu.memory_space<vmem>>[vector<16xi32>], vector<16xf32>,
        %parallel_loop3A_382 = arith.constant 48 : i32
        %parallel_loop3A_383 = vector.broadcast %parallel_loop3A_382 : i32 to vector<16xi32>
        %parallel_loop3A_384 = arith.addi %iota3A_172, %parallel_loop3A_383 : vector<16xi32>
        %parallel_loop3A_385 = tpu.vector_load_idx %arg6[%parallel_loop3A_384, %parallel_loop3A_347] : memref<256x64xf32, #tpu.memory_space<vmem>>[vector<16xi32>, vector<16xi32>], vector<16xf32>,
        %parallel_loop3A_386 = arith.constant 48 : i32
        %parallel_loop3A_387 = vector.broadcast %parallel_loop3A_386 : i32 to vector<16xi32>
        %parallel_loop3A_388 = arith.addi %parallel_loop3A_351, %parallel_loop3A_387 : vector<16xi32>
        %parallel_loop3A_389 = arith.constant 8.000000e+00 : f32
        %parallel_loop3A_390 = vector.broadcast %parallel_loop3A_389 : f32 to vector<16xf32>
        %parallel_loop3A_391 = arith.mulf %parallel_loop3A_385, %parallel_loop3A_390 : vector<16xf32>
        tpu.vector_store_idx %arg8[%parallel_loop3A_388], %parallel_loop3A_391 : memref<16384xf32, #tpu.memory_space<vmem>>[vector<16xi32>], vector<16xf32>,
        %parallel_loop3A_392 = arith.constant 64 : i32
        %parallel_loop3A_393 = vector.broadcast %parallel_loop3A_392 : i32 to vector<16xi32>
        %parallel_loop3A_394 = arith.addi %iota3A_172, %parallel_loop3A_393 : vector<16xi32>
        %parallel_loop3A_395 = tpu.vector_load_idx %arg6[%parallel_loop3A_394, %parallel_loop3A_347] : memref<256x64xf32, #tpu.memory_space<vmem>>[vector<16xi32>, vector<16xi32>], vector<16xf32>,
        %parallel_loop3A_396 = arith.constant 64 : i32
        %parallel_loop3A_397 = vector.broadcast %parallel_loop3A_396 : i32 to vector<16xi32>
        %parallel_loop3A_398 = arith.addi %parallel_loop3A_351, %parallel_loop3A_397 : vector<16xi32>
        %parallel_loop3A_399 = arith.constant 8.000000e+00 : f32
        %parallel_loop3A_400 = vector.broadcast %parallel_loop3A_399 : f32 to vector<16xf32>
        %parallel_loop3A_401 = arith.mulf %parallel_loop3A_395, %parallel_loop3A_400 : vector<16xf32>
        tpu.vector_store_idx %arg8[%parallel_loop3A_398], %parallel_loop3A_401 : memref<16384xf32, #tpu.memory_space<vmem>>[vector<16xi32>], vector<16xf32>,
        %parallel_loop3A_402 = arith.constant 80 : i32
        %parallel_loop3A_403 = vector.broadcast %parallel_loop3A_402 : i32 to vector<16xi32>
        %parallel_loop3A_404 = arith.addi %iota3A_172, %parallel_loop3A_403 : vector<16xi32>
        %parallel_loop3A_405 = tpu.vector_load_idx %arg6[%parallel_loop3A_404, %parallel_loop3A_347] : memref<256x64xf32, #tpu.memory_space<vmem>>[vector<16xi32>, vector<16xi32>], vector<16xf32>,
        %parallel_loop3A_406 = arith.constant 80 : i32
        %parallel_loop3A_407 = vector.broadcast %parallel_loop3A_406 : i32 to vector<16xi32>
        %parallel_loop3A_408 = arith.addi %parallel_loop3A_351, %parallel_loop3A_407 : vector<16xi32>
        %parallel_loop3A_409 = arith.constant 8.000000e+00 : f32
        %parallel_loop3A_410 = vector.broadcast %parallel_loop3A_409 : f32 to vector<16xf32>
        %parallel_loop3A_411 = arith.mulf %parallel_loop3A_405, %parallel_loop3A_410 : vector<16xf32>
        tpu.vector_store_idx %arg8[%parallel_loop3A_408], %parallel_loop3A_411 : memref<16384xf32, #tpu.memory_space<vmem>>[vector<16xi32>], vector<16xf32>,
        %parallel_loop3A_412 = arith.constant 96 : i32
        %parallel_loop3A_413 = vector.broadcast %parallel_loop3A_412 : i32 to vector<16xi32>
        %parallel_loop3A_414 = arith.addi %iota3A_172, %parallel_loop3A_413 : vector<16xi32>
        %parallel_loop3A_415 = tpu.vector_load_idx %arg6[%parallel_loop3A_414, %parallel_loop3A_347] : memref<256x64xf32, #tpu.memory_space<vmem>>[vector<16xi32>, vector<16xi32>], vector<16xf32>,
        %parallel_loop3A_416 = arith.constant 96 : i32
        %parallel_loop3A_417 = vector.broadcast %parallel_loop3A_416 : i32 to vector<16xi32>
        %parallel_loop3A_418 = arith.addi %parallel_loop3A_351, %parallel_loop3A_417 : vector<16xi32>
        %parallel_loop3A_419 = arith.constant 8.000000e+00 : f32
        %parallel_loop3A_420 = vector.broadcast %parallel_loop3A_419 : f32 to vector<16xf32>
        %parallel_loop3A_421 = arith.mulf %parallel_loop3A_415, %parallel_loop3A_420 : vector<16xf32>
        tpu.vector_store_idx %arg8[%parallel_loop3A_418], %parallel_loop3A_421 : memref<16384xf32, #tpu.memory_space<vmem>>[vector<16xi32>], vector<16xf32>,
        %parallel_loop3A_422 = arith.constant 112 : i32
        %parallel_loop3A_423 = vector.broadcast %parallel_loop3A_422 : i32 to vector<16xi32>
        %parallel_loop3A_424 = arith.addi %iota3A_172, %parallel_loop3A_423 : vector<16xi32>
        %parallel_loop3A_425 = tpu.vector_load_idx %arg6[%parallel_loop3A_424, %parallel_loop3A_347] : memref<256x64xf32, #tpu.memory_space<vmem>>[vector<16xi32>, vector<16xi32>], vector<16xf32>,
        %parallel_loop3A_426 = arith.constant 112 : i32
        %parallel_loop3A_427 = vector.broadcast %parallel_loop3A_426 : i32 to vector<16xi32>
        %parallel_loop3A_428 = arith.addi %parallel_loop3A_351, %parallel_loop3A_427 : vector<16xi32>
        %parallel_loop3A_429 = arith.constant 8.000000e+00 : f32
        %parallel_loop3A_430 = vector.broadcast %parallel_loop3A_429 : f32 to vector<16xf32>
        %parallel_loop3A_431 = arith.mulf %parallel_loop3A_425, %parallel_loop3A_430 : vector<16xf32>
        tpu.vector_store_idx %arg8[%parallel_loop3A_428], %parallel_loop3A_431 : memref<16384xf32, #tpu.memory_space<vmem>>[vector<16xi32>], vector<16xf32>,
      } {sc.loop_unroll_factor = 2 : i64, sc.parallel_access}
      %parallel_loop3A_176 = arith.constant 0 : i32
      %parallel_loop3A_177 = arith.constant 64 : i32
      %parallel_loop3A_178 = arith.constant 1 : i32
      scf.for %parallel_loop3A_343 = %parallel_loop3A_176 to %parallel_loop3A_177 step %parallel_loop3A_178  : i32 {
        %parallel_loop3A_344 = arith.constant 16 : i32
        %parallel_loop3A_345 = arith.muli %parallel_loop3A_343, %parallel_loop3A_344 : i32
        %parallel_loop3A_346 = arith.index_cast %parallel_loop3A_345 : i32 to index
        %parallel_loop3A_347 = tpu.vector_load %arg10[%parallel_loop3A_346] {strides = array<i32>} : memref<1024xi32, #tpu.memory_space<vmem>>, vector<16xi32>,
        %parallel_loop3A_348 = arith.constant 16 : i32
        %parallel_loop3A_349 = arith.muli %parallel_loop3A_343, %parallel_loop3A_348 : i32
        %parallel_loop3A_350 = arith.index_cast %parallel_loop3A_349 : i32 to index
        %parallel_loop3A_351 = tpu.vector_load %arg11[%parallel_loop3A_350] {strides = array<i32>} : memref<1024xi32, #tpu.memory_space<vmem>>, vector<16xi32>,
        %parallel_loop3A_352 = arith.constant 128 : i32
        %parallel_loop3A_353 = vector.broadcast %parallel_loop3A_352 : i32 to vector<16xi32>
        %parallel_loop3A_354 = arith.addi %iota3A_172, %parallel_loop3A_353 : vector<16xi32>
        %parallel_loop3A_355 = tpu.vector_load_idx %arg6[%parallel_loop3A_354, %parallel_loop3A_347] : memref<256x64xf32, #tpu.memory_space<vmem>>[vector<16xi32>, vector<16xi32>], vector<16xf32>,
        %parallel_loop3A_356 = arith.constant 1024 : i32
        %parallel_loop3A_357 = vector.broadcast %parallel_loop3A_356 : i32 to vector<16xi32>
        %parallel_loop3A_358 = arith.addi %parallel_loop3A_351, %parallel_loop3A_357 : vector<16xi32>
        %parallel_loop3A_359 = arith.constant 8.000000e+00 : f32
        %parallel_loop3A_360 = vector.broadcast %parallel_loop3A_359 : f32 to vector<16xf32>
        %parallel_loop3A_361 = arith.mulf %parallel_loop3A_355, %parallel_loop3A_360 : vector<16xf32>
        tpu.vector_store_idx %arg8[%parallel_loop3A_358], %parallel_loop3A_361 : memref<16384xf32, #tpu.memory_space<vmem>>[vector<16xi32>], vector<16xf32>,
        %parallel_loop3A_362 = arith.constant 144 : i32
        %parallel_loop3A_363 = vector.broadcast %parallel_loop3A_362 : i32 to vector<16xi32>
        %parallel_loop3A_364 = arith.addi %iota3A_172, %parallel_loop3A_363 : vector<16xi32>
        %parallel_loop3A_365 = tpu.vector_load_idx %arg6[%parallel_loop3A_364, %parallel_loop3A_347] : memref<256x64xf32, #tpu.memory_space<vmem>>[vector<16xi32>, vector<16xi32>], vector<16xf32>,
        %parallel_loop3A_366 = arith.constant 1040 : i32
        %parallel_loop3A_367 = vector.broadcast %parallel_loop3A_366 : i32 to vector<16xi32>
        %parallel_loop3A_368 = arith.addi %parallel_loop3A_351, %parallel_loop3A_367 : vector<16xi32>
        %parallel_loop3A_369 = arith.constant 8.000000e+00 : f32
        %parallel_loop3A_370 = vector.broadcast %parallel_loop3A_369 : f32 to vector<16xf32>
        %parallel_loop3A_371 = arith.mulf %parallel_loop3A_365, %parallel_loop3A_370 : vector<16xf32>
        tpu.vector_store_idx %arg8[%parallel_loop3A_368], %parallel_loop3A_371 : memref<16384xf32, #tpu.memory_space<vmem>>[vector<16xi32>], vector<16xf32>,
        %parallel_loop3A_372 = arith.constant 160 : i32
        %parallel_loop3A_373 = vector.broadcast %parallel_loop3A_372 : i32 to vector<16xi32>
        %parallel_loop3A_374 = arith.addi %iota3A_172, %parallel_loop3A_373 : vector<16xi32>
        %parallel_loop3A_375 = tpu.vector_load_idx %arg6[%parallel_loop3A_374, %parallel_loop3A_347] : memref<256x64xf32, #tpu.memory_space<vmem>>[vector<16xi32>, vector<16xi32>], vector<16xf32>,
        %parallel_loop3A_376 = arith.constant 1056 : i32
        %parallel_loop3A_377 = vector.broadcast %parallel_loop3A_376 : i32 to vector<16xi32>
        %parallel_loop3A_378 = arith.addi %parallel_loop3A_351, %parallel_loop3A_377 : vector<16xi32>
        %parallel_loop3A_379 = arith.constant 8.000000e+00 : f32
        %parallel_loop3A_380 = vector.broadcast %parallel_loop3A_379 : f32 to vector<16xf32>
        %parallel_loop3A_381 = arith.mulf %parallel_loop3A_375, %parallel_loop3A_380 : vector<16xf32>
        tpu.vector_store_idx %arg8[%parallel_loop3A_378], %parallel_loop3A_381 : memref<16384xf32, #tpu.memory_space<vmem>>[vector<16xi32>], vector<16xf32>,
        %parallel_loop3A_382 = arith.constant 176 : i32
        %parallel_loop3A_383 = vector.broadcast %parallel_loop3A_382 : i32 to vector<16xi32>
        %parallel_loop3A_384 = arith.addi %iota3A_172, %parallel_loop3A_383 : vector<16xi32>
        %parallel_loop3A_385 = tpu.vector_load_idx %arg6[%parallel_loop3A_384, %parallel_loop3A_347] : memref<256x64xf32, #tpu.memory_space<vmem>>[vector<16xi32>, vector<16xi32>], vector<16xf32>,
        %parallel_loop3A_386 = arith.constant 1072 : i32
        %parallel_loop3A_387 = vector.broadcast %parallel_loop3A_386 : i32 to vector<16xi32>
        %parallel_loop3A_388 = arith.addi %parallel_loop3A_351, %parallel_loop3A_387 : vector<16xi32>
        %parallel_loop3A_389 = arith.constant 8.000000e+00 : f32
        %parallel_loop3A_390 = vector.broadcast %parallel_loop3A_389 : f32 to vector<16xf32>
        %parallel_loop3A_391 = arith.mulf %parallel_loop3A_385, %parallel_loop3A_390 : vector<16xf32>
        tpu.vector_store_idx %arg8[%parallel_loop3A_388], %parallel_loop3A_391 : memref<16384xf32, #tpu.memory_space<vmem>>[vector<16xi32>], vector<16xf32>,
        %parallel_loop3A_392 = arith.constant 192 : i32
        %parallel_loop3A_393 = vector.broadcast %parallel_loop3A_392 : i32 to vector<16xi32>
        %parallel_loop3A_394 = arith.addi %iota3A_172, %parallel_loop3A_393 : vector<16xi32>
        %parallel_loop3A_395 = tpu.vector_load_idx %arg6[%parallel_loop3A_394, %parallel_loop3A_347] : memref<256x64xf32, #tpu.memory_space<vmem>>[vector<16xi32>, vector<16xi32>], vector<16xf32>,
        %parallel_loop3A_396 = arith.constant 1088 : i32
        %parallel_loop3A_397 = vector.broadcast %parallel_loop3A_396 : i32 to vector<16xi32>
        %parallel_loop3A_398 = arith.addi %parallel_loop3A_351, %parallel_loop3A_397 : vector<16xi32>
        %parallel_loop3A_399 = arith.constant 8.000000e+00 : f32
        %parallel_loop3A_400 = vector.broadcast %parallel_loop3A_399 : f32 to vector<16xf32>
        %parallel_loop3A_401 = arith.mulf %parallel_loop3A_395, %parallel_loop3A_400 : vector<16xf32>
        tpu.vector_store_idx %arg8[%parallel_loop3A_398], %parallel_loop3A_401 : memref<16384xf32, #tpu.memory_space<vmem>>[vector<16xi32>], vector<16xf32>,
        %parallel_loop3A_402 = arith.constant 208 : i32
        %parallel_loop3A_403 = vector.broadcast %parallel_loop3A_402 : i32 to vector<16xi32>
        %parallel_loop3A_404 = arith.addi %iota3A_172, %parallel_loop3A_403 : vector<16xi32>
        %parallel_loop3A_405 = tpu.vector_load_idx %arg6[%parallel_loop3A_404, %parallel_loop3A_347] : memref<256x64xf32, #tpu.memory_space<vmem>>[vector<16xi32>, vector<16xi32>], vector<16xf32>,
        %parallel_loop3A_406 = arith.constant 1104 : i32
        %parallel_loop3A_407 = vector.broadcast %parallel_loop3A_406 : i32 to vector<16xi32>
        %parallel_loop3A_408 = arith.addi %parallel_loop3A_351, %parallel_loop3A_407 : vector<16xi32>
        %parallel_loop3A_409 = arith.constant 8.000000e+00 : f32
        %parallel_loop3A_410 = vector.broadcast %parallel_loop3A_409 : f32 to vector<16xf32>
        %parallel_loop3A_411 = arith.mulf %parallel_loop3A_405, %parallel_loop3A_410 : vector<16xf32>
        tpu.vector_store_idx %arg8[%parallel_loop3A_408], %parallel_loop3A_411 : memref<16384xf32, #tpu.memory_space<vmem>>[vector<16xi32>], vector<16xf32>,
        %parallel_loop3A_412 = arith.constant 224 : i32
        %parallel_loop3A_413 = vector.broadcast %parallel_loop3A_412 : i32 to vector<16xi32>
        %parallel_loop3A_414 = arith.addi %iota3A_172, %parallel_loop3A_413 : vector<16xi32>
        %parallel_loop3A_415 = tpu.vector_load_idx %arg6[%parallel_loop3A_414, %parallel_loop3A_347] : memref<256x64xf32, #tpu.memory_space<vmem>>[vector<16xi32>, vector<16xi32>], vector<16xf32>,
        %parallel_loop3A_416 = arith.constant 1120 : i32
        %parallel_loop3A_417 = vector.broadcast %parallel_loop3A_416 : i32 to vector<16xi32>
        %parallel_loop3A_418 = arith.addi %parallel_loop3A_351, %parallel_loop3A_417 : vector<16xi32>
        %parallel_loop3A_419 = arith.constant 8.000000e+00 : f32
        %parallel_loop3A_420 = vector.broadcast %parallel_loop3A_419 : f32 to vector<16xf32>
        %parallel_loop3A_421 = arith.mulf %parallel_loop3A_415, %parallel_loop3A_420 : vector<16xf32>
        tpu.vector_store_idx %arg8[%parallel_loop3A_418], %parallel_loop3A_421 : memref<16384xf32, #tpu.memory_space<vmem>>[vector<16xi32>], vector<16xf32>,
        %parallel_loop3A_422 = arith.constant 240 : i32
        %parallel_loop3A_423 = vector.broadcast %parallel_loop3A_422 : i32 to vector<16xi32>
        %parallel_loop3A_424 = arith.addi %iota3A_172, %parallel_loop3A_423 : vector<16xi32>
        %parallel_loop3A_425 = tpu.vector_load_idx %arg6[%parallel_loop3A_424, %parallel_loop3A_347] : memref<256x64xf32, #tpu.memory_space<vmem>>[vector<16xi32>, vector<16xi32>], vector<16xf32>,
        %parallel_loop3A_426 = arith.constant 1136 : i32
        %parallel_loop3A_427 = vector.broadcast %parallel_loop3A_426 : i32 to vector<16xi32>
        %parallel_loop3A_428 = arith.addi %parallel_loop3A_351, %parallel_loop3A_427 : vector<16xi32>
        %parallel_loop3A_429 = arith.constant 8.000000e+00 : f32
        %parallel_loop3A_430 = vector.broadcast %parallel_loop3A_429 : f32 to vector<16xf32>
        %parallel_loop3A_431 = arith.mulf %parallel_loop3A_425, %parallel_loop3A_430 : vector<16xf32>
        tpu.vector_store_idx %arg8[%parallel_loop3A_428], %parallel_loop3A_431 : memref<16384xf32, #tpu.memory_space<vmem>>[vector<16xi32>], vector<16xf32>,
      } {sc.loop_unroll_factor = 2 : i64, sc.parallel_access}
      %mul3A_179 = arith.constant 1048576 : i32
      %mul3A_180 = arith.muli %scan3A_157, %mul3A_179 : i32
      %add3A_181 = arith.constant 0 : i32
      %add3A_182 = arith.addi %mul3A_4, %add3A_181 : i32
      %mul3A_183 = arith.constant 1024 : i32
      %mul3A_184 = arith.muli %add3A_182, %mul3A_183 : i32
      %add3A_185 = arith.addi %mul3A_180, %mul3A_184 : i32
      %add3A_186 = arith.constant 0 : i32
      %add3A_187 = arith.addi %add3A_185, %add3A_186 : i32
      %add3A_188 = arith.constant 131072 : i32
      %add3A_189 = arith.addi %add3A_185, %add3A_188 : i32
      %add3A_190 = arith.constant 262144 : i32
      %add3A_191 = arith.addi %add3A_185, %add3A_190 : i32
      %add3A_192 = arith.constant 393216 : i32
      %add3A_193 = arith.addi %add3A_185, %add3A_192 : i32
      %add3A_194 = arith.constant 524288 : i32
      %add3A_195 = arith.addi %add3A_185, %add3A_194 : i32
      %add3A_196 = arith.constant 655360 : i32
      %add3A_197 = arith.addi %add3A_185, %add3A_196 : i32
      %add3A_198 = arith.constant 786432 : i32
      %add3A_199 = arith.addi %add3A_185, %add3A_198 : i32
      %add3A_200 = arith.constant 917504 : i32
      %add3A_201 = arith.addi %add3A_185, %add3A_200 : i32
      %dma_start3A_202 = arith.constant 0 : i32
      %dma_start3A_203 = tpu.memref_slice %arg8[%dma_start3A_202] : memref<16384xf32, #tpu.memory_space<vmem>> -> memref<2048xf32, #tpu.memory_space<vmem>>
      %dma_start3A_204 = tpu.memref_slice %arg4[%add3A_187] : memref<52428800xf32, #tpu.memory_space<hbm>> -> memref<2048xf32, #tpu.memory_space<hbm>>
      %dma_start3A_205 = tpu.memref_slice %arg4[%add3A_187] : memref<52428800xf32, #tpu.memory_space<hbm>> -> memref<2048xf32, #tpu.memory_space<hbm>>
      %dma_start3A_206 = arith.constant 0 : i32
      %dma_start3A_207 = tpu.memref_slice %arg8[%dma_start3A_206] : memref<16384xf32, #tpu.memory_space<vmem>> -> memref<2048xf32, #tpu.memory_space<vmem>>
      tpu.enqueue_dma source(%dma_start3A_207 : memref<2048xf32, #tpu.memory_space<vmem>>) target(%dma_start3A_205 : memref<2048xf32, #tpu.memory_space<hbm>>) target_semaphore(%arg14 : memref<!tpu.dma_semaphore, #tpu.memory_space<semaphore_mem>>)
      %dma_start3A_208 = arith.constant 2048 : i32
      %dma_start3A_209 = tpu.memref_slice %arg8[%dma_start3A_208] : memref<16384xf32, #tpu.memory_space<vmem>> -> memref<2048xf32, #tpu.memory_space<vmem>>
      %dma_start3A_210 = tpu.memref_slice %arg4[%add3A_189] : memref<52428800xf32, #tpu.memory_space<hbm>> -> memref<2048xf32, #tpu.memory_space<hbm>>
      %dma_start3A_211 = tpu.memref_slice %arg4[%add3A_189] : memref<52428800xf32, #tpu.memory_space<hbm>> -> memref<2048xf32, #tpu.memory_space<hbm>>
      %dma_start3A_212 = arith.constant 2048 : i32
      %dma_start3A_213 = tpu.memref_slice %arg8[%dma_start3A_212] : memref<16384xf32, #tpu.memory_space<vmem>> -> memref<2048xf32, #tpu.memory_space<vmem>>
      tpu.enqueue_dma source(%dma_start3A_213 : memref<2048xf32, #tpu.memory_space<vmem>>) target(%dma_start3A_211 : memref<2048xf32, #tpu.memory_space<hbm>>) target_semaphore(%arg14 : memref<!tpu.dma_semaphore, #tpu.memory_space<semaphore_mem>>)
      %dma_start3A_214 = arith.constant 4096 : i32
      %dma_start3A_215 = tpu.memref_slice %arg8[%dma_start3A_214] : memref<16384xf32, #tpu.memory_space<vmem>> -> memref<2048xf32, #tpu.memory_space<vmem>>
      %dma_start3A_216 = tpu.memref_slice %arg4[%add3A_191] : memref<52428800xf32, #tpu.memory_space<hbm>> -> memref<2048xf32, #tpu.memory_space<hbm>>
      %dma_start3A_217 = tpu.memref_slice %arg4[%add3A_191] : memref<52428800xf32, #tpu.memory_space<hbm>> -> memref<2048xf32, #tpu.memory_space<hbm>>
      %dma_start3A_218 = arith.constant 4096 : i32
      %dma_start3A_219 = tpu.memref_slice %arg8[%dma_start3A_218] : memref<16384xf32, #tpu.memory_space<vmem>> -> memref<2048xf32, #tpu.memory_space<vmem>>
      tpu.enqueue_dma source(%dma_start3A_219 : memref<2048xf32, #tpu.memory_space<vmem>>) target(%dma_start3A_217 : memref<2048xf32, #tpu.memory_space<hbm>>) target_semaphore(%arg14 : memref<!tpu.dma_semaphore, #tpu.memory_space<semaphore_mem>>)
      %dma_start3A_220 = arith.constant 6144 : i32
      %dma_start3A_221 = tpu.memref_slice %arg8[%dma_start3A_220] : memref<16384xf32, #tpu.memory_space<vmem>> -> memref<2048xf32, #tpu.memory_space<vmem>>
      %dma_start3A_222 = tpu.memref_slice %arg4[%add3A_193] : memref<52428800xf32, #tpu.memory_space<hbm>> -> memref<2048xf32, #tpu.memory_space<hbm>>
      %dma_start3A_223 = tpu.memref_slice %arg4[%add3A_193] : memref<52428800xf32, #tpu.memory_space<hbm>> -> memref<2048xf32, #tpu.memory_space<hbm>>
      %dma_start3A_224 = arith.constant 6144 : i32
      %dma_start3A_225 = tpu.memref_slice %arg8[%dma_start3A_224] : memref<16384xf32, #tpu.memory_space<vmem>> -> memref<2048xf32, #tpu.memory_space<vmem>>
      tpu.enqueue_dma source(%dma_start3A_225 : memref<2048xf32, #tpu.memory_space<vmem>>) target(%dma_start3A_223 : memref<2048xf32, #tpu.memory_space<hbm>>) target_semaphore(%arg14 : memref<!tpu.dma_semaphore, #tpu.memory_space<semaphore_mem>>)
      %dma_start3A_226 = arith.constant 8192 : i32
      %dma_start3A_227 = tpu.memref_slice %arg8[%dma_start3A_226] : memref<16384xf32, #tpu.memory_space<vmem>> -> memref<2048xf32, #tpu.memory_space<vmem>>
      %dma_start3A_228 = tpu.memref_slice %arg4[%add3A_195] : memref<52428800xf32, #tpu.memory_space<hbm>> -> memref<2048xf32, #tpu.memory_space<hbm>>
      %dma_start3A_229 = tpu.memref_slice %arg4[%add3A_195] : memref<52428800xf32, #tpu.memory_space<hbm>> -> memref<2048xf32, #tpu.memory_space<hbm>>
      %dma_start3A_230 = arith.constant 8192 : i32
      %dma_start3A_231 = tpu.memref_slice %arg8[%dma_start3A_230] : memref<16384xf32, #tpu.memory_space<vmem>> -> memref<2048xf32, #tpu.memory_space<vmem>>
      tpu.enqueue_dma source(%dma_start3A_231 : memref<2048xf32, #tpu.memory_space<vmem>>) target(%dma_start3A_229 : memref<2048xf32, #tpu.memory_space<hbm>>) target_semaphore(%arg14 : memref<!tpu.dma_semaphore, #tpu.memory_space<semaphore_mem>>)
      %dma_start3A_232 = arith.constant 10240 : i32
      %dma_start3A_233 = tpu.memref_slice %arg8[%dma_start3A_232] : memref<16384xf32, #tpu.memory_space<vmem>> -> memref<2048xf32, #tpu.memory_space<vmem>>
      %dma_start3A_234 = tpu.memref_slice %arg4[%add3A_197] : memref<52428800xf32, #tpu.memory_space<hbm>> -> memref<2048xf32, #tpu.memory_space<hbm>>
      %dma_start3A_235 = tpu.memref_slice %arg4[%add3A_197] : memref<52428800xf32, #tpu.memory_space<hbm>> -> memref<2048xf32, #tpu.memory_space<hbm>>
      %dma_start3A_236 = arith.constant 10240 : i32
      %dma_start3A_237 = tpu.memref_slice %arg8[%dma_start3A_236] : memref<16384xf32, #tpu.memory_space<vmem>> -> memref<2048xf32, #tpu.memory_space<vmem>>
      tpu.enqueue_dma source(%dma_start3A_237 : memref<2048xf32, #tpu.memory_space<vmem>>) target(%dma_start3A_235 : memref<2048xf32, #tpu.memory_space<hbm>>) target_semaphore(%arg14 : memref<!tpu.dma_semaphore, #tpu.memory_space<semaphore_mem>>)
      %dma_start3A_238 = arith.constant 12288 : i32
      %dma_start3A_239 = tpu.memref_slice %arg8[%dma_start3A_238] : memref<16384xf32, #tpu.memory_space<vmem>> -> memref<2048xf32, #tpu.memory_space<vmem>>
      %dma_start3A_240 = tpu.memref_slice %arg4[%add3A_199] : memref<52428800xf32, #tpu.memory_space<hbm>> -> memref<2048xf32, #tpu.memory_space<hbm>>
      %dma_start3A_241 = tpu.memref_slice %arg4[%add3A_199] : memref<52428800xf32, #tpu.memory_space<hbm>> -> memref<2048xf32, #tpu.memory_space<hbm>>
      %dma_start3A_242 = arith.constant 12288 : i32
      %dma_start3A_243 = tpu.memref_slice %arg8[%dma_start3A_242] : memref<16384xf32, #tpu.memory_space<vmem>> -> memref<2048xf32, #tpu.memory_space<vmem>>
      tpu.enqueue_dma source(%dma_start3A_243 : memref<2048xf32, #tpu.memory_space<vmem>>) target(%dma_start3A_241 : memref<2048xf32, #tpu.memory_space<hbm>>) target_semaphore(%arg14 : memref<!tpu.dma_semaphore, #tpu.memory_space<semaphore_mem>>)
      %dma_start3A_244 = arith.constant 14336 : i32
      %dma_start3A_245 = tpu.memref_slice %arg8[%dma_start3A_244] : memref<16384xf32, #tpu.memory_space<vmem>> -> memref<2048xf32, #tpu.memory_space<vmem>>
      %dma_start3A_246 = tpu.memref_slice %arg4[%add3A_201] : memref<52428800xf32, #tpu.memory_space<hbm>> -> memref<2048xf32, #tpu.memory_space<hbm>>
      %dma_start3A_247 = tpu.memref_slice %arg4[%add3A_201] : memref<52428800xf32, #tpu.memory_space<hbm>> -> memref<2048xf32, #tpu.memory_space<hbm>>
      %dma_start3A_248 = arith.constant 14336 : i32
      %dma_start3A_249 = tpu.memref_slice %arg8[%dma_start3A_248] : memref<16384xf32, #tpu.memory_space<vmem>> -> memref<2048xf32, #tpu.memory_space<vmem>>
      tpu.enqueue_dma source(%dma_start3A_249 : memref<2048xf32, #tpu.memory_space<vmem>>) target(%dma_start3A_247 : memref<2048xf32, #tpu.memory_space<hbm>>) target_semaphore(%arg14 : memref<!tpu.dma_semaphore, #tpu.memory_space<semaphore_mem>>)
      %dma_wait3A_250 = arith.constant 256 : i32
      %dma_wait3A_251 = tpu.memref_slice %arg5[%scan3A_157, %dma_wait3A_250] : memref<50x512xi32, #tpu.memory_space<vmem>> -> memref<1x256xi32, #tpu.memory_space<vmem>>
      %dma_wait3A_252 = tpu.memref_squeeze %dma_wait3A_251 : memref<1x256xi32, #tpu.memory_space<vmem>> -> memref<256xi32, #tpu.memory_space<vmem>>
      %dma_wait3A_253 = arith.constant 0 : i32
      %dma_wait3A_254 = arith.constant 0 : i32
      %dma_wait3A_255 = tpu.memref_slice %arg3[%dma_wait3A_253, %dma_wait3A_254] : memref<1000000x64xf32, #tpu.memory_space<hbm>> -> memref<1000000x64xf32, #tpu.memory_space<hbm>>
      tpu.wait_indirect_dma semaphore(%arg13 : memref<!tpu.dma_semaphore, #tpu.memory_space<semaphore_mem>>) src(%dma_wait3A_255 : memref<1000000x64xf32, #tpu.memory_space<hbm>>) dst(%arg7 : memref<256x64xf32, #tpu.memory_space<vmem>>)
      %lt3A = arith.constant 49 : i32
      %lt3A_256 = arith.cmpi slt, %scan3A_157, %lt3A : i32
      %convert_element_type3A_257 = arith.extui %lt3A_256 : i1 to i32
      %cond3A_258 = arith.constant 0 : i32
      %cond3A_259 = arith.cmpi ne, %convert_element_type3A_257, %cond3A_258 : i32
      scf.if %cond3A_259 {
        %add3A_343 = arith.constant 1 : i32
        %add3A_344 = arith.addi %scan3A_157, %add3A_343 : i32
        %dma_start3A_345 = arith.constant 0 : i32
        %dma_start3A_346 = tpu.memref_slice %arg5[%add3A_344, %dma_start3A_345] : memref<50x512xi32, #tpu.memory_space<vmem>> -> memref<1x256xi32, #tpu.memory_space<vmem>>
        %dma_start3A_347 = tpu.memref_squeeze %dma_start3A_346 : memref<1x256xi32, #tpu.memory_space<vmem>> -> memref<256xi32, #tpu.memory_space<vmem>>
        %dma_start3A_348 = arith.constant 0 : i32
        %dma_start3A_349 = arith.constant 0 : i32
        %dma_start3A_350 = tpu.memref_slice %arg3[%dma_start3A_348, %dma_start3A_349] : memref<1000000x64xf32, #tpu.memory_space<hbm>> -> memref<1000000x64xf32, #tpu.memory_space<hbm>>
        tpu.enqueue_indirect_dma source(%dma_start3A_350 : memref<1000000x64xf32, #tpu.memory_space<hbm>>) target(%arg6 : memref<256x64xf32, #tpu.memory_space<vmem>>) offsets(%dma_start3A_347 : memref<256xi32, #tpu.memory_space<vmem>>) semaphore(%arg12 : memref<!tpu.dma_semaphore, #tpu.memory_space<semaphore_mem>>)
      } else {
      }
      %ge3A_260 = arith.constant 1 : i32
      %ge3A_261 = arith.cmpi sge, %scan3A_157, %ge3A_260 : i32
      %convert_element_type3A_262 = arith.extui %ge3A_261 : i1 to i32
      %cond3A_263 = arith.constant 0 : i32
      %cond3A_264 = arith.cmpi ne, %convert_element_type3A_262, %cond3A_263 : i32
      scf.if %cond3A_264 {
        %sub3A = arith.constant 1 : i32
        %sub3A_343 = arith.subi %scan3A_157, %sub3A : i32
        %mul3A_344 = arith.constant 1048576 : i32
        %mul3A_345 = arith.muli %sub3A_343, %mul3A_344 : i32
        %add3A_346 = arith.constant 2 : i32
        %add3A_347 = arith.addi %mul3A_4, %add3A_346 : i32
        %mul3A_348 = arith.constant 1024 : i32
        %mul3A_349 = arith.muli %add3A_347, %mul3A_348 : i32
        %add3A_350 = arith.addi %mul3A_345, %mul3A_349 : i32
        %add3A_351 = arith.constant 0 : i32
        %add3A_352 = arith.addi %add3A_350, %add3A_351 : i32
        %add3A_353 = arith.constant 131072 : i32
        %add3A_354 = arith.addi %add3A_350, %add3A_353 : i32
        %add3A_355 = arith.constant 262144 : i32
        %add3A_356 = arith.addi %add3A_350, %add3A_355 : i32
        %add3A_357 = arith.constant 393216 : i32
        %add3A_358 = arith.addi %add3A_350, %add3A_357 : i32
        %add3A_359 = arith.constant 524288 : i32
        %add3A_360 = arith.addi %add3A_350, %add3A_359 : i32
        %add3A_361 = arith.constant 655360 : i32
        %add3A_362 = arith.addi %add3A_350, %add3A_361 : i32
        %add3A_363 = arith.constant 786432 : i32
        %add3A_364 = arith.addi %add3A_350, %add3A_363 : i32
        %add3A_365 = arith.constant 917504 : i32
        %add3A_366 = arith.addi %add3A_350, %add3A_365 : i32
        %dma_wait3A_367 = arith.constant 0 : i32
        %dma_wait3A_368 = tpu.memref_slice %arg9[%dma_wait3A_367] : memref<16384xf32, #tpu.memory_space<vmem>> -> memref<2048xf32, #tpu.memory_space<vmem>>
        %dma_wait3A_369 = tpu.memref_slice %arg4[%add3A_352] : memref<52428800xf32, #tpu.memory_space<hbm>> -> memref<2048xf32, #tpu.memory_space<hbm>>
        %dma_wait3A_370 = tpu.memref_slice %arg4[%add3A_352] : memref<52428800xf32, #tpu.memory_space<hbm>> -> memref<2048xf32, #tpu.memory_space<hbm>>
        %dma_wait3A_371 = arith.constant 0 : i32
        %dma_wait3A_372 = tpu.memref_slice %arg9[%dma_wait3A_371] : memref<16384xf32, #tpu.memory_space<vmem>> -> memref<2048xf32, #tpu.memory_space<vmem>>
        tpu.wait_dma2 semaphore(%arg15 : memref<!tpu.dma_semaphore, #tpu.memory_space<semaphore_mem>>) src(%dma_wait3A_372 : memref<2048xf32, #tpu.memory_space<vmem>>) dst(%dma_wait3A_370 : memref<2048xf32, #tpu.memory_space<hbm>>)
        %dma_wait3A_373 = arith.constant 2048 : i32
        %dma_wait3A_374 = tpu.memref_slice %arg9[%dma_wait3A_373] : memref<16384xf32, #tpu.memory_space<vmem>> -> memref<2048xf32, #tpu.memory_space<vmem>>
        %dma_wait3A_375 = tpu.memref_slice %arg4[%add3A_354] : memref<52428800xf32, #tpu.memory_space<hbm>> -> memref<2048xf32, #tpu.memory_space<hbm>>
        %dma_wait3A_376 = tpu.memref_slice %arg4[%add3A_354] : memref<52428800xf32, #tpu.memory_space<hbm>> -> memref<2048xf32, #tpu.memory_space<hbm>>
        %dma_wait3A_377 = arith.constant 2048 : i32
        %dma_wait3A_378 = tpu.memref_slice %arg9[%dma_wait3A_377] : memref<16384xf32, #tpu.memory_space<vmem>> -> memref<2048xf32, #tpu.memory_space<vmem>>
        tpu.wait_dma2 semaphore(%arg15 : memref<!tpu.dma_semaphore, #tpu.memory_space<semaphore_mem>>) src(%dma_wait3A_378 : memref<2048xf32, #tpu.memory_space<vmem>>) dst(%dma_wait3A_376 : memref<2048xf32, #tpu.memory_space<hbm>>)
        %dma_wait3A_379 = arith.constant 4096 : i32
        %dma_wait3A_380 = tpu.memref_slice %arg9[%dma_wait3A_379] : memref<16384xf32, #tpu.memory_space<vmem>> -> memref<2048xf32, #tpu.memory_space<vmem>>
        %dma_wait3A_381 = tpu.memref_slice %arg4[%add3A_356] : memref<52428800xf32, #tpu.memory_space<hbm>> -> memref<2048xf32, #tpu.memory_space<hbm>>
        %dma_wait3A_382 = tpu.memref_slice %arg4[%add3A_356] : memref<52428800xf32, #tpu.memory_space<hbm>> -> memref<2048xf32, #tpu.memory_space<hbm>>
        %dma_wait3A_383 = arith.constant 4096 : i32
        %dma_wait3A_384 = tpu.memref_slice %arg9[%dma_wait3A_383] : memref<16384xf32, #tpu.memory_space<vmem>> -> memref<2048xf32, #tpu.memory_space<vmem>>
        tpu.wait_dma2 semaphore(%arg15 : memref<!tpu.dma_semaphore, #tpu.memory_space<semaphore_mem>>) src(%dma_wait3A_384 : memref<2048xf32, #tpu.memory_space<vmem>>) dst(%dma_wait3A_382 : memref<2048xf32, #tpu.memory_space<hbm>>)
        %dma_wait3A_385 = arith.constant 6144 : i32
        %dma_wait3A_386 = tpu.memref_slice %arg9[%dma_wait3A_385] : memref<16384xf32, #tpu.memory_space<vmem>> -> memref<2048xf32, #tpu.memory_space<vmem>>
        %dma_wait3A_387 = tpu.memref_slice %arg4[%add3A_358] : memref<52428800xf32, #tpu.memory_space<hbm>> -> memref<2048xf32, #tpu.memory_space<hbm>>
        %dma_wait3A_388 = tpu.memref_slice %arg4[%add3A_358] : memref<52428800xf32, #tpu.memory_space<hbm>> -> memref<2048xf32, #tpu.memory_space<hbm>>
        %dma_wait3A_389 = arith.constant 6144 : i32
        %dma_wait3A_390 = tpu.memref_slice %arg9[%dma_wait3A_389] : memref<16384xf32, #tpu.memory_space<vmem>> -> memref<2048xf32, #tpu.memory_space<vmem>>
        tpu.wait_dma2 semaphore(%arg15 : memref<!tpu.dma_semaphore, #tpu.memory_space<semaphore_mem>>) src(%dma_wait3A_390 : memref<2048xf32, #tpu.memory_space<vmem>>) dst(%dma_wait3A_388 : memref<2048xf32, #tpu.memory_space<hbm>>)
        %dma_wait3A_391 = arith.constant 8192 : i32
        %dma_wait3A_392 = tpu.memref_slice %arg9[%dma_wait3A_391] : memref<16384xf32, #tpu.memory_space<vmem>> -> memref<2048xf32, #tpu.memory_space<vmem>>
        %dma_wait3A_393 = tpu.memref_slice %arg4[%add3A_360] : memref<52428800xf32, #tpu.memory_space<hbm>> -> memref<2048xf32, #tpu.memory_space<hbm>>
        %dma_wait3A_394 = tpu.memref_slice %arg4[%add3A_360] : memref<52428800xf32, #tpu.memory_space<hbm>> -> memref<2048xf32, #tpu.memory_space<hbm>>
        %dma_wait3A_395 = arith.constant 8192 : i32
        %dma_wait3A_396 = tpu.memref_slice %arg9[%dma_wait3A_395] : memref<16384xf32, #tpu.memory_space<vmem>> -> memref<2048xf32, #tpu.memory_space<vmem>>
        tpu.wait_dma2 semaphore(%arg15 : memref<!tpu.dma_semaphore, #tpu.memory_space<semaphore_mem>>) src(%dma_wait3A_396 : memref<2048xf32, #tpu.memory_space<vmem>>) dst(%dma_wait3A_394 : memref<2048xf32, #tpu.memory_space<hbm>>)
        %dma_wait3A_397 = arith.constant 10240 : i32
        %dma_wait3A_398 = tpu.memref_slice %arg9[%dma_wait3A_397] : memref<16384xf32, #tpu.memory_space<vmem>> -> memref<2048xf32, #tpu.memory_space<vmem>>
        %dma_wait3A_399 = tpu.memref_slice %arg4[%add3A_362] : memref<52428800xf32, #tpu.memory_space<hbm>> -> memref<2048xf32, #tpu.memory_space<hbm>>
        %dma_wait3A_400 = tpu.memref_slice %arg4[%add3A_362] : memref<52428800xf32, #tpu.memory_space<hbm>> -> memref<2048xf32, #tpu.memory_space<hbm>>
        %dma_wait3A_401 = arith.constant 10240 : i32
        %dma_wait3A_402 = tpu.memref_slice %arg9[%dma_wait3A_401] : memref<16384xf32, #tpu.memory_space<vmem>> -> memref<2048xf32, #tpu.memory_space<vmem>>
        tpu.wait_dma2 semaphore(%arg15 : memref<!tpu.dma_semaphore, #tpu.memory_space<semaphore_mem>>) src(%dma_wait3A_402 : memref<2048xf32, #tpu.memory_space<vmem>>) dst(%dma_wait3A_400 : memref<2048xf32, #tpu.memory_space<hbm>>)
        %dma_wait3A_403 = arith.constant 12288 : i32
        %dma_wait3A_404 = tpu.memref_slice %arg9[%dma_wait3A_403] : memref<16384xf32, #tpu.memory_space<vmem>> -> memref<2048xf32, #tpu.memory_space<vmem>>
        %dma_wait3A_405 = tpu.memref_slice %arg4[%add3A_364] : memref<52428800xf32, #tpu.memory_space<hbm>> -> memref<2048xf32, #tpu.memory_space<hbm>>
        %dma_wait3A_406 = tpu.memref_slice %arg4[%add3A_364] : memref<52428800xf32, #tpu.memory_space<hbm>> -> memref<2048xf32, #tpu.memory_space<hbm>>
        %dma_wait3A_407 = arith.constant 12288 : i32
        %dma_wait3A_408 = tpu.memref_slice %arg9[%dma_wait3A_407] : memref<16384xf32, #tpu.memory_space<vmem>> -> memref<2048xf32, #tpu.memory_space<vmem>>
        tpu.wait_dma2 semaphore(%arg15 : memref<!tpu.dma_semaphore, #tpu.memory_space<semaphore_mem>>) src(%dma_wait3A_408 : memref<2048xf32, #tpu.memory_space<vmem>>) dst(%dma_wait3A_406 : memref<2048xf32, #tpu.memory_space<hbm>>)
        %dma_wait3A_409 = arith.constant 14336 : i32
        %dma_wait3A_410 = tpu.memref_slice %arg9[%dma_wait3A_409] : memref<16384xf32, #tpu.memory_space<vmem>> -> memref<2048xf32, #tpu.memory_space<vmem>>
        %dma_wait3A_411 = tpu.memref_slice %arg4[%add3A_366] : memref<52428800xf32, #tpu.memory_space<hbm>> -> memref<2048xf32, #tpu.memory_space<hbm>>
        %dma_wait3A_412 = tpu.memref_slice %arg4[%add3A_366] : memref<52428800xf32, #tpu.memory_space<hbm>> -> memref<2048xf32, #tpu.memory_space<hbm>>
        %dma_wait3A_413 = arith.constant 14336 : i32
        %dma_wait3A_414 = tpu.memref_slice %arg9[%dma_wait3A_413] : memref<16384xf32, #tpu.memory_space<vmem>> -> memref<2048xf32, #tpu.memory_space<vmem>>
        tpu.wait_dma2 semaphore(%arg15 : memref<!tpu.dma_semaphore, #tpu.memory_space<semaphore_mem>>) src(%dma_wait3A_414 : memref<2048xf32, #tpu.memory_space<vmem>>) dst(%dma_wait3A_412 : memref<2048xf32, #tpu.memory_space<hbm>>)
      } else {
      }
      %iota3A_265 = tpu.iota {dimensions = array<i32: 0>} : vector<16xi32>
      %parallel_loop3A_266 = arith.constant 0 : i32
      %parallel_loop3A_267 = arith.constant 64 : i32
      %parallel_loop3A_268 = arith.constant 1 : i32
      scf.for %parallel_loop3A_343 = %parallel_loop3A_266 to %parallel_loop3A_267 step %parallel_loop3A_268  : i32 {
        %parallel_loop3A_344 = arith.constant 16 : i32
        %parallel_loop3A_345 = arith.muli %parallel_loop3A_343, %parallel_loop3A_344 : i32
        %parallel_loop3A_346 = arith.index_cast %parallel_loop3A_345 : i32 to index
        %parallel_loop3A_347 = tpu.vector_load %arg10[%parallel_loop3A_346] {strides = array<i32>} : memref<1024xi32, #tpu.memory_space<vmem>>, vector<16xi32>,
        %parallel_loop3A_348 = arith.constant 16 : i32
        %parallel_loop3A_349 = arith.muli %parallel_loop3A_343, %parallel_loop3A_348 : i32
        %parallel_loop3A_350 = arith.index_cast %parallel_loop3A_349 : i32 to index
        %parallel_loop3A_351 = tpu.vector_load %arg11[%parallel_loop3A_350] {strides = array<i32>} : memref<1024xi32, #tpu.memory_space<vmem>>, vector<16xi32>,
        %parallel_loop3A_352 = arith.constant 0 : i32
        %parallel_loop3A_353 = vector.broadcast %parallel_loop3A_352 : i32 to vector<16xi32>
        %parallel_loop3A_354 = arith.addi %iota3A_265, %parallel_loop3A_353 : vector<16xi32>
        %parallel_loop3A_355 = tpu.vector_load_idx %arg7[%parallel_loop3A_354, %parallel_loop3A_347] : memref<256x64xf32, #tpu.memory_space<vmem>>[vector<16xi32>, vector<16xi32>], vector<16xf32>,
        %parallel_loop3A_356 = arith.constant 0 : i32
        %parallel_loop3A_357 = vector.broadcast %parallel_loop3A_356 : i32 to vector<16xi32>
        %parallel_loop3A_358 = arith.addi %parallel_loop3A_351, %parallel_loop3A_357 : vector<16xi32>
        %parallel_loop3A_359 = arith.constant 8.000000e+00 : f32
        %parallel_loop3A_360 = vector.broadcast %parallel_loop3A_359 : f32 to vector<16xf32>
        %parallel_loop3A_361 = arith.mulf %parallel_loop3A_355, %parallel_loop3A_360 : vector<16xf32>
        tpu.vector_store_idx %arg9[%parallel_loop3A_358], %parallel_loop3A_361 : memref<16384xf32, #tpu.memory_space<vmem>>[vector<16xi32>], vector<16xf32>,
        %parallel_loop3A_362 = arith.constant 16 : i32
        %parallel_loop3A_363 = vector.broadcast %parallel_loop3A_362 : i32 to vector<16xi32>
        %parallel_loop3A_364 = arith.addi %iota3A_265, %parallel_loop3A_363 : vector<16xi32>
        %parallel_loop3A_365 = tpu.vector_load_idx %arg7[%parallel_loop3A_364, %parallel_loop3A_347] : memref<256x64xf32, #tpu.memory_space<vmem>>[vector<16xi32>, vector<16xi32>], vector<16xf32>,
        %parallel_loop3A_366 = arith.constant 16 : i32
        %parallel_loop3A_367 = vector.broadcast %parallel_loop3A_366 : i32 to vector<16xi32>
        %parallel_loop3A_368 = arith.addi %parallel_loop3A_351, %parallel_loop3A_367 : vector<16xi32>
        %parallel_loop3A_369 = arith.constant 8.000000e+00 : f32
        %parallel_loop3A_370 = vector.broadcast %parallel_loop3A_369 : f32 to vector<16xf32>
        %parallel_loop3A_371 = arith.mulf %parallel_loop3A_365, %parallel_loop3A_370 : vector<16xf32>
        tpu.vector_store_idx %arg9[%parallel_loop3A_368], %parallel_loop3A_371 : memref<16384xf32, #tpu.memory_space<vmem>>[vector<16xi32>], vector<16xf32>,
        %parallel_loop3A_372 = arith.constant 32 : i32
        %parallel_loop3A_373 = vector.broadcast %parallel_loop3A_372 : i32 to vector<16xi32>
        %parallel_loop3A_374 = arith.addi %iota3A_265, %parallel_loop3A_373 : vector<16xi32>
        %parallel_loop3A_375 = tpu.vector_load_idx %arg7[%parallel_loop3A_374, %parallel_loop3A_347] : memref<256x64xf32, #tpu.memory_space<vmem>>[vector<16xi32>, vector<16xi32>], vector<16xf32>,
        %parallel_loop3A_376 = arith.constant 32 : i32
        %parallel_loop3A_377 = vector.broadcast %parallel_loop3A_376 : i32 to vector<16xi32>
        %parallel_loop3A_378 = arith.addi %parallel_loop3A_351, %parallel_loop3A_377 : vector<16xi32>
        %parallel_loop3A_379 = arith.constant 8.000000e+00 : f32
        %parallel_loop3A_380 = vector.broadcast %parallel_loop3A_379 : f32 to vector<16xf32>
        %parallel_loop3A_381 = arith.mulf %parallel_loop3A_375, %parallel_loop3A_380 : vector<16xf32>
        tpu.vector_store_idx %arg9[%parallel_loop3A_378], %parallel_loop3A_381 : memref<16384xf32, #tpu.memory_space<vmem>>[vector<16xi32>], vector<16xf32>,
        %parallel_loop3A_382 = arith.constant 48 : i32
        %parallel_loop3A_383 = vector.broadcast %parallel_loop3A_382 : i32 to vector<16xi32>
        %parallel_loop3A_384 = arith.addi %iota3A_265, %parallel_loop3A_383 : vector<16xi32>
        %parallel_loop3A_385 = tpu.vector_load_idx %arg7[%parallel_loop3A_384, %parallel_loop3A_347] : memref<256x64xf32, #tpu.memory_space<vmem>>[vector<16xi32>, vector<16xi32>], vector<16xf32>,
        %parallel_loop3A_386 = arith.constant 48 : i32
        %parallel_loop3A_387 = vector.broadcast %parallel_loop3A_386 : i32 to vector<16xi32>
        %parallel_loop3A_388 = arith.addi %parallel_loop3A_351, %parallel_loop3A_387 : vector<16xi32>
        %parallel_loop3A_389 = arith.constant 8.000000e+00 : f32
        %parallel_loop3A_390 = vector.broadcast %parallel_loop3A_389 : f32 to vector<16xf32>
        %parallel_loop3A_391 = arith.mulf %parallel_loop3A_385, %parallel_loop3A_390 : vector<16xf32>
        tpu.vector_store_idx %arg9[%parallel_loop3A_388], %parallel_loop3A_391 : memref<16384xf32, #tpu.memory_space<vmem>>[vector<16xi32>], vector<16xf32>,
        %parallel_loop3A_392 = arith.constant 64 : i32
        %parallel_loop3A_393 = vector.broadcast %parallel_loop3A_392 : i32 to vector<16xi32>
        %parallel_loop3A_394 = arith.addi %iota3A_265, %parallel_loop3A_393 : vector<16xi32>
        %parallel_loop3A_395 = tpu.vector_load_idx %arg7[%parallel_loop3A_394, %parallel_loop3A_347] : memref<256x64xf32, #tpu.memory_space<vmem>>[vector<16xi32>, vector<16xi32>], vector<16xf32>,
        %parallel_loop3A_396 = arith.constant 64 : i32
        %parallel_loop3A_397 = vector.broadcast %parallel_loop3A_396 : i32 to vector<16xi32>
        %parallel_loop3A_398 = arith.addi %parallel_loop3A_351, %parallel_loop3A_397 : vector<16xi32>
        %parallel_loop3A_399 = arith.constant 8.000000e+00 : f32
        %parallel_loop3A_400 = vector.broadcast %parallel_loop3A_399 : f32 to vector<16xf32>
        %parallel_loop3A_401 = arith.mulf %parallel_loop3A_395, %parallel_loop3A_400 : vector<16xf32>
        tpu.vector_store_idx %arg9[%parallel_loop3A_398], %parallel_loop3A_401 : memref<16384xf32, #tpu.memory_space<vmem>>[vector<16xi32>], vector<16xf32>,
        %parallel_loop3A_402 = arith.constant 80 : i32
        %parallel_loop3A_403 = vector.broadcast %parallel_loop3A_402 : i32 to vector<16xi32>
        %parallel_loop3A_404 = arith.addi %iota3A_265, %parallel_loop3A_403 : vector<16xi32>
        %parallel_loop3A_405 = tpu.vector_load_idx %arg7[%parallel_loop3A_404, %parallel_loop3A_347] : memref<256x64xf32, #tpu.memory_space<vmem>>[vector<16xi32>, vector<16xi32>], vector<16xf32>,
        %parallel_loop3A_406 = arith.constant 80 : i32
        %parallel_loop3A_407 = vector.broadcast %parallel_loop3A_406 : i32 to vector<16xi32>
        %parallel_loop3A_408 = arith.addi %parallel_loop3A_351, %parallel_loop3A_407 : vector<16xi32>
        %parallel_loop3A_409 = arith.constant 8.000000e+00 : f32
        %parallel_loop3A_410 = vector.broadcast %parallel_loop3A_409 : f32 to vector<16xf32>
        %parallel_loop3A_411 = arith.mulf %parallel_loop3A_405, %parallel_loop3A_410 : vector<16xf32>
        tpu.vector_store_idx %arg9[%parallel_loop3A_408], %parallel_loop3A_411 : memref<16384xf32, #tpu.memory_space<vmem>>[vector<16xi32>], vector<16xf32>,
        %parallel_loop3A_412 = arith.constant 96 : i32
        %parallel_loop3A_413 = vector.broadcast %parallel_loop3A_412 : i32 to vector<16xi32>
        %parallel_loop3A_414 = arith.addi %iota3A_265, %parallel_loop3A_413 : vector<16xi32>
        %parallel_loop3A_415 = tpu.vector_load_idx %arg7[%parallel_loop3A_414, %parallel_loop3A_347] : memref<256x64xf32, #tpu.memory_space<vmem>>[vector<16xi32>, vector<16xi32>], vector<16xf32>,
        %parallel_loop3A_416 = arith.constant 96 : i32
        %parallel_loop3A_417 = vector.broadcast %parallel_loop3A_416 : i32 to vector<16xi32>
        %parallel_loop3A_418 = arith.addi %parallel_loop3A_351, %parallel_loop3A_417 : vector<16xi32>
        %parallel_loop3A_419 = arith.constant 8.000000e+00 : f32
        %parallel_loop3A_420 = vector.broadcast %parallel_loop3A_419 : f32 to vector<16xf32>
        %parallel_loop3A_421 = arith.mulf %parallel_loop3A_415, %parallel_loop3A_420 : vector<16xf32>
        tpu.vector_store_idx %arg9[%parallel_loop3A_418], %parallel_loop3A_421 : memref<16384xf32, #tpu.memory_space<vmem>>[vector<16xi32>], vector<16xf32>,
        %parallel_loop3A_422 = arith.constant 112 : i32
        %parallel_loop3A_423 = vector.broadcast %parallel_loop3A_422 : i32 to vector<16xi32>
        %parallel_loop3A_424 = arith.addi %iota3A_265, %parallel_loop3A_423 : vector<16xi32>
        %parallel_loop3A_425 = tpu.vector_load_idx %arg7[%parallel_loop3A_424, %parallel_loop3A_347] : memref<256x64xf32, #tpu.memory_space<vmem>>[vector<16xi32>, vector<16xi32>], vector<16xf32>,
        %parallel_loop3A_426 = arith.constant 112 : i32
        %parallel_loop3A_427 = vector.broadcast %parallel_loop3A_426 : i32 to vector<16xi32>
        %parallel_loop3A_428 = arith.addi %parallel_loop3A_351, %parallel_loop3A_427 : vector<16xi32>
        %parallel_loop3A_429 = arith.constant 8.000000e+00 : f32
        %parallel_loop3A_430 = vector.broadcast %parallel_loop3A_429 : f32 to vector<16xf32>
        %parallel_loop3A_431 = arith.mulf %parallel_loop3A_425, %parallel_loop3A_430 : vector<16xf32>
        tpu.vector_store_idx %arg9[%parallel_loop3A_428], %parallel_loop3A_431 : memref<16384xf32, #tpu.memory_space<vmem>>[vector<16xi32>], vector<16xf32>,
      } {sc.loop_unroll_factor = 2 : i64, sc.parallel_access}
      %parallel_loop3A_269 = arith.constant 0 : i32
      %parallel_loop3A_270 = arith.constant 64 : i32
      %parallel_loop3A_271 = arith.constant 1 : i32
      scf.for %parallel_loop3A_343 = %parallel_loop3A_269 to %parallel_loop3A_270 step %parallel_loop3A_271  : i32 {
        %parallel_loop3A_344 = arith.constant 16 : i32
        %parallel_loop3A_345 = arith.muli %parallel_loop3A_343, %parallel_loop3A_344 : i32
        %parallel_loop3A_346 = arith.index_cast %parallel_loop3A_345 : i32 to index
        %parallel_loop3A_347 = tpu.vector_load %arg10[%parallel_loop3A_346] {strides = array<i32>} : memref<1024xi32, #tpu.memory_space<vmem>>, vector<16xi32>,
        %parallel_loop3A_348 = arith.constant 16 : i32
        %parallel_loop3A_349 = arith.muli %parallel_loop3A_343, %parallel_loop3A_348 : i32
        %parallel_loop3A_350 = arith.index_cast %parallel_loop3A_349 : i32 to index
        %parallel_loop3A_351 = tpu.vector_load %arg11[%parallel_loop3A_350] {strides = array<i32>} : memref<1024xi32, #tpu.memory_space<vmem>>, vector<16xi32>,
        %parallel_loop3A_352 = arith.constant 128 : i32
        %parallel_loop3A_353 = vector.broadcast %parallel_loop3A_352 : i32 to vector<16xi32>
        %parallel_loop3A_354 = arith.addi %iota3A_265, %parallel_loop3A_353 : vector<16xi32>
        %parallel_loop3A_355 = tpu.vector_load_idx %arg7[%parallel_loop3A_354, %parallel_loop3A_347] : memref<256x64xf32, #tpu.memory_space<vmem>>[vector<16xi32>, vector<16xi32>], vector<16xf32>,
        %parallel_loop3A_356 = arith.constant 1024 : i32
        %parallel_loop3A_357 = vector.broadcast %parallel_loop3A_356 : i32 to vector<16xi32>
        %parallel_loop3A_358 = arith.addi %parallel_loop3A_351, %parallel_loop3A_357 : vector<16xi32>
        %parallel_loop3A_359 = arith.constant 8.000000e+00 : f32
        %parallel_loop3A_360 = vector.broadcast %parallel_loop3A_359 : f32 to vector<16xf32>
        %parallel_loop3A_361 = arith.mulf %parallel_loop3A_355, %parallel_loop3A_360 : vector<16xf32>
        tpu.vector_store_idx %arg9[%parallel_loop3A_358], %parallel_loop3A_361 : memref<16384xf32, #tpu.memory_space<vmem>>[vector<16xi32>], vector<16xf32>,
        %parallel_loop3A_362 = arith.constant 144 : i32
        %parallel_loop3A_363 = vector.broadcast %parallel_loop3A_362 : i32 to vector<16xi32>
        %parallel_loop3A_364 = arith.addi %iota3A_265, %parallel_loop3A_363 : vector<16xi32>
        %parallel_loop3A_365 = tpu.vector_load_idx %arg7[%parallel_loop3A_364, %parallel_loop3A_347] : memref<256x64xf32, #tpu.memory_space<vmem>>[vector<16xi32>, vector<16xi32>], vector<16xf32>,
        %parallel_loop3A_366 = arith.constant 1040 : i32
        %parallel_loop3A_367 = vector.broadcast %parallel_loop3A_366 : i32 to vector<16xi32>
        %parallel_loop3A_368 = arith.addi %parallel_loop3A_351, %parallel_loop3A_367 : vector<16xi32>
        %parallel_loop3A_369 = arith.constant 8.000000e+00 : f32
        %parallel_loop3A_370 = vector.broadcast %parallel_loop3A_369 : f32 to vector<16xf32>
        %parallel_loop3A_371 = arith.mulf %parallel_loop3A_365, %parallel_loop3A_370 : vector<16xf32>
        tpu.vector_store_idx %arg9[%parallel_loop3A_368], %parallel_loop3A_371 : memref<16384xf32, #tpu.memory_space<vmem>>[vector<16xi32>], vector<16xf32>,
        %parallel_loop3A_372 = arith.constant 160 : i32
        %parallel_loop3A_373 = vector.broadcast %parallel_loop3A_372 : i32 to vector<16xi32>
        %parallel_loop3A_374 = arith.addi %iota3A_265, %parallel_loop3A_373 : vector<16xi32>
        %parallel_loop3A_375 = tpu.vector_load_idx %arg7[%parallel_loop3A_374, %parallel_loop3A_347] : memref<256x64xf32, #tpu.memory_space<vmem>>[vector<16xi32>, vector<16xi32>], vector<16xf32>,
        %parallel_loop3A_376 = arith.constant 1056 : i32
        %parallel_loop3A_377 = vector.broadcast %parallel_loop3A_376 : i32 to vector<16xi32>
        %parallel_loop3A_378 = arith.addi %parallel_loop3A_351, %parallel_loop3A_377 : vector<16xi32>
        %parallel_loop3A_379 = arith.constant 8.000000e+00 : f32
        %parallel_loop3A_380 = vector.broadcast %parallel_loop3A_379 : f32 to vector<16xf32>
        %parallel_loop3A_381 = arith.mulf %parallel_loop3A_375, %parallel_loop3A_380 : vector<16xf32>
        tpu.vector_store_idx %arg9[%parallel_loop3A_378], %parallel_loop3A_381 : memref<16384xf32, #tpu.memory_space<vmem>>[vector<16xi32>], vector<16xf32>,
        %parallel_loop3A_382 = arith.constant 176 : i32
        %parallel_loop3A_383 = vector.broadcast %parallel_loop3A_382 : i32 to vector<16xi32>
        %parallel_loop3A_384 = arith.addi %iota3A_265, %parallel_loop3A_383 : vector<16xi32>
        %parallel_loop3A_385 = tpu.vector_load_idx %arg7[%parallel_loop3A_384, %parallel_loop3A_347] : memref<256x64xf32, #tpu.memory_space<vmem>>[vector<16xi32>, vector<16xi32>], vector<16xf32>,
        %parallel_loop3A_386 = arith.constant 1072 : i32
        %parallel_loop3A_387 = vector.broadcast %parallel_loop3A_386 : i32 to vector<16xi32>
        %parallel_loop3A_388 = arith.addi %parallel_loop3A_351, %parallel_loop3A_387 : vector<16xi32>
        %parallel_loop3A_389 = arith.constant 8.000000e+00 : f32
        %parallel_loop3A_390 = vector.broadcast %parallel_loop3A_389 : f32 to vector<16xf32>
        %parallel_loop3A_391 = arith.mulf %parallel_loop3A_385, %parallel_loop3A_390 : vector<16xf32>
        tpu.vector_store_idx %arg9[%parallel_loop3A_388], %parallel_loop3A_391 : memref<16384xf32, #tpu.memory_space<vmem>>[vector<16xi32>], vector<16xf32>,
        %parallel_loop3A_392 = arith.constant 192 : i32
        %parallel_loop3A_393 = vector.broadcast %parallel_loop3A_392 : i32 to vector<16xi32>
        %parallel_loop3A_394 = arith.addi %iota3A_265, %parallel_loop3A_393 : vector<16xi32>
        %parallel_loop3A_395 = tpu.vector_load_idx %arg7[%parallel_loop3A_394, %parallel_loop3A_347] : memref<256x64xf32, #tpu.memory_space<vmem>>[vector<16xi32>, vector<16xi32>], vector<16xf32>,
        %parallel_loop3A_396 = arith.constant 1088 : i32
        %parallel_loop3A_397 = vector.broadcast %parallel_loop3A_396 : i32 to vector<16xi32>
        %parallel_loop3A_398 = arith.addi %parallel_loop3A_351, %parallel_loop3A_397 : vector<16xi32>
        %parallel_loop3A_399 = arith.constant 8.000000e+00 : f32
        %parallel_loop3A_400 = vector.broadcast %parallel_loop3A_399 : f32 to vector<16xf32>
        %parallel_loop3A_401 = arith.mulf %parallel_loop3A_395, %parallel_loop3A_400 : vector<16xf32>
        tpu.vector_store_idx %arg9[%parallel_loop3A_398], %parallel_loop3A_401 : memref<16384xf32, #tpu.memory_space<vmem>>[vector<16xi32>], vector<16xf32>,
        %parallel_loop3A_402 = arith.constant 208 : i32
        %parallel_loop3A_403 = vector.broadcast %parallel_loop3A_402 : i32 to vector<16xi32>
        %parallel_loop3A_404 = arith.addi %iota3A_265, %parallel_loop3A_403 : vector<16xi32>
        %parallel_loop3A_405 = tpu.vector_load_idx %arg7[%parallel_loop3A_404, %parallel_loop3A_347] : memref<256x64xf32, #tpu.memory_space<vmem>>[vector<16xi32>, vector<16xi32>], vector<16xf32>,
        %parallel_loop3A_406 = arith.constant 1104 : i32
        %parallel_loop3A_407 = vector.broadcast %parallel_loop3A_406 : i32 to vector<16xi32>
        %parallel_loop3A_408 = arith.addi %parallel_loop3A_351, %parallel_loop3A_407 : vector<16xi32>
        %parallel_loop3A_409 = arith.constant 8.000000e+00 : f32
        %parallel_loop3A_410 = vector.broadcast %parallel_loop3A_409 : f32 to vector<16xf32>
        %parallel_loop3A_411 = arith.mulf %parallel_loop3A_405, %parallel_loop3A_410 : vector<16xf32>
        tpu.vector_store_idx %arg9[%parallel_loop3A_408], %parallel_loop3A_411 : memref<16384xf32, #tpu.memory_space<vmem>>[vector<16xi32>], vector<16xf32>,
        %parallel_loop3A_412 = arith.constant 224 : i32
        %parallel_loop3A_413 = vector.broadcast %parallel_loop3A_412 : i32 to vector<16xi32>
        %parallel_loop3A_414 = arith.addi %iota3A_265, %parallel_loop3A_413 : vector<16xi32>
        %parallel_loop3A_415 = tpu.vector_load_idx %arg7[%parallel_loop3A_414, %parallel_loop3A_347] : memref<256x64xf32, #tpu.memory_space<vmem>>[vector<16xi32>, vector<16xi32>], vector<16xf32>,
        %parallel_loop3A_416 = arith.constant 1120 : i32
        %parallel_loop3A_417 = vector.broadcast %parallel_loop3A_416 : i32 to vector<16xi32>
        %parallel_loop3A_418 = arith.addi %parallel_loop3A_351, %parallel_loop3A_417 : vector<16xi32>
        %parallel_loop3A_419 = arith.constant 8.000000e+00 : f32
        %parallel_loop3A_420 = vector.broadcast %parallel_loop3A_419 : f32 to vector<16xf32>
        %parallel_loop3A_421 = arith.mulf %parallel_loop3A_415, %parallel_loop3A_420 : vector<16xf32>
        tpu.vector_store_idx %arg9[%parallel_loop3A_418], %parallel_loop3A_421 : memref<16384xf32, #tpu.memory_space<vmem>>[vector<16xi32>], vector<16xf32>,
        %parallel_loop3A_422 = arith.constant 240 : i32
        %parallel_loop3A_423 = vector.broadcast %parallel_loop3A_422 : i32 to vector<16xi32>
        %parallel_loop3A_424 = arith.addi %iota3A_265, %parallel_loop3A_423 : vector<16xi32>
        %parallel_loop3A_425 = tpu.vector_load_idx %arg7[%parallel_loop3A_424, %parallel_loop3A_347] : memref<256x64xf32, #tpu.memory_space<vmem>>[vector<16xi32>, vector<16xi32>], vector<16xf32>,
        %parallel_loop3A_426 = arith.constant 1136 : i32
        %parallel_loop3A_427 = vector.broadcast %parallel_loop3A_426 : i32 to vector<16xi32>
        %parallel_loop3A_428 = arith.addi %parallel_loop3A_351, %parallel_loop3A_427 : vector<16xi32>
        %parallel_loop3A_429 = arith.constant 8.000000e+00 : f32
        %parallel_loop3A_430 = vector.broadcast %parallel_loop3A_429 : f32 to vector<16xf32>
        %parallel_loop3A_431 = arith.mulf %parallel_loop3A_425, %parallel_loop3A_430 : vector<16xf32>
        tpu.vector_store_idx %arg9[%parallel_loop3A_428], %parallel_loop3A_431 : memref<16384xf32, #tpu.memory_space<vmem>>[vector<16xi32>], vector<16xf32>,
      } {sc.loop_unroll_factor = 2 : i64, sc.parallel_access}
      %mul3A_272 = arith.constant 1048576 : i32
      %mul3A_273 = arith.muli %scan3A_157, %mul3A_272 : i32
      %add3A_274 = arith.constant 2 : i32
      %add3A_275 = arith.addi %mul3A_4, %add3A_274 : i32
      %mul3A_276 = arith.constant 1024 : i32
      %mul3A_277 = arith.muli %add3A_275, %mul3A_276 : i32
      %add3A_278 = arith.addi %mul3A_273, %mul3A_277 : i32
      %add3A_279 = arith.constant 0 : i32
      %add3A_280 = arith.addi %add3A_278, %add3A_279 : i32
      %add3A_281 = arith.constant 131072 : i32
      %add3A_282 = arith.addi %add3A_278, %add3A_281 : i32
      %add3A_283 = arith.constant 262144 : i32
      %add3A_284 = arith.addi %add3A_278, %add3A_283 : i32
      %add3A_285 = arith.constant 393216 : i32
      %add3A_286 = arith.addi %add3A_278, %add3A_285 : i32
      %add3A_287 = arith.constant 524288 : i32
      %add3A_288 = arith.addi %add3A_278, %add3A_287 : i32
      %add3A_289 = arith.constant 655360 : i32
      %add3A_290 = arith.addi %add3A_278, %add3A_289 : i32
      %add3A_291 = arith.constant 786432 : i32
      %add3A_292 = arith.addi %add3A_278, %add3A_291 : i32
      %add3A_293 = arith.constant 917504 : i32
      %add3A_294 = arith.addi %add3A_278, %add3A_293 : i32
      %dma_start3A_295 = arith.constant 0 : i32
      %dma_start3A_296 = tpu.memref_slice %arg9[%dma_start3A_295] : memref<16384xf32, #tpu.memory_space<vmem>> -> memref<2048xf32, #tpu.memory_space<vmem>>
      %dma_start3A_297 = tpu.memref_slice %arg4[%add3A_280] : memref<52428800xf32, #tpu.memory_space<hbm>> -> memref<2048xf32, #tpu.memory_space<hbm>>
      %dma_start3A_298 = tpu.memref_slice %arg4[%add3A_280] : memref<52428800xf32, #tpu.memory_space<hbm>> -> memref<2048xf32, #tpu.memory_space<hbm>>
      %dma_start3A_299 = arith.constant 0 : i32
      %dma_start3A_300 = tpu.memref_slice %arg9[%dma_start3A_299] : memref<16384xf32, #tpu.memory_space<vmem>> -> memref<2048xf32, #tpu.memory_space<vmem>>
      tpu.enqueue_dma source(%dma_start3A_300 : memref<2048xf32, #tpu.memory_space<vmem>>) target(%dma_start3A_298 : memref<2048xf32, #tpu.memory_space<hbm>>) target_semaphore(%arg15 : memref<!tpu.dma_semaphore, #tpu.memory_space<semaphore_mem>>)
      %dma_start3A_301 = arith.constant 2048 : i32
      %dma_start3A_302 = tpu.memref_slice %arg9[%dma_start3A_301] : memref<16384xf32, #tpu.memory_space<vmem>> -> memref<2048xf32, #tpu.memory_space<vmem>>
      %dma_start3A_303 = tpu.memref_slice %arg4[%add3A_282] : memref<52428800xf32, #tpu.memory_space<hbm>> -> memref<2048xf32, #tpu.memory_space<hbm>>
      %dma_start3A_304 = tpu.memref_slice %arg4[%add3A_282] : memref<52428800xf32, #tpu.memory_space<hbm>> -> memref<2048xf32, #tpu.memory_space<hbm>>
      %dma_start3A_305 = arith.constant 2048 : i32
      %dma_start3A_306 = tpu.memref_slice %arg9[%dma_start3A_305] : memref<16384xf32, #tpu.memory_space<vmem>> -> memref<2048xf32, #tpu.memory_space<vmem>>
      tpu.enqueue_dma source(%dma_start3A_306 : memref<2048xf32, #tpu.memory_space<vmem>>) target(%dma_start3A_304 : memref<2048xf32, #tpu.memory_space<hbm>>) target_semaphore(%arg15 : memref<!tpu.dma_semaphore, #tpu.memory_space<semaphore_mem>>)
      %dma_start3A_307 = arith.constant 4096 : i32
      %dma_start3A_308 = tpu.memref_slice %arg9[%dma_start3A_307] : memref<16384xf32, #tpu.memory_space<vmem>> -> memref<2048xf32, #tpu.memory_space<vmem>>
      %dma_start3A_309 = tpu.memref_slice %arg4[%add3A_284] : memref<52428800xf32, #tpu.memory_space<hbm>> -> memref<2048xf32, #tpu.memory_space<hbm>>
      %dma_start3A_310 = tpu.memref_slice %arg4[%add3A_284] : memref<52428800xf32, #tpu.memory_space<hbm>> -> memref<2048xf32, #tpu.memory_space<hbm>>
      %dma_start3A_311 = arith.constant 4096 : i32
      %dma_start3A_312 = tpu.memref_slice %arg9[%dma_start3A_311] : memref<16384xf32, #tpu.memory_space<vmem>> -> memref<2048xf32, #tpu.memory_space<vmem>>
      tpu.enqueue_dma source(%dma_start3A_312 : memref<2048xf32, #tpu.memory_space<vmem>>) target(%dma_start3A_310 : memref<2048xf32, #tpu.memory_space<hbm>>) target_semaphore(%arg15 : memref<!tpu.dma_semaphore, #tpu.memory_space<semaphore_mem>>)
      %dma_start3A_313 = arith.constant 6144 : i32
      %dma_start3A_314 = tpu.memref_slice %arg9[%dma_start3A_313] : memref<16384xf32, #tpu.memory_space<vmem>> -> memref<2048xf32, #tpu.memory_space<vmem>>
      %dma_start3A_315 = tpu.memref_slice %arg4[%add3A_286] : memref<52428800xf32, #tpu.memory_space<hbm>> -> memref<2048xf32, #tpu.memory_space<hbm>>
      %dma_start3A_316 = tpu.memref_slice %arg4[%add3A_286] : memref<52428800xf32, #tpu.memory_space<hbm>> -> memref<2048xf32, #tpu.memory_space<hbm>>
      %dma_start3A_317 = arith.constant 6144 : i32
      %dma_start3A_318 = tpu.memref_slice %arg9[%dma_start3A_317] : memref<16384xf32, #tpu.memory_space<vmem>> -> memref<2048xf32, #tpu.memory_space<vmem>>
      tpu.enqueue_dma source(%dma_start3A_318 : memref<2048xf32, #tpu.memory_space<vmem>>) target(%dma_start3A_316 : memref<2048xf32, #tpu.memory_space<hbm>>) target_semaphore(%arg15 : memref<!tpu.dma_semaphore, #tpu.memory_space<semaphore_mem>>)
      %dma_start3A_319 = arith.constant 8192 : i32
      %dma_start3A_320 = tpu.memref_slice %arg9[%dma_start3A_319] : memref<16384xf32, #tpu.memory_space<vmem>> -> memref<2048xf32, #tpu.memory_space<vmem>>
      %dma_start3A_321 = tpu.memref_slice %arg4[%add3A_288] : memref<52428800xf32, #tpu.memory_space<hbm>> -> memref<2048xf32, #tpu.memory_space<hbm>>
      %dma_start3A_322 = tpu.memref_slice %arg4[%add3A_288] : memref<52428800xf32, #tpu.memory_space<hbm>> -> memref<2048xf32, #tpu.memory_space<hbm>>
      %dma_start3A_323 = arith.constant 8192 : i32
      %dma_start3A_324 = tpu.memref_slice %arg9[%dma_start3A_323] : memref<16384xf32, #tpu.memory_space<vmem>> -> memref<2048xf32, #tpu.memory_space<vmem>>
      tpu.enqueue_dma source(%dma_start3A_324 : memref<2048xf32, #tpu.memory_space<vmem>>) target(%dma_start3A_322 : memref<2048xf32, #tpu.memory_space<hbm>>) target_semaphore(%arg15 : memref<!tpu.dma_semaphore, #tpu.memory_space<semaphore_mem>>)
      %dma_start3A_325 = arith.constant 10240 : i32
      %dma_start3A_326 = tpu.memref_slice %arg9[%dma_start3A_325] : memref<16384xf32, #tpu.memory_space<vmem>> -> memref<2048xf32, #tpu.memory_space<vmem>>
      %dma_start3A_327 = tpu.memref_slice %arg4[%add3A_290] : memref<52428800xf32, #tpu.memory_space<hbm>> -> memref<2048xf32, #tpu.memory_space<hbm>>
      %dma_start3A_328 = tpu.memref_slice %arg4[%add3A_290] : memref<52428800xf32, #tpu.memory_space<hbm>> -> memref<2048xf32, #tpu.memory_space<hbm>>
      %dma_start3A_329 = arith.constant 10240 : i32
      %dma_start3A_330 = tpu.memref_slice %arg9[%dma_start3A_329] : memref<16384xf32, #tpu.memory_space<vmem>> -> memref<2048xf32, #tpu.memory_space<vmem>>
      tpu.enqueue_dma source(%dma_start3A_330 : memref<2048xf32, #tpu.memory_space<vmem>>) target(%dma_start3A_328 : memref<2048xf32, #tpu.memory_space<hbm>>) target_semaphore(%arg15 : memref<!tpu.dma_semaphore, #tpu.memory_space<semaphore_mem>>)
      %dma_start3A_331 = arith.constant 12288 : i32
      %dma_start3A_332 = tpu.memref_slice %arg9[%dma_start3A_331] : memref<16384xf32, #tpu.memory_space<vmem>> -> memref<2048xf32, #tpu.memory_space<vmem>>
      %dma_start3A_333 = tpu.memref_slice %arg4[%add3A_292] : memref<52428800xf32, #tpu.memory_space<hbm>> -> memref<2048xf32, #tpu.memory_space<hbm>>
      %dma_start3A_334 = tpu.memref_slice %arg4[%add3A_292] : memref<52428800xf32, #tpu.memory_space<hbm>> -> memref<2048xf32, #tpu.memory_space<hbm>>
      %dma_start3A_335 = arith.constant 12288 : i32
      %dma_start3A_336 = tpu.memref_slice %arg9[%dma_start3A_335] : memref<16384xf32, #tpu.memory_space<vmem>> -> memref<2048xf32, #tpu.memory_space<vmem>>
      tpu.enqueue_dma source(%dma_start3A_336 : memref<2048xf32, #tpu.memory_space<vmem>>) target(%dma_start3A_334 : memref<2048xf32, #tpu.memory_space<hbm>>) target_semaphore(%arg15 : memref<!tpu.dma_semaphore, #tpu.memory_space<semaphore_mem>>)
      %dma_start3A_337 = arith.constant 14336 : i32
      %dma_start3A_338 = tpu.memref_slice %arg9[%dma_start3A_337] : memref<16384xf32, #tpu.memory_space<vmem>> -> memref<2048xf32, #tpu.memory_space<vmem>>
      %dma_start3A_339 = tpu.memref_slice %arg4[%add3A_294] : memref<52428800xf32, #tpu.memory_space<hbm>> -> memref<2048xf32, #tpu.memory_space<hbm>>
      %dma_start3A_340 = tpu.memref_slice %arg4[%add3A_294] : memref<52428800xf32, #tpu.memory_space<hbm>> -> memref<2048xf32, #tpu.memory_space<hbm>>
      %dma_start3A_341 = arith.constant 14336 : i32
      %dma_start3A_342 = tpu.memref_slice %arg9[%dma_start3A_341] : memref<16384xf32, #tpu.memory_space<vmem>> -> memref<2048xf32, #tpu.memory_space<vmem>>
      tpu.enqueue_dma source(%dma_start3A_342 : memref<2048xf32, #tpu.memory_space<vmem>>) target(%dma_start3A_340 : memref<2048xf32, #tpu.memory_space<hbm>>) target_semaphore(%arg15 : memref<!tpu.dma_semaphore, #tpu.memory_space<semaphore_mem>>)
    }
    %scan3A_17 = arith.constant 50 : i32
    %add3A_18 = arith.constant 0 : i32
    %add3A_19 = arith.addi %mul3A_4, %add3A_18 : i32
    %mul3A_20 = arith.constant 1024 : i32
    %mul3A_21 = arith.muli %add3A_19, %mul3A_20 : i32
    %add3A_22 = arith.constant 51380224 : i32
    %add3A_23 = arith.addi %add3A_22, %mul3A_21 : i32
    %add3A_24 = arith.constant 0 : i32
    %add3A_25 = arith.addi %add3A_23, %add3A_24 : i32
    %add3A_26 = arith.constant 131072 : i32
    %add3A_27 = arith.addi %add3A_23, %add3A_26 : i32
    %add3A_28 = arith.constant 262144 : i32
    %add3A_29 = arith.addi %add3A_23, %add3A_28 : i32
    %add3A_30 = arith.constant 393216 : i32
    %add3A_31 = arith.addi %add3A_23, %add3A_30 : i32
    %add3A_32 = arith.constant 524288 : i32
    %add3A_33 = arith.addi %add3A_23, %add3A_32 : i32
    %add3A_34 = arith.constant 655360 : i32
    %add3A_35 = arith.addi %add3A_23, %add3A_34 : i32
    %add3A_36 = arith.constant 786432 : i32
    %add3A_37 = arith.addi %add3A_23, %add3A_36 : i32
    %add3A_38 = arith.constant 917504 : i32
    %add3A_39 = arith.addi %add3A_23, %add3A_38 : i32
    %dma_wait3A = arith.constant 0 : i32
    %dma_wait3A_40 = tpu.memref_slice %arg8[%dma_wait3A] : memref<16384xf32, #tpu.memory_space<vmem>> -> memref<2048xf32, #tpu.memory_space<vmem>>
    %dma_wait3A_41 = tpu.memref_slice %arg4[%add3A_25] : memref<52428800xf32, #tpu.memory_space<hbm>> -> memref<2048xf32, #tpu.memory_space<hbm>>
    %dma_wait3A_42 = tpu.memref_slice %arg4[%add3A_25] : memref<52428800xf32, #tpu.memory_space<hbm>> -> memref<2048xf32, #tpu.memory_space<hbm>>
    %dma_wait3A_43 = arith.constant 0 : i32
    %dma_wait3A_44 = tpu.memref_slice %arg8[%dma_wait3A_43] : memref<16384xf32, #tpu.memory_space<vmem>> -> memref<2048xf32, #tpu.memory_space<vmem>>
    tpu.wait_dma2 semaphore(%arg14 : memref<!tpu.dma_semaphore, #tpu.memory_space<semaphore_mem>>) src(%dma_wait3A_44 : memref<2048xf32, #tpu.memory_space<vmem>>) dst(%dma_wait3A_42 : memref<2048xf32, #tpu.memory_space<hbm>>)
    %dma_wait3A_45 = arith.constant 2048 : i32
    %dma_wait3A_46 = tpu.memref_slice %arg8[%dma_wait3A_45] : memref<16384xf32, #tpu.memory_space<vmem>> -> memref<2048xf32, #tpu.memory_space<vmem>>
    %dma_wait3A_47 = tpu.memref_slice %arg4[%add3A_27] : memref<52428800xf32, #tpu.memory_space<hbm>> -> memref<2048xf32, #tpu.memory_space<hbm>>
    %dma_wait3A_48 = tpu.memref_slice %arg4[%add3A_27] : memref<52428800xf32, #tpu.memory_space<hbm>> -> memref<2048xf32, #tpu.memory_space<hbm>>
    %dma_wait3A_49 = arith.constant 2048 : i32
    %dma_wait3A_50 = tpu.memref_slice %arg8[%dma_wait3A_49] : memref<16384xf32, #tpu.memory_space<vmem>> -> memref<2048xf32, #tpu.memory_space<vmem>>
    tpu.wait_dma2 semaphore(%arg14 : memref<!tpu.dma_semaphore, #tpu.memory_space<semaphore_mem>>) src(%dma_wait3A_50 : memref<2048xf32, #tpu.memory_space<vmem>>) dst(%dma_wait3A_48 : memref<2048xf32, #tpu.memory_space<hbm>>)
    %dma_wait3A_51 = arith.constant 4096 : i32
    %dma_wait3A_52 = tpu.memref_slice %arg8[%dma_wait3A_51] : memref<16384xf32, #tpu.memory_space<vmem>> -> memref<2048xf32, #tpu.memory_space<vmem>>
    %dma_wait3A_53 = tpu.memref_slice %arg4[%add3A_29] : memref<52428800xf32, #tpu.memory_space<hbm>> -> memref<2048xf32, #tpu.memory_space<hbm>>
    %dma_wait3A_54 = tpu.memref_slice %arg4[%add3A_29] : memref<52428800xf32, #tpu.memory_space<hbm>> -> memref<2048xf32, #tpu.memory_space<hbm>>
    %dma_wait3A_55 = arith.constant 4096 : i32
    %dma_wait3A_56 = tpu.memref_slice %arg8[%dma_wait3A_55] : memref<16384xf32, #tpu.memory_space<vmem>> -> memref<2048xf32, #tpu.memory_space<vmem>>
    tpu.wait_dma2 semaphore(%arg14 : memref<!tpu.dma_semaphore, #tpu.memory_space<semaphore_mem>>) src(%dma_wait3A_56 : memref<2048xf32, #tpu.memory_space<vmem>>) dst(%dma_wait3A_54 : memref<2048xf32, #tpu.memory_space<hbm>>)
    %dma_wait3A_57 = arith.constant 6144 : i32
    %dma_wait3A_58 = tpu.memref_slice %arg8[%dma_wait3A_57] : memref<16384xf32, #tpu.memory_space<vmem>> -> memref<2048xf32, #tpu.memory_space<vmem>>
    %dma_wait3A_59 = tpu.memref_slice %arg4[%add3A_31] : memref<52428800xf32, #tpu.memory_space<hbm>> -> memref<2048xf32, #tpu.memory_space<hbm>>
    %dma_wait3A_60 = tpu.memref_slice %arg4[%add3A_31] : memref<52428800xf32, #tpu.memory_space<hbm>> -> memref<2048xf32, #tpu.memory_space<hbm>>
    %dma_wait3A_61 = arith.constant 6144 : i32
    %dma_wait3A_62 = tpu.memref_slice %arg8[%dma_wait3A_61] : memref<16384xf32, #tpu.memory_space<vmem>> -> memref<2048xf32, #tpu.memory_space<vmem>>
    tpu.wait_dma2 semaphore(%arg14 : memref<!tpu.dma_semaphore, #tpu.memory_space<semaphore_mem>>) src(%dma_wait3A_62 : memref<2048xf32, #tpu.memory_space<vmem>>) dst(%dma_wait3A_60 : memref<2048xf32, #tpu.memory_space<hbm>>)
    %dma_wait3A_63 = arith.constant 8192 : i32
    %dma_wait3A_64 = tpu.memref_slice %arg8[%dma_wait3A_63] : memref<16384xf32, #tpu.memory_space<vmem>> -> memref<2048xf32, #tpu.memory_space<vmem>>
    %dma_wait3A_65 = tpu.memref_slice %arg4[%add3A_33] : memref<52428800xf32, #tpu.memory_space<hbm>> -> memref<2048xf32, #tpu.memory_space<hbm>>
    %dma_wait3A_66 = tpu.memref_slice %arg4[%add3A_33] : memref<52428800xf32, #tpu.memory_space<hbm>> -> memref<2048xf32, #tpu.memory_space<hbm>>
    %dma_wait3A_67 = arith.constant 8192 : i32
    %dma_wait3A_68 = tpu.memref_slice %arg8[%dma_wait3A_67] : memref<16384xf32, #tpu.memory_space<vmem>> -> memref<2048xf32, #tpu.memory_space<vmem>>
    tpu.wait_dma2 semaphore(%arg14 : memref<!tpu.dma_semaphore, #tpu.memory_space<semaphore_mem>>) src(%dma_wait3A_68 : memref<2048xf32, #tpu.memory_space<vmem>>) dst(%dma_wait3A_66 : memref<2048xf32, #tpu.memory_space<hbm>>)
    %dma_wait3A_69 = arith.constant 10240 : i32
    %dma_wait3A_70 = tpu.memref_slice %arg8[%dma_wait3A_69] : memref<16384xf32, #tpu.memory_space<vmem>> -> memref<2048xf32, #tpu.memory_space<vmem>>
    %dma_wait3A_71 = tpu.memref_slice %arg4[%add3A_35] : memref<52428800xf32, #tpu.memory_space<hbm>> -> memref<2048xf32, #tpu.memory_space<hbm>>
    %dma_wait3A_72 = tpu.memref_slice %arg4[%add3A_35] : memref<52428800xf32, #tpu.memory_space<hbm>> -> memref<2048xf32, #tpu.memory_space<hbm>>
    %dma_wait3A_73 = arith.constant 10240 : i32
    %dma_wait3A_74 = tpu.memref_slice %arg8[%dma_wait3A_73] : memref<16384xf32, #tpu.memory_space<vmem>> -> memref<2048xf32, #tpu.memory_space<vmem>>
    tpu.wait_dma2 semaphore(%arg14 : memref<!tpu.dma_semaphore, #tpu.memory_space<semaphore_mem>>) src(%dma_wait3A_74 : memref<2048xf32, #tpu.memory_space<vmem>>) dst(%dma_wait3A_72 : memref<2048xf32, #tpu.memory_space<hbm>>)
    %dma_wait3A_75 = arith.constant 12288 : i32
    %dma_wait3A_76 = tpu.memref_slice %arg8[%dma_wait3A_75] : memref<16384xf32, #tpu.memory_space<vmem>> -> memref<2048xf32, #tpu.memory_space<vmem>>
    %dma_wait3A_77 = tpu.memref_slice %arg4[%add3A_37] : memref<52428800xf32, #tpu.memory_space<hbm>> -> memref<2048xf32, #tpu.memory_space<hbm>>
    %dma_wait3A_78 = tpu.memref_slice %arg4[%add3A_37] : memref<52428800xf32, #tpu.memory_space<hbm>> -> memref<2048xf32, #tpu.memory_space<hbm>>
    %dma_wait3A_79 = arith.constant 12288 : i32
    %dma_wait3A_80 = tpu.memref_slice %arg8[%dma_wait3A_79] : memref<16384xf32, #tpu.memory_space<vmem>> -> memref<2048xf32, #tpu.memory_space<vmem>>
    tpu.wait_dma2 semaphore(%arg14 : memref<!tpu.dma_semaphore, #tpu.memory_space<semaphore_mem>>) src(%dma_wait3A_80 : memref<2048xf32, #tpu.memory_space<vmem>>) dst(%dma_wait3A_78 : memref<2048xf32, #tpu.memory_space<hbm>>)
    %dma_wait3A_81 = arith.constant 14336 : i32
    %dma_wait3A_82 = tpu.memref_slice %arg8[%dma_wait3A_81] : memref<16384xf32, #tpu.memory_space<vmem>> -> memref<2048xf32, #tpu.memory_space<vmem>>
    %dma_wait3A_83 = tpu.memref_slice %arg4[%add3A_39] : memref<52428800xf32, #tpu.memory_space<hbm>> -> memref<2048xf32, #tpu.memory_space<hbm>>
    %dma_wait3A_84 = tpu.memref_slice %arg4[%add3A_39] : memref<52428800xf32, #tpu.memory_space<hbm>> -> memref<2048xf32, #tpu.memory_space<hbm>>
    %dma_wait3A_85 = arith.constant 14336 : i32
    %dma_wait3A_86 = tpu.memref_slice %arg8[%dma_wait3A_85] : memref<16384xf32, #tpu.memory_space<vmem>> -> memref<2048xf32, #tpu.memory_space<vmem>>
    tpu.wait_dma2 semaphore(%arg14 : memref<!tpu.dma_semaphore, #tpu.memory_space<semaphore_mem>>) src(%dma_wait3A_86 : memref<2048xf32, #tpu.memory_space<vmem>>) dst(%dma_wait3A_84 : memref<2048xf32, #tpu.memory_space<hbm>>)
    %add3A_87 = arith.constant 2 : i32
    %add3A_88 = arith.addi %mul3A_4, %add3A_87 : i32
    %mul3A_89 = arith.constant 1024 : i32
    %mul3A_90 = arith.muli %add3A_88, %mul3A_89 : i32
    %add3A_91 = arith.constant 51380224 : i32
    %add3A_92 = arith.addi %add3A_91, %mul3A_90 : i32
    %add3A_93 = arith.constant 0 : i32
    %add3A_94 = arith.addi %add3A_92, %add3A_93 : i32
    %add3A_95 = arith.constant 131072 : i32
    %add3A_96 = arith.addi %add3A_92, %add3A_95 : i32
    %add3A_97 = arith.constant 262144 : i32
    %add3A_98 = arith.addi %add3A_92, %add3A_97 : i32
    %add3A_99 = arith.constant 393216 : i32
    %add3A_100 = arith.addi %add3A_92, %add3A_99 : i32
    %add3A_101 = arith.constant 524288 : i32
    %add3A_102 = arith.addi %add3A_92, %add3A_101 : i32
    %add3A_103 = arith.constant 655360 : i32
    %add3A_104 = arith.addi %add3A_92, %add3A_103 : i32
    %add3A_105 = arith.constant 786432 : i32
    %add3A_106 = arith.addi %add3A_92, %add3A_105 : i32
    %add3A_107 = arith.constant 917504 : i32
    %add3A_108 = arith.addi %add3A_92, %add3A_107 : i32
    %dma_wait3A_109 = arith.constant 0 : i32
    %dma_wait3A_110 = tpu.memref_slice %arg9[%dma_wait3A_109] : memref<16384xf32, #tpu.memory_space<vmem>> -> memref<2048xf32, #tpu.memory_space<vmem>>
    %dma_wait3A_111 = tpu.memref_slice %arg4[%add3A_94] : memref<52428800xf32, #tpu.memory_space<hbm>> -> memref<2048xf32, #tpu.memory_space<hbm>>
    %dma_wait3A_112 = tpu.memref_slice %arg4[%add3A_94] : memref<52428800xf32, #tpu.memory_space<hbm>> -> memref<2048xf32, #tpu.memory_space<hbm>>
    %dma_wait3A_113 = arith.constant 0 : i32
    %dma_wait3A_114 = tpu.memref_slice %arg9[%dma_wait3A_113] : memref<16384xf32, #tpu.memory_space<vmem>> -> memref<2048xf32, #tpu.memory_space<vmem>>
    tpu.wait_dma2 semaphore(%arg15 : memref<!tpu.dma_semaphore, #tpu.memory_space<semaphore_mem>>) src(%dma_wait3A_114 : memref<2048xf32, #tpu.memory_space<vmem>>) dst(%dma_wait3A_112 : memref<2048xf32, #tpu.memory_space<hbm>>)
    %dma_wait3A_115 = arith.constant 2048 : i32
    %dma_wait3A_116 = tpu.memref_slice %arg9[%dma_wait3A_115] : memref<16384xf32, #tpu.memory_space<vmem>> -> memref<2048xf32, #tpu.memory_space<vmem>>
    %dma_wait3A_117 = tpu.memref_slice %arg4[%add3A_96] : memref<52428800xf32, #tpu.memory_space<hbm>> -> memref<2048xf32, #tpu.memory_space<hbm>>
    %dma_wait3A_118 = tpu.memref_slice %arg4[%add3A_96] : memref<52428800xf32, #tpu.memory_space<hbm>> -> memref<2048xf32, #tpu.memory_space<hbm>>
    %dma_wait3A_119 = arith.constant 2048 : i32
    %dma_wait3A_120 = tpu.memref_slice %arg9[%dma_wait3A_119] : memref<16384xf32, #tpu.memory_space<vmem>> -> memref<2048xf32, #tpu.memory_space<vmem>>
    tpu.wait_dma2 semaphore(%arg15 : memref<!tpu.dma_semaphore, #tpu.memory_space<semaphore_mem>>) src(%dma_wait3A_120 : memref<2048xf32, #tpu.memory_space<vmem>>) dst(%dma_wait3A_118 : memref<2048xf32, #tpu.memory_space<hbm>>)
    %dma_wait3A_121 = arith.constant 4096 : i32
    %dma_wait3A_122 = tpu.memref_slice %arg9[%dma_wait3A_121] : memref<16384xf32, #tpu.memory_space<vmem>> -> memref<2048xf32, #tpu.memory_space<vmem>>
    %dma_wait3A_123 = tpu.memref_slice %arg4[%add3A_98] : memref<52428800xf32, #tpu.memory_space<hbm>> -> memref<2048xf32, #tpu.memory_space<hbm>>
    %dma_wait3A_124 = tpu.memref_slice %arg4[%add3A_98] : memref<52428800xf32, #tpu.memory_space<hbm>> -> memref<2048xf32, #tpu.memory_space<hbm>>
    %dma_wait3A_125 = arith.constant 4096 : i32
    %dma_wait3A_126 = tpu.memref_slice %arg9[%dma_wait3A_125] : memref<16384xf32, #tpu.memory_space<vmem>> -> memref<2048xf32, #tpu.memory_space<vmem>>
    tpu.wait_dma2 semaphore(%arg15 : memref<!tpu.dma_semaphore, #tpu.memory_space<semaphore_mem>>) src(%dma_wait3A_126 : memref<2048xf32, #tpu.memory_space<vmem>>) dst(%dma_wait3A_124 : memref<2048xf32, #tpu.memory_space<hbm>>)
    %dma_wait3A_127 = arith.constant 6144 : i32
    %dma_wait3A_128 = tpu.memref_slice %arg9[%dma_wait3A_127] : memref<16384xf32, #tpu.memory_space<vmem>> -> memref<2048xf32, #tpu.memory_space<vmem>>
    %dma_wait3A_129 = tpu.memref_slice %arg4[%add3A_100] : memref<52428800xf32, #tpu.memory_space<hbm>> -> memref<2048xf32, #tpu.memory_space<hbm>>
    %dma_wait3A_130 = tpu.memref_slice %arg4[%add3A_100] : memref<52428800xf32, #tpu.memory_space<hbm>> -> memref<2048xf32, #tpu.memory_space<hbm>>
    %dma_wait3A_131 = arith.constant 6144 : i32
    %dma_wait3A_132 = tpu.memref_slice %arg9[%dma_wait3A_131] : memref<16384xf32, #tpu.memory_space<vmem>> -> memref<2048xf32, #tpu.memory_space<vmem>>
    tpu.wait_dma2 semaphore(%arg15 : memref<!tpu.dma_semaphore, #tpu.memory_space<semaphore_mem>>) src(%dma_wait3A_132 : memref<2048xf32, #tpu.memory_space<vmem>>) dst(%dma_wait3A_130 : memref<2048xf32, #tpu.memory_space<hbm>>)
    %dma_wait3A_133 = arith.constant 8192 : i32
    %dma_wait3A_134 = tpu.memref_slice %arg9[%dma_wait3A_133] : memref<16384xf32, #tpu.memory_space<vmem>> -> memref<2048xf32, #tpu.memory_space<vmem>>
    %dma_wait3A_135 = tpu.memref_slice %arg4[%add3A_102] : memref<52428800xf32, #tpu.memory_space<hbm>> -> memref<2048xf32, #tpu.memory_space<hbm>>
    %dma_wait3A_136 = tpu.memref_slice %arg4[%add3A_102] : memref<52428800xf32, #tpu.memory_space<hbm>> -> memref<2048xf32, #tpu.memory_space<hbm>>
    %dma_wait3A_137 = arith.constant 8192 : i32
    %dma_wait3A_138 = tpu.memref_slice %arg9[%dma_wait3A_137] : memref<16384xf32, #tpu.memory_space<vmem>> -> memref<2048xf32, #tpu.memory_space<vmem>>
    tpu.wait_dma2 semaphore(%arg15 : memref<!tpu.dma_semaphore, #tpu.memory_space<semaphore_mem>>) src(%dma_wait3A_138 : memref<2048xf32, #tpu.memory_space<vmem>>) dst(%dma_wait3A_136 : memref<2048xf32, #tpu.memory_space<hbm>>)
    %dma_wait3A_139 = arith.constant 10240 : i32
    %dma_wait3A_140 = tpu.memref_slice %arg9[%dma_wait3A_139] : memref<16384xf32, #tpu.memory_space<vmem>> -> memref<2048xf32, #tpu.memory_space<vmem>>
    %dma_wait3A_141 = tpu.memref_slice %arg4[%add3A_104] : memref<52428800xf32, #tpu.memory_space<hbm>> -> memref<2048xf32, #tpu.memory_space<hbm>>
    %dma_wait3A_142 = tpu.memref_slice %arg4[%add3A_104] : memref<52428800xf32, #tpu.memory_space<hbm>> -> memref<2048xf32, #tpu.memory_space<hbm>>
    %dma_wait3A_143 = arith.constant 10240 : i32
    %dma_wait3A_144 = tpu.memref_slice %arg9[%dma_wait3A_143] : memref<16384xf32, #tpu.memory_space<vmem>> -> memref<2048xf32, #tpu.memory_space<vmem>>
    tpu.wait_dma2 semaphore(%arg15 : memref<!tpu.dma_semaphore, #tpu.memory_space<semaphore_mem>>) src(%dma_wait3A_144 : memref<2048xf32, #tpu.memory_space<vmem>>) dst(%dma_wait3A_142 : memref<2048xf32, #tpu.memory_space<hbm>>)
    %dma_wait3A_145 = arith.constant 12288 : i32
    %dma_wait3A_146 = tpu.memref_slice %arg9[%dma_wait3A_145] : memref<16384xf32, #tpu.memory_space<vmem>> -> memref<2048xf32, #tpu.memory_space<vmem>>
    %dma_wait3A_147 = tpu.memref_slice %arg4[%add3A_106] : memref<52428800xf32, #tpu.memory_space<hbm>> -> memref<2048xf32, #tpu.memory_space<hbm>>
    %dma_wait3A_148 = tpu.memref_slice %arg4[%add3A_106] : memref<52428800xf32, #tpu.memory_space<hbm>> -> memref<2048xf32, #tpu.memory_space<hbm>>
    %dma_wait3A_149 = arith.constant 12288 : i32
    %dma_wait3A_150 = tpu.memref_slice %arg9[%dma_wait3A_149] : memref<16384xf32, #tpu.memory_space<vmem>> -> memref<2048xf32, #tpu.memory_space<vmem>>
    tpu.wait_dma2 semaphore(%arg15 : memref<!tpu.dma_semaphore, #tpu.memory_space<semaphore_mem>>) src(%dma_wait3A_150 : memref<2048xf32, #tpu.memory_space<vmem>>) dst(%dma_wait3A_148 : memref<2048xf32, #tpu.memory_space<hbm>>)
    %dma_wait3A_151 = arith.constant 14336 : i32
    %dma_wait3A_152 = tpu.memref_slice %arg9[%dma_wait3A_151] : memref<16384xf32, #tpu.memory_space<vmem>> -> memref<2048xf32, #tpu.memory_space<vmem>>
    %dma_wait3A_153 = tpu.memref_slice %arg4[%add3A_108] : memref<52428800xf32, #tpu.memory_space<hbm>> -> memref<2048xf32, #tpu.memory_space<hbm>>
    %dma_wait3A_154 = tpu.memref_slice %arg4[%add3A_108] : memref<52428800xf32, #tpu.memory_space<hbm>> -> memref<2048xf32, #tpu.memory_space<hbm>>
    %dma_wait3A_155 = arith.constant 14336 : i32
    %dma_wait3A_156 = tpu.memref_slice %arg9[%dma_wait3A_155] : memref<16384xf32, #tpu.memory_space<vmem>> -> memref<2048xf32, #tpu.memory_space<vmem>>
    tpu.wait_dma2 semaphore(%arg15 : memref<!tpu.dma_semaphore, #tpu.memory_space<semaphore_mem>>) src(%dma_wait3A_156 : memref<2048xf32, #tpu.memory_space<vmem>>) dst(%dma_wait3A_154 : memref<2048xf32, #tpu.memory_space<hbm>>)
    return
  }
}

</mosaic_0001>

<sc_bundles>
// kernel: kernel.3.cloned.1.call-start
scs
__scs_entry_jumppad:
0x0: {  	(pc) =	sbr.rel $0x88, $3  }
0x1: {  	(tag) =	ssettag $0x0;
	lr =	simm.s32 $0x1  }
0x2: {  	[smem:$0x3F9F] =	sst lr;
	_ =	strace $0xD0000000  }
0x3: {  	_ = 	snop  }
0x4: {  	_ = 	snop  }
0x5: {  	_ = 	snop  }
0x6: {  	_ = 	snop  }
0x7: {  	_ = 	snop  }
__scs_overlays_trampoline_lowered:
0x8: {  	[smem:$0x3FAE] =	sst s0  }
0x9: {  	[smem:$0x3FAF] =	sst s1  }
0xa: {  	[smem:$0x3FB0] =	sst s2  }
0xb: {  	[smem:$0x3FB1] =	sst s3  }
0xc: {  	[smem:$0x3FB2] =	sst s4  }
0xd: {  	[smem:$0x3FB3] =	sst s5  }
0xe: {  	[smem:$0x3FB4] =	sst s6  }
0xf: {  	[smem:$0x3FB5] =	sst s7  }
0x10: {  	[smem:$0x3FB6] =	sst s8  }
0x11: {  	[smem:$0x3FB7] =	sst s9;
	s0 =	simm.s32 @!p0 $0x0  }
0x12: {  	s1 =	sld [smem:$0x3F9D];
	s0 =	simm.s32 @p0 $0x1  }
0x13: {  	[smem:$0x3FB8] =	sst s0;
	s0 =	simm.s32 @!p1 $0x0  }
0x14: {  	s2 =	sld [smem:$0x3F9C];
	s0 =	simm.s32 @p1 $0x1  }
0x15: {  	[smem:$0x3FB9] =	sst s0;
	s0 =	simm.s32 @!p2 $0x0  }
0x16: {  	s3 =	sld [smem:$0x3FDB];
	s0 =	simm.s32 @p2 $0x1  }
0x17: {  	s4 =	simm.s32 $0x1BF5;
	[smem:$0x3FBB] =	sst s0  }
0x18: {  	s0 =	sld [smem:$0x3F9E];
	_ =	swait.ge [sflag:s4], $0x0  }
0x19: {  	s7 =	sld [smem:$0x3F9F]  }
0x1a: {  	s8 =	sadd.s32 $0xFFFFE003, lr  }
0x1b: {  	s9 =	sadd.s32 $0xFFFFFEF7, lr;
	s5 =	simm.s32 $0xFFFFFFFF;
	p2 =	slt.u32 s8, $0xFFFFF086  }
0x1c: {  	p1 =	slt.u32 s9, $0xF7A;
	s5 =	simm.s32 @!p2 $0x0  }
0x1d: {  	s5 =	simm.s32 @p1 $0x1;
	p0 =	seq.s32 s7, s2  }
0x1e: {  	s7 =	smul.u32 @!p0 $0xF7A, s2;
	p2 =	seq.s32 @!p0 s5, $0x0  }
0x1f: {  	s9 =	smul.u32 $0xF7A, s1;
	s8 =	simm.s32 @!p0 $0x1BF5;
	p2 =	por !p2, p0  }
0x20: {  	[sflag:s8] =	ssyncset.s32 @!p0 $0xFFFFF086;
	s6 =	sadd.s32 @!p0 s3, s7;
	s7 =	simm.s32 @!p0 $0x108  }
0x21: {  	s3 =	sadd.s32 s3, s9;
	s6 =	sadd.s32 @!p0 $0x88, s6;
	s7 =	simm.s32 @p2 $0x1082  }
0x22: {  	[simem:s7], [sflag:s8] =	dma.local @!p0 [hbm:s6], $0xF7A  }
0x23: {  	s9 =	sor.u32 $0xD0000000, s2;
	s6 =	simm.s32 $0x108;
	_ =	swait.ge @!p0 [sflag:s8], $0x0  }
0x24: {  	s3 =	sadd.s32 $0x88, s3;
	s6 =	simm.s32 @!p1 $0x1082;
	[sflag:s4] =	ssyncset.s32 $0xFFFFF086  }
0x25: {  	[simem:s6], [sflag:s4] =	dma.local [hbm:s3], $0xF7A  }
0x26: {  	[smem:$0x3F9F] =	sst s1;
	(tag) =	ssettag s2;
	_ =	strace s9  }
0x27: {  	s1 =	sld [smem:$0x3FAF]  }
0x28: {  	s2 =	sld [smem:$0x3FB0]  }
0x29: {  	s4 =	sld [smem:$0x3FB2]  }
0x2a: {  	p0 =	seq.s32 s5, $0x0;
	s5 =	sld [smem:$0x3FB3]  }
0x2b: {  	s6 =	sld [smem:$0x3FB4]  }
0x2c: {  	s7 =	sld [smem:$0x3FB5]  }
0x2d: {  	s3 =	simm.s32 $0x108;
	s8 =	sld [smem:$0x3FB6]  }
0x2e: {  	s3 =	simm.s32 @!p0 $0x1082;
	s9 =	sld [smem:$0x3FB7]  }
0x2f: {  	lr =	sadd.s32 s0, s3;
	s0 =	sld [smem:$0x3FAE]  }
0x30: {  	s3 =	sld [smem:$0x3FB1]  }
0x31: {  	[smem:$0x3FBA] =	sst s10  }
0x32: {  	s10 =	sld [smem:$0x3FB8];
	_ =	sdelay $0x3  }
0x33: {  	p0 =	seq.s32 s10, $0x1;
	s10 =	sld [smem:$0x3FBA];
	_ =	sdelay $0x3  }
0x34: {  	[smem:$0x3FBA] =	sst s10  }
0x35: {  	s10 =	sld [smem:$0x3FB9];
	_ =	sdelay $0x3  }
0x36: {  	p1 =	seq.s32 s10, $0x1;
	s10 =	sld [smem:$0x3FBA];
	_ =	sdelay $0x3  }
0x37: {  	[smem:$0x3FBA] =	sst s10  }
0x38: {  	s10 =	sld [smem:$0x3FBB]  }
0x39: {  	_ = 	snop;
	(pc) =	sbr.ind lr, $3  }
0x3a: {  	_ = 	snop  }
0x3b: {  	_ = 	snop  }
0x3c: {  	p2 =	seq.s32 s10, $0x1;
	s10 =	sld [smem:$0x3FBA]  }
0x3d: {  	_ =	shalt  }
0x3e: {  	_ =	shalt  }
0x3f: {  	_ =	shalt  }
0x40: {  	_ =	shalt  }
0x41: {  	_ =	shalt  }
0x42: {  	_ =	shalt  }
0x43: {  	_ =	shalt  }
0x44: {  	_ =	shalt  }
0x45: {  	_ =	shalt  }
0x46: {  	_ =	shalt  }
0x47: {  	_ =	shalt  }
0x48: {  	_ =	shalt  }
0x49: {  	_ =	shalt  }
0x4a: {  	_ =	shalt  }
0x4b: {  	_ =	shalt  }
0x4c: {  	_ =	shalt  }
0x4d: {  	_ =	shalt  }
0x4e: {  	_ =	shalt  }
0x4f: {  	_ =	shalt  }
0x50: {  	_ =	shalt  }
0x51: {  	_ =	shalt  }
0x52: {  	_ =	shalt  }
0x53: {  	_ =	shalt  }
0x54: {  	_ =	shalt  }
0x55: {  	_ =	shalt  }
0x56: {  	_ =	shalt  }
0x57: {  	_ =	shalt  }
0x58: {  	_ =	shalt  }
0x59: {  	_ =	shalt  }
0x5a: {  	_ =	shalt  }
0x5b: {  	_ =	shalt  }
0x5c: {  	_ =	shalt  }
0x5d: {  	_ =	shalt  }
0x5e: {  	_ =	shalt  }
0x5f: {  	_ =	shalt  }
0x60: {  	_ =	shalt  }
0x61: {  	_ =	shalt  }
0x62: {  	_ =	shalt  }
0x63: {  	_ =	shalt  }
0x64: {  	_ =	shalt  }
0x65: {  	_ =	shalt  }
0x66: {  	_ =	shalt  }
0x67: {  	_ =	shalt  }
0x68: {  	_ =	shalt  }
0x69: {  	_ =	shalt  }
0x6a: {  	_ =	shalt  }
0x6b: {  	_ =	shalt  }
0x6c: {  	_ =	shalt  }
0x6d: {  	_ =	shalt  }
0x6e: {  	_ =	shalt  }
0x6f: {  	_ =	shalt  }
0x70: {  	_ =	shalt  }
0x71: {  	_ =	shalt  }
0x72: {  	_ =	shalt  }
0x73: {  	_ =	shalt  }
0x74: {  	_ =	shalt  }
0x75: {  	_ =	shalt  }
0x76: {  	_ =	shalt  }
0x77: {  	_ =	shalt  }
0x78: {  	_ =	shalt  }
0x79: {  	_ =	shalt  }
0x7a: {  	_ =	shalt  }
0x7b: {  	_ =	shalt  }
0x7c: {  	_ =	shalt  }
0x7d: {  	_ =	shalt  }
0x7e: {  	_ =	shalt  }
0x7f: {  	_ =	shalt  }
0x80: {  	_ =	shalt  }
0x81: {  	_ =	shalt  }
0x82: {  	_ =	shalt  }
0x83: {  	_ =	shalt  }
0x84: {  	_ =	shalt  }
0x85: {  	_ =	shalt  }
0x86: {  	_ =	shalt  }
0x87: {  	_ =	shalt  }
.Lfunc_end0:
.L_simem_size_0:
called_computation_lowered:
.L_overlay_start_0:
0x88: {  	s2 =	sld [smem:$0x3FD9]  }
0x89: {  	s3 =	sld [smem:$0x3FFE];
	_ =	sdelay $0x1  }
0x8a: {  	s1 =	srdreg.scid  }
0x8b: {  	s0 =	sand.u32 $0x1, s1  }
0x8c: {  	s17 =	sshll.u32 s0, $0xA;
	s2 =	sadd.s32 s3, s2  }
0x8d: {  	s2 =	sadd.s32 s2, s17  }
0x8e: {  	[smem:$0x3FC6] =	sst s2  }
0x8f: {  	_ = 	snop  }
0x90: {  	s2 =	sld [smem:$0x3FD0];
	(tm) =	ssettm $0x1  }
0x91: {  	s18 =	sld [smem:$0x3FFB];
	_ =	sdelay $0x3  }
0x92: {  	_ =	strace s18  }
0x93: {  	s3 =	sld [smem:$0x3FFC];
	_ =	sdelay $0x3  }
0x94: {  	_ =	strace s3  }
0x95: {  	s3 =	sld [smem:$0x3FFD];
	_ =	sdelay $0x3  }
0x96: {  	_ =	strace s3  }
0x97: {  	_ =	strace $0x8FFFFFFF  }
0x98: {  	s19 =	sld [smem:$0x3FDB];
	_ =	sdelay $0x1  }
0x99: {  	s4 =	simm.s32 $_scs_section_size  }
0x9a: {  	s5 =	simm.s32 $_size__tile_overlayer_lowered;
	s6 =	simm.s32 $_tile_overlayer_lowered  }
0x9b: {  	s22 =	simm.s32 $0x1BFF;
	s21 =	sshll.u32 s6, $0x1;
	s3 =	sadd.s32 s4, s19  }
0x9c: {  	s7 =	simm.s32 $0x0;
	s20 =	sshll.u32 s5, $0x1;
	s5 =	sadd.s32 s21, s3  }
0x9d: {  	[timem:s7], [sflag:s22] =	dma.local [hbm:s5], s20  }
0x9e: {  	_ =	swait.ge [sflag:s22], s20  }
0x9f: {  	s4 =	ssub.s32 $0x0, s20;
	[sflag:s22] =	ssyncset.done $0x0  }
0xa0: {  	[sflag:s22] =	ssyncadd.s32 s4;
	_ =	sdelay $0x1  }
0xa1: {  	s23 =	simm.s32 $0x1B8B  }
0xa2: {  	_ =	swait.ge [sflag:s23], $0x1  }
0xa3: {  	[sflag:s23] =	ssyncset.done $0x0  }
0xa4: {  	s25 =	simm.s32 $0x1B8E;
	s24 =	sld [smem:$0x3FFE];
	[sflag:s23] =	ssyncadd.s32 $0xFFFFFFFF  }
0xa5: {  	s26 =	simm.s32 $execute0_lowered;
	[smem:$0x3FD2] =	sst s25  }
0xa6: {  	s5 =	sshll.u32 s26, $0x1;
	_ =	strace $0x80000046;
	[dreg:$0x1] =	wrdreg $0xFFFFFFFF  }
0xa7: {  	s28 =	simm.s32 $_size_execute0_lowered;
	s3 =	sadd.s32 s3, s5;
	[dreg:$0x0] =	wrdreg $0x0  }
0xa8: {  	s5 =	sshll.u32 s28, $0x1;
	[dreg:$0x2] =	wrdreg s3  }
0xa9: {  	[dreg:$0x3] =	wrdreg s5  }
0xaa: {  	[dreg:$0x4] =	wrdreg $0xC0  }
0xab: {  	_ =	task [dreg:s7], $0x5FFFF  }
0xac: {  	[dreg:$0x1] =	wrdreg $0xFFFFFFFF  }
0xad: {  	[dreg:$0x0] =	wrdreg $0x60  }
0xae: {  	[dreg:$0x2] =	wrdreg s24  }
0xaf: {  	[dreg:$0x3] =	wrdreg s2  }
0xb0: {  	[dreg:$0x4] =	wrdreg $0x9  }
0xb1: {  	_ =	task.clear_ibuf [dreg:s7], $0x5FFFF;
	_ =	strace $0x90000046  }
0xb2: {  	s29 =	simm.s32 $0x9;
	_ =	strace $0x80000048  }
0xb3: {  	_ =	swait.ge [sflag:s29], $0x1  }
0xb4: {  	[sflag:s29] =	ssyncadd.s32 $0xFFFFFFFF  }
0xb5: {  	_ =	strace $0x90000048  }
0xb6: {  	_ =	sfence  }
0xb7: {  	s30 =	sld [smem:$0x0];
	_ =	sdelay $0x2  }
0xb8: {  	s31 =	sshll.u32 s1, $0xD;
	s1 =	sshrl.u32 s1, $0x2  }
0xb9: {  	s3 =	sand.u32 $0x4000, s31;
	s1 =	sadd.s32 s1, s30  }
0xba: {  	s0 =	sor.u32 s3, s0;
	s1 =	sshll.u32 s1, $0x11  }
0xbb: {  	s0 =	sor.u32 s1, s0  }
0xbc: {  	s0 =	sadd.s32 $0x8F2B, s0  }
0xbd: {  	[sflag:s0] =	ssyncadd.remote.s32 $0x1  }
0xbe: {  	_ =	sfence.sel $0xFFFF  }
0xbf: {  	[dreg:$0x0] =	wrdreg $0xFFFFFFFF;
	(pc) =	sbr.abs _section_cstart, $3  }
0xc0: {  	[dreg:$0x1] =	wrdreg $0xFFFFFFFF  }
0xc1: {  	_ =	task.clear_ibuf [dreg:s7], $0x2FFFF;
	_ =	strace $0x9FFFFFFF  }
0xc2: {  	(tm) =	ssettm $0x7FFFFFFF  }
0xc3: {  	_ =	shalt  }
tec
execute0_lowered:
.L_overlay_start_1:
0x0: {  	(tag) =	ssettag $0x1  }
0x1: {  	s0 =	rddreg [dreg:$0x0]  }
0x2: {  	s1 =	srdreg.scid;
	s3 =	stileid.u32  }
0x3: {  	s2 =	rddreg [dreg:$0x1];
	s19 =	simm.s32 $0x6400;
	s20 =	simm.s32 $0x1  }
0x4: {  	s21 =	simm.s32 $0xA400;
	s22 =	simm.s32 $0xE400;
	s31 =	simm.s32 $0x2  }
0x5: {  	s24 =	simm.s32 $0x4;
	s1 =	sand.u32 $0x1, s1;
	s4 =	sshll.u32 s3, $0x1  }
0x6: {  	v0 =	vlaneseq.u32;
	s3 =	simm.s32 $0x0;
	s8 =	sadd.s32 $0x8000, s2;
	s9 =	sadd.s32 $0xC000, s2  }
0x7: {  	s10 =	sadd.s32 $0x10000, s2;
	s11 =	sadd.s32 $0x14000, s2;
	s12 =	sadd.s32 $0x18000, s2;
	v1 =	vmul.u32 $0x40, v0  }
0x8: {  	s13 =	sadd.s32 $0x1C000, s2;
	s5 =	sor.u32 s1, s4;
	[smem:$0x7FF] =	sst s3  }
0x9: {  	s1 =	ssub.s32 $0x2, s1;
	s4 =	sshll.u32 s5, $0x6;
	_ =	strace $0x80000047;
	v2 =	vor.u32 $0x400, v1;
	v3 =	vor.u32 $0x800, v1;
	v4 =	vor.u32 $0xC00, v1  }
0xa: {  	s7 =	sshrl.u32 s1, $0x1;
	s5 =	sshll.u32 s5, $0xC;
	v5 =	vor.u32 $0x1000, v1;
	v6 =	vor.u32 $0x1400, v1;
	v7 =	vor.u32 $0x1800, v1;
	s6 =	sadd.s32 s4, s0  }
0xb: {  	v8 =	vor.u32 $0x1C00, v1;
	v9 =	vor.u32 $0x2000, v1;
	v10 =	vor.u32 $0x2400, v1;
	s4 =	sadd.s32 $0xF42A00, s0;
	s29 =	ssub.s32 s1, s7;
	s30 =	sadd.s32 $0x600, s6  }
0xc: {  	v11 =	vor.u32 $0x2800, v1;
	v12 =	vor.u32 $0x2C00, v1;
	v13 =	vor.u32 $0x3000, v1;
	s7 =	sadd.s32 $0x4000, s2;
	s0 =	smax.u32 s29, $0x1;
	[dreg:$0x3] =	wrdreg s30  }
0xd: {  	v14 =	vor.u32 $0x3400, v1;
	v15 =	vor.u32 $0x3800, v1;
	v16 =	vor.u32 $0x3C00, v1;
	s1 =	simm.s32 $0x12400;
	s6 =	simm.s32 $0x0;
	[dreg:$0x4] =	wrdreg s0  }
.LBB2_1:
0xe: {  	s0 =	simm.s32 $0x1  }
0xf: {  	v18 =	vadd.s32 s0, v0  }
0x10: {  	v17 =	vadd.s32 s3, v0;
	v19 =	vshll.u32 v18, $0x8;
	v20 =	vshll.u32 v18, $0x7  }
0x11: {  	v21 =	vshll.u32 v17, $0x8;
	v19 =	vand.u32 $0x3800, v19;
	v20 =	vand.u32 $0x380, v20  }
0x12: {  	[dreg:$0x5] =	wrdreg s6;
	s0 =	simm.s32 $0x16410;
	v22 =	vshll.u32 v17, $0x7;
	v23 =	vand.u32 $0x3F, v18;
	v20 =	vor.u32 v19, v20  }
0x13: {  	s6 =	simm.s32 $0x16810;
	s14 =	simm.s32 $0x2;
	v18 =	vand.u32 $0x3800, v21;
	[tilespmem:s0+$0x0] =	vst v23;
	v19 =	vand.u32 $0x380, v22;
	v20 =	vor.u32 v0, v20  }
.LBB2_2:
0x14: {  	s15 =	sadd.s32 $0x1, s14  }
0x15: {  	p0 =	slt.u32 s14, $0x3E;
	v17 =	vand.u32 $0x3F, v17;
	v18 =	vor.u32 v18, v19;
	[tilespmem:s6+$0x0] =	vst v20;
	s16 =	smov.u32 s14;
	s14 =	sadd.s32 $0x2, s14  }
.Ltmp0:
0x16: {  	v19 =	vadd.s32 s15, v0;
	[tilespmem:s0+$0xFFFFFFF0] =	vst v17;
	v18 =	vor.u32 v0, v18;
	(pc) =	sbr.rel @p0 .LBB2_2-.Ltmp0, $4  }
0x17: {  	v17 =	vadd.s32 s16, v0;
	v20 =	vshll.u32 v19, $0x8;
	v21 =	vshll.u32 v19, $0x7;
	[tilespmem:s6+$0xFFFFFFF0] =	vst v18  }
0x18: {  	v18 =	vshll.u32 v17, $0x8;
	v20 =	vand.u32 $0x3800, v20;
	v21 =	vand.u32 $0x380, v21  }
0x19: {  	s0 =	sadd.s32 $0x20, s0;
	v22 =	vshll.u32 v17, $0x7;
	v23 =	vand.u32 $0x3F, v19;
	v20 =	vor.u32 v20, v21  }
0x1a: {  	s6 =	sadd.s32 $0x20, s6;
	v18 =	vand.u32 $0x3800, v18;
	v19 =	vand.u32 $0x380, v22;
	[tilespmem:s0+$0x0] =	vst v23;
	v20 =	vor.u32 v0, v20  }
0x1b: {  	v17 =	vand.u32 $0x3F, v17;
	v18 =	vor.u32 v18, v19;
	[tilespmem:s6+$0x0] =	vst v20  }
0x1c: {  	[tilespmem:s0+$0xFFFFFFF0] =	vst v17;
	v17 =	vor.u32 v0, v18  }
0x1d: {  	s25 =	simm.s32 $0x0;
	s28 =	simm.s32 $0x200;
	[tilespmem:s6+$0xFFFFFFF0] =	vst v17  }
0x1e: {  	s14 =	simm.s32 $0x4000;
	s29 =	simm.s32 $0x5;
	s0 =	rddreg [dreg:$0x3]  }
0x1f: {  	[tilespmem:s25], [sflag:$0x5] =	stream.strided.gather [hbm4b:s0+s28], $0x6400, s14, s28, $0x38;
	[tilespmem:$0x16C00] =	vst v63  }
0x20: {  	_ =	swait.ge [sflag:s29], $0x6400  }
0x21: {  	[sflag:s29] =	ssyncset.done $0x0  }
0x22: {  	s30 =	simm.s32 $0x100;
	[sflag:s29] =	ssyncadd.s32 $0xFFFF9C00  }
0x23: {  	[tilespmem:s19], [sflag:$0x1] =	stream.indirect.gather [hbm4b:s4+s30], $0x40, s25, s30, $0xb8;
	[tilespmem:$0x16C00] =	vst v63  }
.LBB2_4:
0x24: {  	_ =	swait.ge [sflag:s20], $0x4000;
	s0 =	sshll.u32 s25, $0x9  }
0x25: {  	s6 =	simm.s32 $0x100;
	[sflag:s20] =	ssyncset.done $0x0;
	s28 =	sand.u32 $0x3FFFFE00, s0  }
0x26: {  	p0 =	seq.s32 s25, $0x0;
	[sflag:s20] =	ssyncadd.s32 $0xFFFFC000;
	s0 =	sor.u32 $0x100, s28  }
0x27: {  	[tilespmem:s21], [sflag:$0x2] =	stream.indirect.gather [hbm4b:s4+s6], $0x40, s0, s6, $0xb8;
	[tilespmem:$0x16C00] =	vst v63  }
0x28: {  	s0 =	simm.s32 @!p0 $0x3  }
0x29: {  	_ =	swait.ge @!p0 [sflag:s0], $0x800  }
0x2a: {  	[sflag:s0] =	ssyncset.done @!p0 $0x0  }
0x2b: {  	[sflag:s0] =	ssyncadd.s32 @!p0 $0xFFFFF800  }
0x2c: {  	_ =	swait.ge @!p0 [sflag:s0], $0x800  }
0x2d: {  	[sflag:s0] =	ssyncset.done @!p0 $0x0  }
0x2e: {  	[sflag:s0] =	ssyncadd.s32 @!p0 $0xFFFFF800  }
0x2f: {  	_ =	swait.ge @!p0 [sflag:s0], $0x800  }
0x30: {  	[sflag:s0] =	ssyncset.done @!p0 $0x0  }
0x31: {  	[sflag:s0] =	ssyncadd.s32 @!p0 $0xFFFFF800  }
0x32: {  	_ =	swait.ge @!p0 [sflag:s0], $0x800  }
0x33: {  	[sflag:s0] =	ssyncset.done @!p0 $0x0  }
0x34: {  	[sflag:s0] =	ssyncadd.s32 @!p0 $0xFFFFF800  }
0x35: {  	_ =	swait.ge @!p0 [sflag:s0], $0x800  }
0x36: {  	[sflag:s0] =	ssyncset.done @!p0 $0x0  }
0x37: {  	[sflag:s0] =	ssyncadd.s32 @!p0 $0xFFFFF800  }
0x38: {  	_ =	swait.ge @!p0 [sflag:s0], $0x800  }
0x39: {  	[sflag:s0] =	ssyncset.done @!p0 $0x0  }
0x3a: {  	[sflag:s0] =	ssyncadd.s32 @!p0 $0xFFFFF800  }
0x3b: {  	_ =	swait.ge @!p0 [sflag:s0], $0x800  }
0x3c: {  	[sflag:s0] =	ssyncset.done @!p0 $0x0  }
0x3d: {  	[sflag:s0] =	ssyncadd.s32 @!p0 $0xFFFFF800  }
0x3e: {  	_ =	swait.ge @!p0 [sflag:s0], $0x800  }
0x3f: {  	[sflag:s0] =	ssyncset.done @!p0 $0x0  }
0x40: {  	s6 =	simm.s32 $0x16410;
	[sflag:s0] =	ssyncadd.s32 @!p0 $0xFFFFF800  }
0x41: {  	v31 =	vld [tilespmem:s6+$0xFFFFFFF0];
	_ =	sdelay $0x1  }
0x42: {  	v29 =	vld [tilespmem:s6+$0x0];
	_ =	sdelay $0x2  }
0x43: {  	v17 =	vadd.s32 v1, v31;
	_ =	sdelay $0x1  }
0x44: {  	v18 =	vadd.s32 v1, v29  }
0x45: {  	s14 =	simm.s32 $0x16810  }
0x46: {  	v33 =	vld [tilespmem:s14+$0xFFFFFFF0]  }
0x47: {  	v17 =	vld.idx.msk [tilespmem:v17+s19+$0x0], $0xffff  }
0x48: {  	v30 =	vld [tilespmem:s14+$0x0]  }
0x49: {  	v18 =	vld.idx.msk [tilespmem:v18+s19+$0x0], $0xffff  }
0x4a: {  	s30 =	simm.s32 $0x16430;
	v19 =	vadd.s32 v2, v31  }
0x4b: {  	v22 =	vld [tilespmem:s30+$0x0]  }
0x4c: {  	v21 =	vadd.s32 v2, v29;
	v17 =	vmul.f32 $8.000000000e+00, v17;
	_ =	sdelay $0x1  }
0x4d: {  	v20 =	vld [tilespmem:s30+$0xFFFFFFF0];
	v18 =	vmul.f32 $8.000000000e+00, v18;
	[tilespmem:v33+s22+$0x0] =	vst.idx.msk $0xffff, v17  }
0x4e: {  	v17 =	vld.idx.msk [tilespmem:v19+s19+$0x0], $0xffff  }
0x4f: {  	v27 =	vadd.s32 v1, v22;
	[tilespmem:v30+s22+$0x0] =	vst.idx.msk $0xffff, v18  }
0x50: {  	v18 =	vld.idx.msk [tilespmem:v21+s19+$0x0], $0xffff;
	v21 =	vadd.s32 $0x10, v33  }
0x51: {  	v23 =	vadd.s32 v3, v31  }
0x52: {  	v25 =	vadd.s32 v1, v20  }
0x53: {  	v24 =	vadd.s32 $0x10, v30;
	v17 =	vmul.f32 $8.000000000e+00, v17  }
0x54: {  	s16 =	simm.s32 $0x16830;
	v26 =	vadd.s32 v3, v29;
	v27 =	vld.idx.msk [tilespmem:v27+s19+$0x0], $0xffff  }
0x55: {  	v19 =	vld [tilespmem:s16+$0xFFFFFFF0];
	[tilespmem:v21+s22+$0x0] =	vst.idx.msk $0xffff, v17  }
0x56: {  	v17 =	vmul.f32 $8.000000000e+00, v18;
	v18 =	vld.idx.msk [tilespmem:v23+s19+$0x0], $0xffff  }
0x57: {  	v21 =	vld.idx.msk [tilespmem:v25+s19+$0x0], $0xffff  }
0x58: {  	[tilespmem:v24+s22+$0x0] =	vst.idx.msk $0xffff, v17;
	v24 =	vadd.s32 $0x20, v33;
	v17 =	vld [tilespmem:s16+$0x0]  }
0x59: {  	v25 =	vld.idx.msk [tilespmem:v26+s19+$0x0], $0xffff;
	v26 =	vadd.s32 v4, v31  }
0x5a: {  	v32 =	vadd.s32 v2, v20  }
0x5b: {  	v18 =	vmul.f32 $8.000000000e+00, v18  }
0x5c: {  	s29 =	simm.s32 $0x16450;
	v28 =	vadd.s32 $0x20, v30;
	v35 =	vadd.s32 v2, v22;
	v21 =	vmul.f32 $8.000000000e+00, v21  }
0x5d: {  	v34 =	vadd.s32 v4, v29;
	v23 =	vld [tilespmem:s29+$0xFFFFFFF0];
	[tilespmem:v24+s22+$0x0] =	vst.idx.msk $0xffff, v18  }
0x5e: {  	[tilespmem:v19+s22+$0x0] =	vst.idx.msk $0xffff, v21;
	v21 =	vmul.f32 $8.000000000e+00, v27;
	v18 =	vmul.f32 $8.000000000e+00, v25;
	v25 =	vld.idx.msk [tilespmem:v26+s19+$0x0], $0xffff  }
0x5f: {  	v26 =	vld.idx.msk [tilespmem:v32+s19+$0x0], $0xffff  }
0x60: {  	v27 =	vadd.s32 $0x30, v33;
	v24 =	vld [tilespmem:s29+$0x0];
	[tilespmem:v17+s22+$0x0] =	vst.idx.msk $0xffff, v21  }
0x61: {  	v46 =	vadd.s32 v5, v31;
	v47 =	vadd.s32 $0x10, v19;
	[tilespmem:v28+s22+$0x0] =	vst.idx.msk $0xffff, v18;
	v35 =	vld.idx.msk [tilespmem:v35+s19+$0x0], $0xffff  }
0x62: {  	v36 =	vadd.s32 v3, v20;
	v28 =	vld.idx.msk [tilespmem:v34+s19+$0x0], $0xffff  }
0x63: {  	s0 =	simm.s32 $0x16850;
	v40 =	vadd.s32 v1, v23;
	v39 =	vadd.s32 $0x10, v17;
	v25 =	vmul.f32 $8.000000000e+00, v25  }
0x64: {  	v37 =	vadd.s32 $0x30, v30;
	v18 =	vld [tilespmem:s0+$0x0];
	v26 =	vmul.f32 $8.000000000e+00, v26  }
0x65: {  	v38 =	vadd.s32 v5, v29;
	v21 =	vld [tilespmem:s0+$0xFFFFFFF0];
	[tilespmem:v27+s22+$0x0] =	vst.idx.msk $0xffff, v25  }
0x66: {  	v41 =	vadd.s32 v3, v22;
	[tilespmem:v47+s22+$0x0] =	vst.idx.msk $0xffff, v26;
	v26 =	vmul.f32 $8.000000000e+00, v35;
	v27 =	vld.idx.msk [tilespmem:v46+s19+$0x0], $0xffff  }
0x67: {  	v25 =	vmul.f32 $8.000000000e+00, v28;
	v28 =	vadd.s32 v1, v24;
	v48 =	vld.idx.msk [tilespmem:v36+s19+$0x0], $0xffff  }
0x68: {  	s26 =	simm.s32 $0x16470;
	v49 =	vadd.s32 $0x40, v33;
	[tilespmem:v39+s22+$0x0] =	vst.idx.msk $0xffff, v26;
	v26 =	vld.idx.msk [tilespmem:v40+s19+$0x0], $0xffff  }
0x69: {  	v51 =	vadd.s32 v6, v31;
	v52 =	vadd.s32 $0x20, v19;
	[tilespmem:v37+s22+$0x0] =	vst.idx.msk $0xffff, v25;
	v25 =	vld [tilespmem:s26+$0xFFFFFFF0]  }
0x6a: {  	v53 =	vadd.s32 v4, v20;
	v50 =	vld.idx.msk [tilespmem:v38+s19+$0x0], $0xffff  }
0x6b: {  	v43 =	vadd.s32 v2, v23;
	v39 =	vld.idx.msk [tilespmem:v41+s19+$0x0], $0xffff;
	v27 =	vmul.f32 $8.000000000e+00, v27  }
0x6c: {  	v54 =	vadd.s32 $0x40, v30;
	v28 =	vld.idx.msk [tilespmem:v28+s19+$0x0], $0xffff;
	v32 =	vmul.f32 $8.000000000e+00, v48  }
0x6d: {  	v55 =	vadd.s32 v6, v29;
	v42 =	vadd.s32 $0x20, v17;
	v26 =	vmul.f32 $8.000000000e+00, v26;
	[tilespmem:v49+s22+$0x0] =	vst.idx.msk $0xffff, v27  }
0x6e: {  	v44 =	vadd.s32 v4, v22;
	[tilespmem:v52+s22+$0x0] =	vst.idx.msk $0xffff, v32;
	v34 =	vld.idx.msk [tilespmem:v51+s19+$0x0], $0xffff  }
0x6f: {  	v27 =	vmul.f32 $8.000000000e+00, v50;
	v32 =	vld.idx.msk [tilespmem:v53+s19+$0x0], $0xffff;
	[tilespmem:v21+s22+$0x0] =	vst.idx.msk $0xffff, v26  }
0x70: {  	v56 =	vadd.s32 v2, v24;
	v57 =	vmul.f32 $8.000000000e+00, v39;
	v60 =	vld.idx.msk [tilespmem:v43+s19+$0x0], $0xffff  }
0x71: {  	v48 =	vadd.s32 v1, v25;
	[tilespmem:v54+s22+$0x0] =	vst.idx.msk $0xffff, v27;
	v26 =	vmul.f32 $8.000000000e+00, v28;
	v28 =	vld [tilespmem:s26+$0x0]  }
0x72: {  	v27 =	vadd.s32 $0x50, v33;
	[tilespmem:v42+s22+$0x0] =	vst.idx.msk $0xffff, v57;
	v58 =	vld.idx.msk [tilespmem:v55+s19+$0x0], $0xffff  }
0x73: {  	s15 =	simm.s32 $0x16870;
	v59 =	vadd.s32 v7, v31;
	v61 =	vadd.s32 $0x30, v19;
	v62 =	vld.idx.msk [tilespmem:v44+s19+$0x0], $0xffff  }
0x74: {  	v63 =	vadd.s32 $0x50, v30;
	v52 =	vadd.s32 v5, v20;
	[tilespmem:v18+s22+$0x0] =	vst.idx.msk $0xffff, v26;
	v26 =	vld [tilespmem:s15+$0x0]  }
0x75: {  	v46 =	vadd.s32 $0x30, v17;
	v53 =	vadd.s32 v7, v29;
	v35 =	vld.idx.msk [tilespmem:v56+s19+$0x0], $0xffff;
	v34 =	vmul.f32 $8.000000000e+00, v34  }
0x76: {  	v54 =	vadd.s32 $0x10, v21;
	v55 =	vadd.s32 v5, v22;
	v44 =	vld.idx.msk [tilespmem:v48+s19+$0x0], $0xffff;
	v32 =	vmul.f32 $8.000000000e+00, v32  }
0x77: {  	v45 =	vadd.s32 v3, v23;
	v47 =	vadd.s32 $0x10, v18;
	[tilespmem:v27+s22+$0x0] =	vst.idx.msk $0xffff, v34;
	v37 =	vmul.f32 $8.000000000e+00, v58;
	v27 =	vld [tilespmem:s15+$0xFFFFFFF0]  }
0x78: {  	v57 =	vadd.s32 v1, v28;
	[tilespmem:v61+s22+$0x0] =	vst.idx.msk $0xffff, v32;
	v40 =	vmul.f32 $8.000000000e+00, v62;
	v38 =	vld.idx.msk [tilespmem:v59+s19+$0x0], $0xffff  }
0x79: {  	v56 =	vadd.s32 v3, v24;
	v39 =	vmul.f32 $8.000000000e+00, v60;
	v36 =	vld.idx.msk [tilespmem:v52+s19+$0x0], $0xffff;
	[tilespmem:v63+s22+$0x0] =	vst.idx.msk $0xffff, v37  }
0x7a: {  	v58 =	vadd.s32 $0x60, v33;
	v35 =	vmul.f32 $8.000000000e+00, v35;
	[tilespmem:v46+s22+$0x0] =	vst.idx.msk $0xffff, v40;
	v41 =	vld.idx.msk [tilespmem:v53+s19+$0x0], $0xffff  }
0x7b: {  	v60 =	vadd.s32 $0x40, v19;
	[tilespmem:v54+s22+$0x0] =	vst.idx.msk $0xffff, v39;
	v59 =	vadd.s32 v8, v31;
	v34 =	vld.idx.msk [tilespmem:v55+s19+$0x0], $0xffff  }
0x7c: {  	v61 =	vadd.s32 v6, v20;
	v42 =	vld.idx.msk [tilespmem:v45+s19+$0x0], $0xffff;
	[tilespmem:v47+s22+$0x0] =	vst.idx.msk $0xffff, v35;
	v35 =	vadd.s32 $0x60, v30  }
0x7d: {  	v50 =	vadd.s32 $0x40, v17;
	v46 =	vadd.s32 v8, v29;
	v37 =	vld.idx.msk [tilespmem:v57+s19+$0x0], $0xffff;
	v38 =	vmul.f32 $8.000000000e+00, v38  }
0x7e: {  	s17 =	simm.s32 $0x16490;
	v62 =	vadd.s32 $0x20, v21;
	v57 =	vadd.s32 v6, v22;
	v63 =	vld.idx.msk [tilespmem:v56+s19+$0x0], $0xffff;
	v56 =	vmul.f32 $8.000000000e+00, v36  }
0x7f: {  	v49 =	vadd.s32 v4, v23;
	v48 =	vadd.s32 v5, v23;
	v29 =	vld [tilespmem:s17+$0xFFFFFFF0];
	[tilespmem:v58+s22+$0x0] =	vst.idx.msk $0xffff, v38;
	v58 =	vmul.f32 $8.000000000e+00, v41  }
0x80: {  	v52 =	vadd.s32 v2, v25;
	[tilespmem:v60+s22+$0x0] =	vst.idx.msk $0xffff, v56;
	v34 =	vmul.f32 $8.000000000e+00, v34;
	v38 =	vld.idx.msk [tilespmem:v59+s19+$0x0], $0xffff  }
0x81: {  	v51 =	vadd.s32 $0x20, v18;
	v32 =	vadd.s32 v5, v28;
	v59 =	vmul.f32 $8.000000000e+00, v42;
	v45 =	vld.idx.msk [tilespmem:v61+s19+$0x0], $0xffff;
	[tilespmem:v35+s22+$0x0] =	vst.idx.msk $0xffff, v58  }
0x82: {  	v33 =	vadd.s32 $0x70, v33;
	v60 =	vadd.s32 v4, v24;
	v61 =	vmul.f32 $8.000000000e+00, v44;
	[tilespmem:v50+s22+$0x0] =	vst.idx.msk $0xffff, v34;
	v54 =	vld.idx.msk [tilespmem:v46+s19+$0x0], $0xffff  }
0x83: {  	v53 =	vadd.s32 v2, v28;
	v35 =	vadd.s32 $0x70, v30;
	v30 =	vmul.f32 $8.000000000e+00, v37;
	[tilespmem:v62+s22+$0x0] =	vst.idx.msk $0xffff, v59;
	v40 =	vld.idx.msk [tilespmem:v57+s19+$0x0], $0xffff  }
0x84: {  	v31 =	vadd.s32 v5, v24;
	v41 =	vadd.s32 $0x50, v19;
	v62 =	vmul.f32 $8.000000000e+00, v63;
	[tilespmem:v27+s22+$0x0] =	vst.idx.msk $0xffff, v61;
	v44 =	vld.idx.msk [tilespmem:v49+s19+$0x0], $0xffff  }
0x85: {  	v39 =	vadd.s32 v3, v25;
	v37 =	vadd.s32 v7, v20;
	v50 =	vld.idx.msk [tilespmem:v52+s19+$0x0], $0xffff;
	[tilespmem:v26+s22+$0x0] =	vst.idx.msk $0xffff, v30  }
0x86: {  	v36 =	vadd.s32 v7, v22;
	v46 =	vadd.s32 $0x30, v21;
	v30 =	vld [tilespmem:s17+$0x0];
	[tilespmem:v51+s22+$0x0] =	vst.idx.msk $0xffff, v62;
	v63 =	vmul.f32 $8.000000000e+00, v38  }
0x87: {  	v42 =	vadd.s32 v3, v29;
	v47 =	vld.idx.msk [tilespmem:v60+s19+$0x0], $0xffff;
	v38 =	vadd.s32 $0x50, v17;
	v45 =	vmul.f32 $8.000000000e+00, v45  }
0x88: {  	s18 =	simm.s32 $0x8;
	s23 =	simm.s32 $0x16890;
	v52 =	vadd.s32 $0x10, v27;
	v49 =	vadd.s32 $0x30, v18;
	v51 =	vld.idx.msk [tilespmem:v53+s19+$0x0], $0xffff;
	[tilespmem:v33+s22+$0x0] =	vst.idx.msk $0xffff, v63;
	v43 =	vmul.f32 $8.000000000e+00, v54  }
.LBB2_5:
0x89: {  	s18 =	sadd.s32 $0x2, s18;
	v33 =	vld [tilespmem:s23+$0x0];
	v34 =	vmul.f32 $8.000000000e+00, v44;
	[tilespmem:v41+s22+$0x0] =	vst.idx.msk $0xffff, v45  }
0x8a: {  	v41 =	vadd.s32 $0x10, v26;
	v40 =	vmul.f32 $8.000000000e+00, v40;
	p0 =	slt.u32 s18, $0x3E;
	v37 =	vld.idx.msk [tilespmem:v37+s19+$0x0], $0xffff;
	[tilespmem:v35+s22+$0x0] =	vst.idx.msk $0xffff, v43  }
0x8b: {  	v44 =	vadd.s32 v3, v28;
	v35 =	vadd.s32 v1, v29;
	v43 =	vmul.f32 $8.000000000e+00, v50;
	v53 =	vld [tilespmem:s23+$0xFFFFFFF0];
	[tilespmem:v46+s22+$0x0] =	vst.idx.msk $0xffff, v34  }
0x8c: {  	v45 =	vmul.f32 $8.000000000e+00, v47;
	v34 =	vld.idx.msk [tilespmem:v48+s19+$0x0], $0xffff;
	[tilespmem:v38+s22+$0x0] =	vst.idx.msk $0xffff, v40  }
0x8d: {  	v40 =	vmul.f32 $8.000000000e+00, v51;
	v38 =	vadd.s32 v1, v30;
	[tilespmem:v52+s22+$0x0] =	vst.idx.msk $0xffff, v43;
	v43 =	vadd.s32 $0x60, v19;
	v36 =	vld.idx.msk [tilespmem:v36+s19+$0x0], $0xffff  }
0x8e: {  	v46 =	vadd.s32 v5, v30;
	v47 =	vld.idx.msk [tilespmem:v39+s19+$0x0], $0xffff;
	[tilespmem:v49+s22+$0x0] =	vst.idx.msk $0xffff, v45;
	v45 =	vadd.s32 v8, v20  }
0x8f: {  	v48 =	vadd.s32 $0x60, v17;
	[tilespmem:v41+s22+$0x0] =	vst.idx.msk $0xffff, v40;
	v40 =	vadd.s32 $0x40, v21;
	v41 =	vld.idx.msk [tilespmem:v31+s19+$0x0], $0xffff;
	v31 =	vmovc v32;
	v32 =	vmov v46  }
0x90: {  	v49 =	vadd.s32 v8, v22;
	v20 =	vmovc v23;
	v46 =	vadd.s32 v6, v23;
	v37 =	vmul.f32 $8.000000000e+00, v37;
	v35 =	vld.idx.msk [tilespmem:v35+s19+$0x0], $0xffff  }
0x91: {  	v54 =	vadd.s32 $0x40, v18;
	v50 =	vadd.s32 $0x20, v27;
	v51 =	vadd.s32 v4, v25;
	v23 =	vmovc v25;
	v25 =	vmovc v29;
	v52 =	vld.idx.msk [tilespmem:v44+s19+$0x0], $0xffff  }
0x92: {  	v55 =	vadd.s32 v6, v24;
	v39 =	vmov v42;
	v34 =	vmul.f32 $8.000000000e+00, v34;
	v38 =	vld.idx.msk [tilespmem:v38+s19+$0x0], $0xffff;
	[tilespmem:v43+s22+$0x0] =	vst.idx.msk $0xffff, v37  }
0x93: {  	s17 =	sadd.s32 $0x20, s17;
	v22 =	vmovc v24;
	v24 =	vmovc v28;
	v28 =	vmov v30;
	v43 =	vadd.s32 $0x20, v26;
	v36 =	vmul.f32 $8.000000000e+00, v36;
	v45 =	vld.idx.msk [tilespmem:v45+s19+$0x0], $0xffff  }
0x94: {  	v30 =	vadd.s32 v2, v25;
	v37 =	vmul.f32 $8.000000000e+00, v47;
	v47 =	vadd.s32 v4, v24;
	v29 =	vld [tilespmem:s17+$0xFFFFFFF0];
	[tilespmem:v40+s22+$0x0] =	vst.idx.msk $0xffff, v34  }
0x95: {  	v40 =	vmul.f32 $8.000000000e+00, v41;
	v34 =	vld.idx.msk [tilespmem:v46+s19+$0x0], $0xffff;
	[tilespmem:v48+s22+$0x0] =	vst.idx.msk $0xffff, v36  }
0x96: {  	v19 =	vadd.s32 $0x70, v19;
	v36 =	vmul.f32 $8.000000000e+00, v35;
	v48 =	vadd.s32 v2, v28;
	[tilespmem:v50+s22+$0x0] =	vst.idx.msk $0xffff, v37;
	v56 =	vld.idx.msk [tilespmem:v49+s19+$0x0], $0xffff  }
0x97: {  	v35 =	vadd.s32 $0x70, v17;
	v17 =	vmovc v18;
	v18 =	vmov v26;
	v46 =	vmul.f32 $8.000000000e+00, v52;
	v44 =	vld.idx.msk [tilespmem:v51+s19+$0x0], $0xffff;
	[tilespmem:v54+s22+$0x0] =	vst.idx.msk $0xffff, v40  }
.Ltmp1:
0x98: {  	v41 =	vadd.s32 $0x50, v21;
	v37 =	vadd.s32 v7, v20;
	[tilespmem:v53+s22+$0x0] =	vst.idx.msk $0xffff, v36;
	v36 =	vmul.f32 $8.000000000e+00, v38;
	v40 =	vld.idx.msk [tilespmem:v55+s19+$0x0], $0xffff;
	(pc) =	sbr.rel @p0 .LBB2_5-.Ltmp1, $4  }
0x99: {  	v26 =	vmov v33;
	v42 =	vadd.s32 v3, v29;
	v50 =	vld.idx.msk [tilespmem:v30+s19+$0x0], $0xffff;
	[tilespmem:v43+s22+$0x0] =	vst.idx.msk $0xffff, v46;
	v30 =	vmul.f32 $8.000000000e+00, v45  }
0x9a: {  	v38 =	vadd.s32 $0x50, v17;
	v46 =	vadd.s32 $0x30, v27;
	[tilespmem:v33+s22+$0x0] =	vst.idx.msk $0xffff, v36;
	v47 =	vld.idx.msk [tilespmem:v47+s19+$0x0], $0xffff;
	v36 =	vadd.s32 v7, v22  }
0x9b: {  	v45 =	vmul.f32 $8.000000000e+00, v34;
	v51 =	vld.idx.msk [tilespmem:v48+s19+$0x0], $0xffff;
	v48 =	vadd.s32 v5, v23;
	[tilespmem:v19+s22+$0x0] =	vst.idx.msk $0xffff, v30;
	v19 =	vmov v21  }
0x9c: {  	s23 =	sadd.s32 $0x20, s23;
	v52 =	vadd.s32 $0x10, v53;
	v49 =	vadd.s32 $0x30, v18;
	v43 =	vmul.f32 $8.000000000e+00, v56;
	v21 =	vmovc v27;
	v27 =	vmovc v53;
	v30 =	vld [tilespmem:s17+$0x0]  }
0x9d: {  	_ =	sdelay $0x2  }
0x9e: {  	v53 =	vadd.s32 v1, v29  }
0x9f: {  	v54 =	vadd.s32 v1, v30;
	_ =	sdelay $0x1  }
0xa0: {  	v33 =	vld [tilespmem:s23+$0x0]  }
0xa1: {  	v34 =	vld [tilespmem:s23+$0xFFFFFFF0]  }
0xa2: {  	v53 =	vld.idx.msk [tilespmem:v53+s19+$0x0], $0xffff  }
0xa3: {  	v54 =	vld.idx.msk [tilespmem:v54+s19+$0x0], $0xffff;
	_ =	sdelay $0x1  }
0xa4: {  	v55 =	vadd.s32 v2, v29  }
0xa5: {  	v56 =	vadd.s32 v2, v30  }
0xa6: {  	v53 =	vmul.f32 $8.000000000e+00, v53  }
0xa7: {  	v54 =	vmul.f32 $8.000000000e+00, v54  }
0xa8: {  	[tilespmem:v34+s22+$0x0] =	vst.idx.msk $0xffff, v53  }
0xa9: {  	v53 =	vld.idx.msk [tilespmem:v55+s19+$0x0], $0xffff;
	[tilespmem:v33+s22+$0x0] =	vst.idx.msk $0xffff, v54  }
0xaa: {  	v61 =	vadd.s32 $0x10, v26;
	v62 =	vld.idx.msk [tilespmem:v56+s19+$0x0], $0xffff  }
0xab: {  	v63 =	vadd.s32 v3, v28;
	v57 =	vadd.s32 $0x10, v34  }
0xac: {  	v50 =	vmul.f32 $8.000000000e+00, v50;
	v58 =	vadd.s32 $0x10, v33  }
0xad: {  	v51 =	vmul.f32 $8.000000000e+00, v51;
	v59 =	vadd.s32 v3, v30  }
0xae: {  	[tilespmem:v52+s22+$0x0] =	vst.idx.msk $0xffff, v50;
	v60 =	vmul.f32 $8.000000000e+00, v53  }
0xaf: {  	v39 =	vld.idx.msk [tilespmem:v39+s19+$0x0], $0xffff;
	[tilespmem:v61+s22+$0x0] =	vst.idx.msk $0xffff, v51;
	v61 =	vmul.f32 $8.000000000e+00, v62  }
0xb0: {  	v52 =	vld.idx.msk [tilespmem:v63+s19+$0x0], $0xffff;
	[tilespmem:v57+s22+$0x0] =	vst.idx.msk $0xffff, v60  }
0xb1: {  	v42 =	vld.idx.msk [tilespmem:v42+s19+$0x0], $0xffff;
	v62 =	vadd.s32 $0x20, v27;
	[tilespmem:v58+s22+$0x0] =	vst.idx.msk $0xffff, v61  }
0xb2: {  	v51 =	vadd.s32 v4, v25;
	v53 =	vadd.s32 $0x20, v26;
	v63 =	vld.idx.msk [tilespmem:v59+s19+$0x0], $0xffff  }
0xb3: {  	v60 =	vadd.s32 v4, v28;
	v61 =	vadd.s32 $0x20, v34  }
0xb4: {  	v39 =	vmul.f32 $8.000000000e+00, v39;
	v57 =	vadd.s32 v4, v29;
	v58 =	vadd.s32 $0x20, v33  }
0xb5: {  	v52 =	vmul.f32 $8.000000000e+00, v52;
	v59 =	vadd.s32 v4, v30  }
0xb6: {  	[tilespmem:v62+s22+$0x0] =	vst.idx.msk $0xffff, v39;
	v62 =	vmul.f32 $8.000000000e+00, v42  }
0xb7: {  	[tilespmem:v53+s22+$0x0] =	vst.idx.msk $0xffff, v52;
	v42 =	vld.idx.msk [tilespmem:v51+s19+$0x0], $0xffff;
	v63 =	vmul.f32 $8.000000000e+00, v63  }
0xb8: {  	v60 =	vld.idx.msk [tilespmem:v60+s19+$0x0], $0xffff;
	[tilespmem:v61+s22+$0x0] =	vst.idx.msk $0xffff, v62  }
0xb9: {  	v61 =	vadd.s32 $0x30, v27;
	v62 =	vld.idx.msk [tilespmem:v57+s19+$0x0], $0xffff;
	[tilespmem:v58+s22+$0x0] =	vst.idx.msk $0xffff, v63  }
0xba: {  	v44 =	vmul.f32 $8.000000000e+00, v44;
	v50 =	vadd.s32 v5, v25;
	v53 =	vadd.s32 $0x30, v26;
	v63 =	vld.idx.msk [tilespmem:v59+s19+$0x0], $0xffff  }
0xbb: {  	v47 =	vmul.f32 $8.000000000e+00, v47;
	v55 =	vadd.s32 $0x30, v34  }
0xbc: {  	[tilespmem:v46+s22+$0x0] =	vst.idx.msk $0xffff, v44;
	v56 =	vadd.s32 v5, v29;
	v57 =	vadd.s32 $0x30, v33;
	v42 =	vmul.f32 $8.000000000e+00, v42  }
0xbd: {  	[tilespmem:v49+s22+$0x0] =	vst.idx.msk $0xffff, v47;
	v60 =	vmul.f32 $8.000000000e+00, v60;
	v58 =	vld.idx.msk [tilespmem:v48+s19+$0x0], $0xffff;
	v59 =	vadd.s32 v5, v30  }
0xbe: {  	v31 =	vld.idx.msk [tilespmem:v31+s19+$0x0], $0xffff;
	[tilespmem:v61+s22+$0x0] =	vst.idx.msk $0xffff, v42;
	v61 =	vmul.f32 $8.000000000e+00, v62  }
0xbf: {  	[tilespmem:v53+s22+$0x0] =	vst.idx.msk $0xffff, v60;
	v62 =	vadd.s32 $0x40, v21;
	v50 =	vld.idx.msk [tilespmem:v50+s19+$0x0], $0xffff;
	v63 =	vmul.f32 $8.000000000e+00, v63  }
0xc0: {  	v52 =	vadd.s32 $0x40, v18;
	v51 =	vadd.s32 v6, v23;
	v32 =	vld.idx.msk [tilespmem:v32+s19+$0x0], $0xffff;
	[tilespmem:v55+s22+$0x0] =	vst.idx.msk $0xffff, v61  }
0xc1: {  	v39 =	vadd.s32 v6, v24;
	v53 =	vadd.s32 $0x40, v27;
	v44 =	vld.idx.msk [tilespmem:v56+s19+$0x0], $0xffff;
	[tilespmem:v57+s22+$0x0] =	vst.idx.msk $0xffff, v63  }
0xc2: {  	v56 =	vmul.f32 $8.000000000e+00, v58;
	v58 =	vadd.s32 $0x40, v26;
	v57 =	vadd.s32 v6, v25;
	v48 =	vld.idx.msk [tilespmem:v59+s19+$0x0], $0xffff  }
0xc3: {  	[tilespmem:v41+s22+$0x0] =	vst.idx.msk $0xffff, v45;
	v31 =	vmul.f32 $8.000000000e+00, v31;
	v60 =	vadd.s32 $0x40, v34;
	v59 =	vadd.s32 v6, v28  }
0xc4: {  	[tilespmem:v62+s22+$0x0] =	vst.idx.msk $0xffff, v56;
	v62 =	vadd.s32 v6, v29;
	v63 =	vadd.s32 $0x40, v33;
	v61 =	vmul.f32 $8.000000000e+00, v50  }
0xc5: {  	[tilespmem:v52+s22+$0x0] =	vst.idx.msk $0xffff, v31;
	v52 =	vadd.s32 v6, v30;
	v31 =	vmul.f32 $8.000000000e+00, v32;
	v51 =	vld.idx.msk [tilespmem:v51+s19+$0x0], $0xffff  }
0xc6: {  	v39 =	vld.idx.msk [tilespmem:v39+s19+$0x0], $0xffff;
	[tilespmem:v53+s22+$0x0] =	vst.idx.msk $0xffff, v61;
	v54 =	vmul.f32 $8.000000000e+00, v44  }
0xc7: {  	v55 =	vadd.s32 $0x50, v21;
	[tilespmem:v58+s22+$0x0] =	vst.idx.msk $0xffff, v31;
	v47 =	vld.idx.msk [tilespmem:v57+s19+$0x0], $0xffff;
	v31 =	vmul.f32 $8.000000000e+00, v48  }
0xc8: {  	v56 =	vadd.s32 v7, v23;
	v57 =	vadd.s32 $0x50, v18;
	[tilespmem:v60+s22+$0x0] =	vst.idx.msk $0xffff, v54;
	v41 =	vld.idx.msk [tilespmem:v59+s19+$0x0], $0xffff  }
0xc9: {  	v40 =	vmul.f32 $8.000000000e+00, v40;
	v42 =	vadd.s32 v7, v24;
	v58 =	vadd.s32 $0x50, v27;
	v46 =	vld.idx.msk [tilespmem:v62+s19+$0x0], $0xffff;
	[tilespmem:v63+s22+$0x0] =	vst.idx.msk $0xffff, v31  }
0xca: {  	[tilespmem:v35+s22+$0x0] =	vst.idx.msk $0xffff, v43;
	v60 =	vadd.s32 $0x50, v26;
	v59 =	vadd.s32 v7, v25;
	v31 =	vmul.f32 $8.000000000e+00, v51;
	v32 =	vld.idx.msk [tilespmem:v52+s19+$0x0], $0xffff  }
0xcb: {  	v37 =	vld.idx.msk [tilespmem:v37+s19+$0x0], $0xffff;
	[tilespmem:v38+s22+$0x0] =	vst.idx.msk $0xffff, v40;
	v61 =	vmul.f32 $8.000000000e+00, v39;
	v62 =	vadd.s32 v7, v28;
	v63 =	vadd.s32 $0x50, v34  }
0xcc: {  	v36 =	vld.idx.msk [tilespmem:v36+s19+$0x0], $0xffff;
	v53 =	vadd.s32 $0x50, v33;
	v52 =	vadd.s32 v7, v29;
	[tilespmem:v55+s22+$0x0] =	vst.idx.msk $0xffff, v31;
	v31 =	vmul.f32 $8.000000000e+00, v47  }
0xcd: {  	v54 =	vadd.s32 $0x60, v19;
	[tilespmem:v57+s22+$0x0] =	vst.idx.msk $0xffff, v61;
	v48 =	vld.idx.msk [tilespmem:v56+s19+$0x0], $0xffff;
	v55 =	vmul.f32 $8.000000000e+00, v41;
	v56 =	vadd.s32 v7, v30  }
0xce: {  	v20 =	vadd.s32 v8, v20;
	v57 =	vadd.s32 $0x60, v17;
	v42 =	vld.idx.msk [tilespmem:v42+s19+$0x0], $0xffff;
	[tilespmem:v58+s22+$0x0] =	vst.idx.msk $0xffff, v31;
	v31 =	vmul.f32 $8.000000000e+00, v46  }
0xcf: {  	v22 =	vadd.s32 v8, v22;
	v58 =	vadd.s32 $0x60, v21;
	v35 =	vld.idx.msk [tilespmem:v59+s19+$0x0], $0xffff;
	[tilespmem:v60+s22+$0x0] =	vst.idx.msk $0xffff, v55;
	v32 =	vmul.f32 $8.000000000e+00, v32  }
0xd0: {  	v37 =	vmul.f32 $8.000000000e+00, v37;
	v23 =	vadd.s32 v8, v23;
	v59 =	vadd.s32 $0x60, v18;
	v39 =	vld.idx.msk [tilespmem:v62+s19+$0x0], $0xffff;
	[tilespmem:v63+s22+$0x0] =	vst.idx.msk $0xffff, v31  }
0xd1: {  	v24 =	vadd.s32 v8, v24;
	v60 =	vadd.s32 $0x60, v27;
	v31 =	vmul.f32 $8.000000000e+00, v36;
	v40 =	vld.idx.msk [tilespmem:v52+s19+$0x0], $0xffff;
	[tilespmem:v53+s22+$0x0] =	vst.idx.msk $0xffff, v32  }
0xd2: {  	v25 =	vadd.s32 v8, v25;
	[tilespmem:v54+s22+$0x0] =	vst.idx.msk $0xffff, v37;
	v62 =	vadd.s32 $0x60, v26;
	v61 =	vmul.f32 $8.000000000e+00, v48;
	v41 =	vld.idx.msk [tilespmem:v56+s19+$0x0], $0xffff  }
0xd3: {  	v28 =	vadd.s32 v8, v28;
	v20 =	vld.idx.msk [tilespmem:v20+s19+$0x0], $0xffff;
	v63 =	vadd.s32 $0x60, v34;
	[tilespmem:v57+s22+$0x0] =	vst.idx.msk $0xffff, v31;
	v31 =	vmul.f32 $8.000000000e+00, v42  }
0xd4: {  	v44 =	vadd.s32 $0x60, v33;
	v29 =	vadd.s32 v8, v29;
	v22 =	vld.idx.msk [tilespmem:v22+s19+$0x0], $0xffff;
	[tilespmem:v58+s22+$0x0] =	vst.idx.msk $0xffff, v61;
	v43 =	vmul.f32 $8.000000000e+00, v35  }
0xd5: {  	v19 =	vadd.s32 $0x70, v19;
	v30 =	vadd.s32 v8, v30;
	[tilespmem:v59+s22+$0x0] =	vst.idx.msk $0xffff, v31;
	v23 =	vld.idx.msk [tilespmem:v23+s19+$0x0], $0xffff;
	v31 =	vmul.f32 $8.000000000e+00, v39  }
0xd6: {  	v17 =	vadd.s32 $0x70, v17;
	v24 =	vld.idx.msk [tilespmem:v24+s19+$0x0], $0xffff;
	[tilespmem:v60+s22+$0x0] =	vst.idx.msk $0xffff, v43;
	v45 =	vmul.f32 $8.000000000e+00, v40  }
0xd7: {  	v21 =	vadd.s32 $0x70, v21;
	v25 =	vld.idx.msk [tilespmem:v25+s19+$0x0], $0xffff;
	[tilespmem:v62+s22+$0x0] =	vst.idx.msk $0xffff, v31;
	v31 =	vmul.f32 $8.000000000e+00, v41  }
0xd8: {  	v18 =	vadd.s32 $0x70, v18;
	v20 =	vmul.f32 $8.000000000e+00, v20;
	v28 =	vld.idx.msk [tilespmem:v28+s19+$0x0], $0xffff;
	[tilespmem:v63+s22+$0x0] =	vst.idx.msk $0xffff, v45  }
0xd9: {  	v27 =	vadd.s32 $0x70, v27;
	v22 =	vmul.f32 $8.000000000e+00, v22;
	v29 =	vld.idx.msk [tilespmem:v29+s19+$0x0], $0xffff;
	[tilespmem:v44+s22+$0x0] =	vst.idx.msk $0xffff, v31  }
0xda: {  	[tilespmem:v19+s22+$0x0] =	vst.idx.msk $0xffff, v20;
	v20 =	vadd.s32 $0x70, v26;
	v19 =	vmul.f32 $8.000000000e+00, v23;
	v23 =	vld.idx.msk [tilespmem:v30+s19+$0x0], $0xffff  }
0xdb: {  	[tilespmem:v17+s22+$0x0] =	vst.idx.msk $0xffff, v22;
	v17 =	vmul.f32 $8.000000000e+00, v24;
	v22 =	vadd.s32 $0x70, v34  }
0xdc: {  	[tilespmem:v21+s22+$0x0] =	vst.idx.msk $0xffff, v19;
	v19 =	vmul.f32 $8.000000000e+00, v25;
	v21 =	vadd.s32 $0x70, v33  }
0xdd: {  	[tilespmem:v18+s22+$0x0] =	vst.idx.msk $0xffff, v17;
	v17 =	vmul.f32 $8.000000000e+00, v28  }
0xde: {  	[tilespmem:v27+s22+$0x0] =	vst.idx.msk $0xffff, v19;
	v18 =	vmul.f32 $8.000000000e+00, v29  }
0xdf: {  	[tilespmem:v20+s22+$0x0] =	vst.idx.msk $0xffff, v17;
	v17 =	vmul.f32 $8.000000000e+00, v23  }
0xe0: {  	[tilespmem:v22+s22+$0x0] =	vst.idx.msk $0xffff, v18  }
0xe1: {  	[tilespmem:v21+s22+$0x0] =	vst.idx.msk $0xffff, v17  }
0xe2: {  	v32 =	vld [tilespmem:s6+$0xFFFFFFF0]  }
0xe3: {  	v29 =	vld [tilespmem:s6+$0x0];
	_ =	sdelay $0x3  }
0xe4: {  	v17 =	vadd.s32 v9, v32  }
0xe5: {  	v18 =	vadd.s32 v9, v29  }
0xe6: {  	v31 =	vld [tilespmem:s14+$0xFFFFFFF0]  }
0xe7: {  	v30 =	vld [tilespmem:s14+$0x0];
	_ =	sdelay $0x1  }
0xe8: {  	v17 =	vld.idx.msk [tilespmem:v17+s19+$0x0], $0xffff  }
0xe9: {  	v18 =	vld.idx.msk [tilespmem:v18+s19+$0x0], $0xffff  }
0xea: {  	v19 =	vadd.s32 $0x400, v31  }
0xeb: {  	v21 =	vadd.s32 v10, v32;
	v22 =	vadd.s32 $0x400, v30  }
0xec: {  	v23 =	vadd.s32 v10, v29  }
0xed: {  	v17 =	vmul.f32 $8.000000000e+00, v17  }
0xee: {  	v18 =	vmul.f32 $8.000000000e+00, v18  }
0xef: {  	v20 =	vld [tilespmem:s30+$0xFFFFFFF0];
	[tilespmem:v19+s22+$0x0] =	vst.idx.msk $0xffff, v17  }
0xf0: {  	[tilespmem:v22+s22+$0x0] =	vst.idx.msk $0xffff, v18;
	v17 =	vld.idx.msk [tilespmem:v21+s19+$0x0], $0xffff  }
0xf1: {  	v18 =	vld.idx.msk [tilespmem:v23+s19+$0x0], $0xffff  }
0xf2: {  	v21 =	vld [tilespmem:s30+$0x0]  }
0xf3: {  	v19 =	vadd.s32 $0x410, v31  }
0xf4: {  	v22 =	vadd.s32 v11, v32;
	v23 =	vadd.s32 $0x410, v30  }
0xf5: {  	v24 =	vadd.s32 v11, v29  }
0xf6: {  	v25 =	vadd.s32 v9, v20;
	v26 =	vmul.f32 $8.000000000e+00, v17  }
0xf7: {  	v17 =	vld [tilespmem:s16+$0x0];
	v27 =	vadd.s32 v9, v21;
	v28 =	vmul.f32 $8.000000000e+00, v18  }
0xf8: {  	v18 =	vld [tilespmem:s16+$0xFFFFFFF0];
	[tilespmem:v19+s22+$0x0] =	vst.idx.msk $0xffff, v26  }
0xf9: {  	[tilespmem:v23+s22+$0x0] =	vst.idx.msk $0xffff, v28;
	v19 =	vld.idx.msk [tilespmem:v22+s19+$0x0], $0xffff  }
0xfa: {  	v22 =	vld.idx.msk [tilespmem:v24+s19+$0x0], $0xffff  }
0xfb: {  	v24 =	vld.idx.msk [tilespmem:v25+s19+$0x0], $0xffff;
	v25 =	vadd.s32 $0x420, v31  }
0xfc: {  	v28 =	vadd.s32 $0x420, v30;
	v26 =	vld.idx.msk [tilespmem:v27+s19+$0x0], $0xffff;
	v27 =	vadd.s32 v12, v32  }
0xfd: {  	v47 =	vadd.s32 v12, v29;
	v46 =	vadd.s32 $0x400, v18  }
0xfe: {  	v48 =	vadd.s32 v10, v20;
	v49 =	vadd.s32 $0x400, v17;
	v19 =	vmul.f32 $8.000000000e+00, v19  }
0xff: {  	v50 =	vadd.s32 v10, v21;
	v22 =	vmul.f32 $8.000000000e+00, v22  }
0x100: {  	v23 =	vld [tilespmem:s29+$0xFFFFFFF0];
	v24 =	vmul.f32 $8.000000000e+00, v24;
	[tilespmem:v25+s22+$0x0] =	vst.idx.msk $0xffff, v19  }
0x101: {  	v19 =	vmul.f32 $8.000000000e+00, v26;
	[tilespmem:v28+s22+$0x0] =	vst.idx.msk $0xffff, v22;
	v25 =	vld.idx.msk [tilespmem:v27+s19+$0x0], $0xffff  }
0x102: {  	[tilespmem:v46+s22+$0x0] =	vst.idx.msk $0xffff, v24;
	v22 =	vld.idx.msk [tilespmem:v47+s19+$0x0], $0xffff  }
0x103: {  	v28 =	vadd.s32 $0x430, v31;
	v26 =	vld.idx.msk [tilespmem:v48+s19+$0x0], $0xffff;
	[tilespmem:v49+s22+$0x0] =	vst.idx.msk $0xffff, v19  }
0x104: {  	v51 =	vadd.s32 v13, v32;
	v52 =	vadd.s32 $0x430, v30;
	v27 =	vld.idx.msk [tilespmem:v50+s19+$0x0], $0xffff  }
0x105: {  	v53 =	vadd.s32 v13, v29;
	v54 =	vadd.s32 $0x410, v18;
	v24 =	vld [tilespmem:s29+$0x0]  }
0x106: {  	v55 =	vadd.s32 v11, v20;
	v56 =	vadd.s32 $0x410, v17;
	v25 =	vmul.f32 $8.000000000e+00, v25  }
0x107: {  	v59 =	vadd.s32 v9, v23;
	v19 =	vld [tilespmem:s0+$0x0];
	v58 =	vmul.f32 $8.000000000e+00, v22  }
0x108: {  	v57 =	vadd.s32 v11, v21;
	v22 =	vld [tilespmem:s0+$0xFFFFFFF0];
	v26 =	vmul.f32 $8.000000000e+00, v26;
	[tilespmem:v28+s22+$0x0] =	vst.idx.msk $0xffff, v25  }
0x109: {  	v27 =	vmul.f32 $8.000000000e+00, v27;
	[tilespmem:v52+s22+$0x0] =	vst.idx.msk $0xffff, v58;
	v28 =	vld.idx.msk [tilespmem:v51+s19+$0x0], $0xffff  }
0x10a: {  	v25 =	vadd.s32 v9, v24;
	[tilespmem:v54+s22+$0x0] =	vst.idx.msk $0xffff, v26;
	v26 =	vld.idx.msk [tilespmem:v53+s19+$0x0], $0xffff  }
0x10b: {  	v60 =	vld.idx.msk [tilespmem:v55+s19+$0x0], $0xffff;
	[tilespmem:v56+s22+$0x0] =	vst.idx.msk $0xffff, v27;
	v27 =	vadd.s32 $0x440, v31  }
0x10c: {  	v62 =	vadd.s32 v14, v32;
	v63 =	vadd.s32 $0x440, v30;
	v48 =	vld.idx.msk [tilespmem:v59+s19+$0x0], $0xffff  }
0x10d: {  	v49 =	vadd.s32 $0x420, v18;
	v50 =	vadd.s32 v14, v29;
	v61 =	vld.idx.msk [tilespmem:v57+s19+$0x0], $0xffff  }
0x10e: {  	v51 =	vadd.s32 v12, v20;
	v53 =	vadd.s32 $0x400, v22;
	v28 =	vmul.f32 $8.000000000e+00, v28  }
0x10f: {  	v52 =	vadd.s32 $0x420, v17;
	v56 =	vadd.s32 v10, v23;
	v25 =	vld.idx.msk [tilespmem:v25+s19+$0x0], $0xffff;
	v55 =	vmul.f32 $8.000000000e+00, v26  }
0x110: {  	v54 =	vadd.s32 v12, v21;
	v26 =	vld [tilespmem:s26+$0xFFFFFFF0];
	v33 =	vmul.f32 $8.000000000e+00, v60;
	[tilespmem:v27+s22+$0x0] =	vst.idx.msk $0xffff, v28  }
0x111: {  	v59 =	vmul.f32 $8.000000000e+00, v48;
	v57 =	vadd.s32 $0x400, v19;
	[tilespmem:v63+s22+$0x0] =	vst.idx.msk $0xffff, v55;
	v58 =	vld.idx.msk [tilespmem:v62+s19+$0x0], $0xffff  }
0x112: {  	v27 =	vadd.s32 v10, v24;
	v28 =	vmul.f32 $8.000000000e+00, v61;
	[tilespmem:v49+s22+$0x0] =	vst.idx.msk $0xffff, v33;
	v60 =	vld.idx.msk [tilespmem:v50+s19+$0x0], $0xffff  }
0x113: {  	[tilespmem:v53+s22+$0x0] =	vst.idx.msk $0xffff, v59;
	v61 =	vld.idx.msk [tilespmem:v51+s19+$0x0], $0xffff  }
0x114: {  	v62 =	vadd.s32 $0x450, v31;
	v38 =	vld.idx.msk [tilespmem:v56+s19+$0x0], $0xffff;
	v25 =	vmul.f32 $8.000000000e+00, v25;
	[tilespmem:v52+s22+$0x0] =	vst.idx.msk $0xffff, v28  }
0x115: {  	v63 =	vadd.s32 v15, v32;
	v52 =	vadd.s32 $0x450, v30;
	v35 =	vld.idx.msk [tilespmem:v54+s19+$0x0], $0xffff  }
0x116: {  	v53 =	vadd.s32 $0x430, v18;
	v28 =	vld [tilespmem:s26+$0x0];
	v54 =	vadd.s32 v15, v29;
	[tilespmem:v57+s22+$0x0] =	vst.idx.msk $0xffff, v25  }
0x117: {  	v55 =	vadd.s32 v13, v20;
	v56 =	vadd.s32 $0x430, v17;
	v41 =	vld.idx.msk [tilespmem:v27+s19+$0x0], $0xffff;
	v34 =	vmul.f32 $8.000000000e+00, v58  }
0x118: {  	v57 =	vadd.s32 v13, v21;
	v25 =	vld [tilespmem:s15+$0x0];
	v58 =	vadd.s32 $0x410, v22;
	v33 =	vmul.f32 $8.000000000e+00, v60  }
0x119: {  	v59 =	vadd.s32 v11, v23;
	v27 =	vld [tilespmem:s15+$0xFFFFFFF0];
	v60 =	vadd.s32 $0x410, v19;
	v36 =	vmul.f32 $8.000000000e+00, v61;
	[tilespmem:v62+s22+$0x0] =	vst.idx.msk $0xffff, v34  }
0x11a: {  	v61 =	vadd.s32 v11, v24;
	v35 =	vmul.f32 $8.000000000e+00, v35;
	[tilespmem:v52+s22+$0x0] =	vst.idx.msk $0xffff, v33;
	v37 =	vld.idx.msk [tilespmem:v63+s19+$0x0], $0xffff  }
0x11b: {  	v38 =	vmul.f32 $8.000000000e+00, v38;
	v62 =	vadd.s32 v9, v26;
	[tilespmem:v53+s22+$0x0] =	vst.idx.msk $0xffff, v36;
	v63 =	vld.idx.msk [tilespmem:v54+s19+$0x0], $0xffff  }
0x11c: {  	v52 =	vadd.s32 v9, v28;
	v54 =	vld.idx.msk [tilespmem:v55+s19+$0x0], $0xffff;
	v53 =	vmul.f32 $8.000000000e+00, v41;
	[tilespmem:v56+s22+$0x0] =	vst.idx.msk $0xffff, v35  }
0x11d: {  	v55 =	vadd.s32 $0x460, v31;
	[tilespmem:v58+s22+$0x0] =	vst.idx.msk $0xffff, v38;
	v35 =	vld.idx.msk [tilespmem:v57+s19+$0x0], $0xffff  }
0x11e: {  	v32 =	vadd.s32 v16, v32;
	v59 =	vld.idx.msk [tilespmem:v59+s19+$0x0], $0xffff;
	[tilespmem:v60+s22+$0x0] =	vst.idx.msk $0xffff, v53;
	v60 =	vadd.s32 $0x460, v30  }
0x11f: {  	v56 =	vadd.s32 v16, v29;
	v34 =	vld.idx.msk [tilespmem:v61+s19+$0x0], $0xffff;
	v61 =	vadd.s32 $0x440, v18  }
0x120: {  	v45 =	vadd.s32 v14, v20;
	v57 =	vadd.s32 $0x440, v17;
	v33 =	vld.idx.msk [tilespmem:v62+s19+$0x0], $0xffff;
	v37 =	vmul.f32 $8.000000000e+00, v37  }
0x121: {  	s0 =	simm.s32 $0x16490;
	v58 =	vadd.s32 $0x420, v22;
	v39 =	vld.idx.msk [tilespmem:v52+s19+$0x0], $0xffff;
	v62 =	vadd.s32 v14, v21;
	v36 =	vmul.f32 $8.000000000e+00, v63  }
0x122: {  	v50 =	vadd.s32 $0x420, v19;
	v29 =	vld [tilespmem:s0+$0xFFFFFFF0];
	v41 =	vmul.f32 $8.000000000e+00, v54;
	[tilespmem:v55+s22+$0x0] =	vst.idx.msk $0xffff, v37  }
0x123: {  	v49 =	vadd.s32 v12, v23;
	v63 =	vadd.s32 $0x400, v25;
	v35 =	vmul.f32 $8.000000000e+00, v35;
	v51 =	vld.idx.msk [tilespmem:v32+s19+$0x0], $0xffff;
	[tilespmem:v60+s22+$0x0] =	vst.idx.msk $0xffff, v36  }
0x124: {  	v38 =	vadd.s32 v12, v24;
	v37 =	vadd.s32 $0x400, v27;
	v59 =	vmul.f32 $8.000000000e+00, v59;
	[tilespmem:v61+s22+$0x0] =	vst.idx.msk $0xffff, v41;
	v60 =	vld.idx.msk [tilespmem:v56+s19+$0x0], $0xffff  }
0x125: {  	v52 =	vadd.s32 v10, v26;
	v34 =	vmul.f32 $8.000000000e+00, v34;
	[tilespmem:v57+s22+$0x0] =	vst.idx.msk $0xffff, v35;
	v55 =	vld.idx.msk [tilespmem:v45+s19+$0x0], $0xffff  }
0x126: {  	v61 =	vadd.s32 v10, v28;
	v39 =	vmul.f32 $8.000000000e+00, v39;
	[tilespmem:v58+s22+$0x0] =	vst.idx.msk $0xffff, v59;
	v35 =	vld.idx.msk [tilespmem:v62+s19+$0x0], $0xffff;
	v62 =	vadd.s32 $0x470, v31  }
0x127: {  	v47 =	vadd.s32 v13, v23;
	v33 =	vmul.f32 $8.000000000e+00, v33;
	v41 =	vadd.s32 $0x470, v30;
	v30 =	vld [tilespmem:s0+$0x0];
	[tilespmem:v50+s22+$0x0] =	vst.idx.msk $0xffff, v34  }
0x128: {  	v48 =	vadd.s32 $0x430, v19;
	v46 =	vadd.s32 $0x430, v22;
	v36 =	vadd.s32 $0x450, v18;
	v43 =	vld.idx.msk [tilespmem:v49+s19+$0x0], $0xffff;
	[tilespmem:v63+s22+$0x0] =	vst.idx.msk $0xffff, v39  }
0x129: {  	[tilespmem:v37+s22+$0x0] =	vst.idx.msk $0xffff, v33;
	v44 =	vld.idx.msk [tilespmem:v38+s19+$0x0], $0xffff;
	v37 =	vadd.s32 v15, v20;
	v38 =	vadd.s32 $0x450, v17;
	v63 =	vmul.f32 $8.000000000e+00, v51  }
0x12a: {  	v32 =	vadd.s32 v13, v24;
	v39 =	vadd.s32 v15, v21;
	v49 =	vld.idx.msk [tilespmem:v52+s19+$0x0], $0xffff;
	v45 =	vmul.f32 $8.000000000e+00, v60  }
0x12b: {  	s14 =	simm.s32 $0x8;
	s6 =	simm.s32 $0x16890;
	v40 =	vadd.s32 $0x410, v27;
	v31 =	vadd.s32 v13, v28;
	v50 =	vld.idx.msk [tilespmem:v61+s19+$0x0], $0xffff;
	v42 =	vmul.f32 $8.000000000e+00, v55;
	[tilespmem:v62+s22+$0x0] =	vst.idx.msk $0xffff, v63  }
.LBB2_7:
0x12c: {  	s14 =	sadd.s32 $0x2, s14;
	v33 =	vld [tilespmem:s6+$0x0];
	v34 =	vmul.f32 $8.000000000e+00, v35;
	[tilespmem:v41+s22+$0x0] =	vst.idx.msk $0xffff, v45  }
0x12d: {  	v35 =	vadd.s32 v11, v26;
	v41 =	vadd.s32 $0x410, v25;
	v43 =	vmul.f32 $8.000000000e+00, v43;
	p0 =	slt.u32 s14, $0x3E;
	v45 =	vld [tilespmem:s6+$0xFFFFFFF0];
	[tilespmem:v36+s22+$0x0] =	vst.idx.msk $0xffff, v42  }
0x12e: {  	v36 =	vadd.s32 v11, v28;
	v42 =	vmul.f32 $8.000000000e+00, v44;
	v37 =	vld.idx.msk [tilespmem:v37+s19+$0x0], $0xffff;
	[tilespmem:v38+s22+$0x0] =	vst.idx.msk $0xffff, v34  }
0x12f: {  	v34 =	vadd.s32 v9, v29;
	v38 =	vmul.f32 $8.000000000e+00, v49;
	[tilespmem:v46+s22+$0x0] =	vst.idx.msk $0xffff, v43;
	v39 =	vld.idx.msk [tilespmem:v39+s19+$0x0], $0xffff  }
0x130: {  	v44 =	vmul.f32 $8.000000000e+00, v50;
	v43 =	vadd.s32 v9, v30;
	v46 =	vld.idx.msk [tilespmem:v47+s19+$0x0], $0xffff;
	[tilespmem:v48+s22+$0x0] =	vst.idx.msk $0xffff, v42  }
0x131: {  	v42 =	vadd.s32 $0x460, v18;
	[tilespmem:v40+s22+$0x0] =	vst.idx.msk $0xffff, v38;
	v38 =	vld.idx.msk [tilespmem:v32+s19+$0x0], $0xffff;
	v32 =	vmov v31;
	v31 =	vadd.s32 v13, v30  }
0x132: {  	v40 =	vadd.s32 $0x410, v45;
	v35 =	vld.idx.msk [tilespmem:v35+s19+$0x0], $0xffff;
	[tilespmem:v41+s22+$0x0] =	vst.idx.msk $0xffff, v44;
	v41 =	vadd.s32 v16, v20;
	v44 =	vadd.s32 $0x460, v17  }
0x133: {  	v47 =	vadd.s32 $0x440, v22;
	v48 =	vadd.s32 v16, v21;
	v20 =	vmovc v23;
	v23 =	vmovc v26;
	v26 =	vmov v29;
	v36 =	vld.idx.msk [tilespmem:v36+s19+$0x0], $0xffff  }
0x134: {  	v50 =	vadd.s32 $0x440, v19;
	v21 =	vmovc v24;
	v24 =	vmovc v28;
	v49 =	vadd.s32 v14, v20;
	v37 =	vmul.f32 $8.000000000e+00, v37;
	v34 =	vld.idx.msk [tilespmem:v34+s19+$0x0], $0xffff  }
0x135: {  	s0 =	sadd.s32 $0x20, s0;
	v51 =	vadd.s32 $0x420, v27;
	v28 =	vmovc v30;
	v52 =	vadd.s32 v14, v21;
	v39 =	vmul.f32 $8.000000000e+00, v39;
	v43 =	vld.idx.msk [tilespmem:v43+s19+$0x0], $0xffff  }
0x136: {  	v53 =	vadd.s32 $0x420, v25;
	v30 =	vadd.s32 v12, v23;
	v46 =	vmul.f32 $8.000000000e+00, v46;
	v29 =	vld [tilespmem:s0+$0xFFFFFFF0];
	[tilespmem:v42+s22+$0x0] =	vst.idx.msk $0xffff, v37  }
0x137: {  	v37 =	vadd.s32 $0x400, v45;
	v42 =	vadd.s32 v12, v24;
	v38 =	vmul.f32 $8.000000000e+00, v38;
	v54 =	vld.idx.msk [tilespmem:v41+s19+$0x0], $0xffff;
	[tilespmem:v44+s22+$0x0] =	vst.idx.msk $0xffff, v39  }
0x138: {  	v55 =	vadd.s32 $0x400, v33;
	v39 =	vadd.s32 v10, v26;
	v35 =	vmul.f32 $8.000000000e+00, v35;
	[tilespmem:v47+s22+$0x0] =	vst.idx.msk $0xffff, v46;
	v47 =	vld.idx.msk [tilespmem:v48+s19+$0x0], $0xffff  }
0x139: {  	v46 =	vadd.s32 v10, v28;
	v36 =	vmul.f32 $8.000000000e+00, v36;
	v56 =	vld.idx.msk [tilespmem:v49+s19+$0x0], $0xffff;
	[tilespmem:v50+s22+$0x0] =	vst.idx.msk $0xffff, v38  }
0x13a: {  	v34 =	vmul.f32 $8.000000000e+00, v34;
	[tilespmem:v51+s22+$0x0] =	vst.idx.msk $0xffff, v35;
	v35 =	vld.idx.msk [tilespmem:v52+s19+$0x0], $0xffff;
	v51 =	vadd.s32 $0x470, v18;
	v18 =	vmovc v22;
	v22 =	vmov v27  }
.Ltmp2:
0x13b: {  	v41 =	vadd.s32 $0x470, v17;
	v17 =	vmovc v19;
	v19 =	vmov v25;
	v38 =	vmul.f32 $8.000000000e+00, v43;
	v43 =	vld.idx.msk [tilespmem:v30+s19+$0x0], $0xffff;
	[tilespmem:v53+s22+$0x0] =	vst.idx.msk $0xffff, v36;
	(pc) =	sbr.rel @p0 .LBB2_7-.Ltmp2, $4  }
0x13c: {  	v25 =	vmov v33;
	v27 =	vmov v45;
	v36 =	vadd.s32 $0x450, v18;
	[tilespmem:v37+s22+$0x0] =	vst.idx.msk $0xffff, v34;
	v44 =	vld.idx.msk [tilespmem:v42+s19+$0x0], $0xffff  }
0x13d: {  	v37 =	vadd.s32 v15, v20;
	v33 =	vmul.f32 $8.000000000e+00, v54;
	v49 =	vld.idx.msk [tilespmem:v39+s19+$0x0], $0xffff;
	[tilespmem:v55+s22+$0x0] =	vst.idx.msk $0xffff, v38;
	v38 =	vadd.s32 $0x450, v17  }
0x13e: {  	v39 =	vadd.s32 v15, v21;
	v45 =	vmul.f32 $8.000000000e+00, v47;
	v50 =	vld.idx.msk [tilespmem:v46+s19+$0x0], $0xffff;
	v46 =	vadd.s32 $0x430, v22  }
0x13f: {  	s6 =	sadd.s32 $0x20, s6;
	v48 =	vadd.s32 $0x430, v19;
	v47 =	vadd.s32 v13, v23;
	v42 =	vmul.f32 $8.000000000e+00, v56;
	v30 =	vld [tilespmem:s0+$0x0];
	[tilespmem:v51+s22+$0x0] =	vst.idx.msk $0xffff, v33  }
0x140: {  	_ =	sdelay $0x2  }
0x141: {  	v51 =	vadd.s32 v9, v29  }
0x142: {  	v52 =	vadd.s32 v9, v30  }
0x143: {  	v34 =	vld [tilespmem:s6+$0xFFFFFFF0]  }
0x144: {  	v33 =	vld [tilespmem:s6+$0x0];
	_ =	sdelay $0x1  }
0x145: {  	v51 =	vld.idx.msk [tilespmem:v51+s19+$0x0], $0xffff  }
0x146: {  	v52 =	vld.idx.msk [tilespmem:v52+s19+$0x0], $0xffff  }
0x147: {  	v53 =	vadd.s32 $0x400, v34  }
0x148: {  	v54 =	vadd.s32 v10, v29;
	v55 =	vadd.s32 $0x400, v33  }
0x149: {  	v56 =	vadd.s32 v10, v30  }
0x14a: {  	v51 =	vmul.f32 $8.000000000e+00, v51  }
0x14b: {  	v52 =	vmul.f32 $8.000000000e+00, v52  }
0x14c: {  	[tilespmem:v53+s22+$0x0] =	vst.idx.msk $0xffff, v51  }
0x14d: {  	v51 =	vld.idx.msk [tilespmem:v54+s19+$0x0], $0xffff;
	[tilespmem:v55+s22+$0x0] =	vst.idx.msk $0xffff, v52  }
0x14e: {  	v53 =	vadd.s32 $0x410, v25;
	v52 =	vadd.s32 v11, v26;
	v61 =	vld.idx.msk [tilespmem:v56+s19+$0x0], $0xffff  }
0x14f: {  	v62 =	vadd.s32 v11, v28;
	v63 =	vadd.s32 $0x410, v34  }
0x150: {  	v57 =	vadd.s32 v11, v29;
	v49 =	vmul.f32 $8.000000000e+00, v49;
	v58 =	vadd.s32 $0x410, v33  }
0x151: {  	v50 =	vmul.f32 $8.000000000e+00, v50;
	v59 =	vadd.s32 v11, v30  }
0x152: {  	[tilespmem:v40+s22+$0x0] =	vst.idx.msk $0xffff, v49;
	v60 =	vmul.f32 $8.000000000e+00, v51  }
0x153: {  	[tilespmem:v53+s22+$0x0] =	vst.idx.msk $0xffff, v50;
	v49 =	vld.idx.msk [tilespmem:v52+s19+$0x0], $0xffff;
	v61 =	vmul.f32 $8.000000000e+00, v61  }
0x154: {  	v51 =	vld.idx.msk [tilespmem:v62+s19+$0x0], $0xffff;
	[tilespmem:v63+s22+$0x0] =	vst.idx.msk $0xffff, v60  }
0x155: {  	v40 =	vadd.s32 $0x420, v27;
	v62 =	vld.idx.msk [tilespmem:v57+s19+$0x0], $0xffff;
	[tilespmem:v58+s22+$0x0] =	vst.idx.msk $0xffff, v61  }
0x156: {  	v50 =	vadd.s32 v12, v26;
	v53 =	vadd.s32 $0x420, v25;
	v63 =	vld.idx.msk [tilespmem:v59+s19+$0x0], $0xffff  }
0x157: {  	v55 =	vadd.s32 v12, v28;
	v56 =	vadd.s32 $0x420, v34  }
0x158: {  	v60 =	vadd.s32 v12, v29;
	v61 =	vadd.s32 $0x420, v33;
	v49 =	vmul.f32 $8.000000000e+00, v49  }
0x159: {  	v51 =	vmul.f32 $8.000000000e+00, v51;
	v59 =	vadd.s32 v12, v30  }
0x15a: {  	v62 =	vmul.f32 $8.000000000e+00, v62;
	[tilespmem:v40+s22+$0x0] =	vst.idx.msk $0xffff, v49  }
0x15b: {  	[tilespmem:v53+s22+$0x0] =	vst.idx.msk $0xffff, v51;
	v49 =	vld.idx.msk [tilespmem:v50+s19+$0x0], $0xffff;
	v63 =	vmul.f32 $8.000000000e+00, v63  }
0x15c: {  	v51 =	vld.idx.msk [tilespmem:v55+s19+$0x0], $0xffff;
	[tilespmem:v56+s22+$0x0] =	vst.idx.msk $0xffff, v62  }
0x15d: {  	v40 =	vadd.s32 $0x430, v27;
	v52 =	vld.idx.msk [tilespmem:v60+s19+$0x0], $0xffff;
	[tilespmem:v61+s22+$0x0] =	vst.idx.msk $0xffff, v63  }
0x15e: {  	v43 =	vmul.f32 $8.000000000e+00, v43;
	v60 =	vadd.s32 v13, v26;
	v61 =	vadd.s32 $0x430, v25;
	v62 =	vld.idx.msk [tilespmem:v59+s19+$0x0], $0xffff  }
0x15f: {  	v44 =	vmul.f32 $8.000000000e+00, v44;
	v55 =	vadd.s32 $0x430, v34  }
0x160: {  	[tilespmem:v46+s22+$0x0] =	vst.idx.msk $0xffff, v43;
	v46 =	vadd.s32 v13, v29;
	v63 =	vmul.f32 $8.000000000e+00, v49;
	v49 =	vadd.s32 $0x430, v33  }
0x161: {  	[tilespmem:v48+s22+$0x0] =	vst.idx.msk $0xffff, v44;
	v44 =	vld.idx.msk [tilespmem:v47+s19+$0x0], $0xffff;
	v56 =	vadd.s32 v13, v30;
	v57 =	vmul.f32 $8.000000000e+00, v51  }
0x162: {  	v32 =	vld.idx.msk [tilespmem:v32+s19+$0x0], $0xffff;
	v58 =	vmul.f32 $8.000000000e+00, v52;
	[tilespmem:v40+s22+$0x0] =	vst.idx.msk $0xffff, v63  }
0x163: {  	v59 =	vadd.s32 $0x440, v22;
	v50 =	vld.idx.msk [tilespmem:v60+s19+$0x0], $0xffff;
	[tilespmem:v61+s22+$0x0] =	vst.idx.msk $0xffff, v57;
	v60 =	vmul.f32 $8.000000000e+00, v62  }
0x164: {  	[tilespmem:v55+s22+$0x0] =	vst.idx.msk $0xffff, v58;
	v61 =	vadd.s32 v14, v23;
	v62 =	vadd.s32 $0x440, v19;
	v31 =	vld.idx.msk [tilespmem:v31+s19+$0x0], $0xffff  }
0x165: {  	v40 =	vadd.s32 v14, v24;
	v63 =	vadd.s32 $0x440, v27;
	v46 =	vld.idx.msk [tilespmem:v46+s19+$0x0], $0xffff;
	[tilespmem:v49+s22+$0x0] =	vst.idx.msk $0xffff, v60  }
0x166: {  	v44 =	vmul.f32 $8.000000000e+00, v44;
	v54 =	vadd.s32 v14, v26;
	v55 =	vadd.s32 $0x440, v25;
	v47 =	vld.idx.msk [tilespmem:v56+s19+$0x0], $0xffff  }
0x167: {  	[tilespmem:v41+s22+$0x0] =	vst.idx.msk $0xffff, v45;
	v32 =	vmul.f32 $8.000000000e+00, v32;
	v57 =	vadd.s32 $0x440, v34;
	v56 =	vadd.s32 v14, v28  }
0x168: {  	[tilespmem:v59+s22+$0x0] =	vst.idx.msk $0xffff, v44;
	v59 =	vadd.s32 v14, v29;
	v60 =	vadd.s32 $0x440, v33;
	v58 =	vmul.f32 $8.000000000e+00, v50  }
0x169: {  	v61 =	vld.idx.msk [tilespmem:v61+s19+$0x0], $0xffff;
	[tilespmem:v62+s22+$0x0] =	vst.idx.msk $0xffff, v32;
	v31 =	vmul.f32 $8.000000000e+00, v31;
	v62 =	vadd.s32 v14, v30  }
0x16a: {  	v40 =	vld.idx.msk [tilespmem:v40+s19+$0x0], $0xffff;
	[tilespmem:v63+s22+$0x0] =	vst.idx.msk $0xffff, v58;
	v63 =	vmul.f32 $8.000000000e+00, v46  }
0x16b: {  	v52 =	vadd.s32 $0x450, v22;
	v48 =	vld.idx.msk [tilespmem:v54+s19+$0x0], $0xffff;
	[tilespmem:v55+s22+$0x0] =	vst.idx.msk $0xffff, v31;
	v31 =	vmul.f32 $8.000000000e+00, v47  }
0x16c: {  	v53 =	vadd.s32 v15, v23;
	v54 =	vadd.s32 $0x450, v19;
	v41 =	vld.idx.msk [tilespmem:v56+s19+$0x0], $0xffff;
	[tilespmem:v57+s22+$0x0] =	vst.idx.msk $0xffff, v63  }
0x16d: {  	v35 =	vmul.f32 $8.000000000e+00, v35;
	v43 =	vadd.s32 v15, v24;
	v55 =	vadd.s32 $0x450, v27;
	v44 =	vld.idx.msk [tilespmem:v59+s19+$0x0], $0xffff;
	[tilespmem:v60+s22+$0x0] =	vst.idx.msk $0xffff, v31  }
0x16e: {  	[tilespmem:v36+s22+$0x0] =	vst.idx.msk $0xffff, v42;
	v32 =	vadd.s32 v15, v26;
	v56 =	vadd.s32 $0x450, v25;
	v31 =	vmul.f32 $8.000000000e+00, v61;
	v57 =	vld.idx.msk [tilespmem:v62+s19+$0x0], $0xffff  }
0x16f: {  	v37 =	vld.idx.msk [tilespmem:v37+s19+$0x0], $0xffff;
	[tilespmem:v38+s22+$0x0] =	vst.idx.msk $0xffff, v35;
	v59 =	vadd.s32 v15, v28;
	v60 =	vadd.s32 $0x450, v34;
	v58 =	vmul.f32 $8.000000000e+00, v40  }
0x170: {  	v39 =	vld.idx.msk [tilespmem:v39+s19+$0x0], $0xffff;
	v61 =	vadd.s32 v15, v29;
	v62 =	vadd.s32 $0x450, v33;
	[tilespmem:v52+s22+$0x0] =	vst.idx.msk $0xffff, v31;
	v31 =	vmul.f32 $8.000000000e+00, v48  }
0x171: {  	v63 =	vadd.s32 $0x460, v18;
	v47 =	vld.idx.msk [tilespmem:v53+s19+$0x0], $0xffff;
	[tilespmem:v54+s22+$0x0] =	vst.idx.msk $0xffff, v58;
	v52 =	vmul.f32 $8.000000000e+00, v41;
	v53 =	vadd.s32 v15, v30  }
0x172: {  	v20 =	vadd.s32 v16, v20;
	v54 =	vadd.s32 $0x460, v17;
	v43 =	vld.idx.msk [tilespmem:v43+s19+$0x0], $0xffff;
	[tilespmem:v55+s22+$0x0] =	vst.idx.msk $0xffff, v31;
	v31 =	vmul.f32 $8.000000000e+00, v44  }
0x173: {  	v21 =	vadd.s32 v16, v21;
	v55 =	vadd.s32 $0x460, v22;
	v32 =	vld.idx.msk [tilespmem:v32+s19+$0x0], $0xffff;
	[tilespmem:v56+s22+$0x0] =	vst.idx.msk $0xffff, v52;
	v56 =	vmul.f32 $8.000000000e+00, v57  }
0x174: {  	v23 =	vadd.s32 v16, v23;
	v58 =	vadd.s32 $0x460, v19;
	v57 =	vmul.f32 $8.000000000e+00, v37;
	v38 =	vld.idx.msk [tilespmem:v59+s19+$0x0], $0xffff;
	[tilespmem:v60+s22+$0x0] =	vst.idx.msk $0xffff, v31  }
0x175: {  	v24 =	vadd.s32 v16, v24;
	v31 =	vmul.f32 $8.000000000e+00, v39;
	v59 =	vadd.s32 $0x460, v27;
	v40 =	vld.idx.msk [tilespmem:v61+s19+$0x0], $0xffff;
	[tilespmem:v62+s22+$0x0] =	vst.idx.msk $0xffff, v56  }
0x176: {  	v26 =	vadd.s32 v16, v26;
	v61 =	vadd.s32 $0x460, v25;
	[tilespmem:v63+s22+$0x0] =	vst.idx.msk $0xffff, v57;
	v60 =	vmul.f32 $8.000000000e+00, v47;
	v41 =	vld.idx.msk [tilespmem:v53+s19+$0x0], $0xffff  }
0x177: {  	v28 =	vadd.s32 v16, v28;
	[tilespmem:v54+s22+$0x0] =	vst.idx.msk $0xffff, v31;
	v62 =	vadd.s32 $0x460, v34;
	v20 =	vld.idx.msk [tilespmem:v20+s19+$0x0], $0xffff;
	v31 =	vmul.f32 $8.000000000e+00, v43  }
0x178: {  	v29 =	vadd.s32 v16, v29;
	v63 =	vadd.s32 $0x460, v33;
	v21 =	vld.idx.msk [tilespmem:v21+s19+$0x0], $0xffff;
	[tilespmem:v55+s22+$0x0] =	vst.idx.msk $0xffff, v60;
	v32 =	vmul.f32 $8.000000000e+00, v32  }
0x179: {  	v18 =	vadd.s32 $0x470, v18;
	v30 =	vadd.s32 v16, v30;
	v23 =	vld.idx.msk [tilespmem:v23+s19+$0x0], $0xffff;
	[tilespmem:v58+s22+$0x0] =	vst.idx.msk $0xffff, v31;
	v31 =	vmul.f32 $8.000000000e+00, v38  }
0x17a: {  	v17 =	vadd.s32 $0x470, v17;
	v24 =	vld.idx.msk [tilespmem:v24+s19+$0x0], $0xffff;
	[tilespmem:v59+s22+$0x0] =	vst.idx.msk $0xffff, v32;
	v40 =	vmul.f32 $8.000000000e+00, v40  }
0x17b: {  	v22 =	vadd.s32 $0x470, v22;
	v26 =	vld.idx.msk [tilespmem:v26+s19+$0x0], $0xffff;
	[tilespmem:v61+s22+$0x0] =	vst.idx.msk $0xffff, v31;
	v31 =	vmul.f32 $8.000000000e+00, v41  }
0x17c: {  	v19 =	vadd.s32 $0x470, v19;
	v20 =	vmul.f32 $8.000000000e+00, v20;
	v28 =	vld.idx.msk [tilespmem:v28+s19+$0x0], $0xffff;
	[tilespmem:v62+s22+$0x0] =	vst.idx.msk $0xffff, v40  }
0x17d: {  	v27 =	vadd.s32 $0x470, v27;
	v21 =	vmul.f32 $8.000000000e+00, v21;
	v29 =	vld.idx.msk [tilespmem:v29+s19+$0x0], $0xffff;
	[tilespmem:v63+s22+$0x0] =	vst.idx.msk $0xffff, v31  }
0x17e: {  	[tilespmem:v18+s22+$0x0] =	vst.idx.msk $0xffff, v20;
	v18 =	vmul.f32 $8.000000000e+00, v23;
	v20 =	vadd.s32 $0x470, v25;
	v23 =	vld.idx.msk [tilespmem:v30+s19+$0x0], $0xffff  }
0x17f: {  	[tilespmem:v17+s22+$0x0] =	vst.idx.msk $0xffff, v21;
	v21 =	vadd.s32 $0x470, v34;
	v17 =	vmul.f32 $8.000000000e+00, v24  }
0x180: {  	[tilespmem:v22+s22+$0x0] =	vst.idx.msk $0xffff, v18;
	v18 =	vmul.f32 $8.000000000e+00, v26;
	v22 =	vadd.s32 $0x470, v33  }
0x181: {  	[tilespmem:v19+s22+$0x0] =	vst.idx.msk $0xffff, v17;
	v17 =	vmul.f32 $8.000000000e+00, v28  }
0x182: {  	s0 =	sshll.u32 s25, $0x14;
	[tilespmem:v27+s22+$0x0] =	vst.idx.msk $0xffff, v18;
	v18 =	vmul.f32 $8.000000000e+00, v29  }
0x183: {  	s0 =	sor.u32 s5, s0;
	[tilespmem:v20+s22+$0x0] =	vst.idx.msk $0xffff, v17;
	v17 =	vmul.f32 $8.000000000e+00, v23  }
0x184: {  	s26 =	sshrl.u32 s0, $0x3;
	[tilespmem:v21+s22+$0x0] =	vst.idx.msk $0xffff, v18  }
0x185: {  	s0 =	sadd.s32 s2, s26;
	[tilespmem:v22+s22+$0x0] =	vst.idx.msk $0xffff, v17  }
0x186: {  	[hbm4b:s0+s3] =	stream.linear.scatter [tilespmem:s22], [sflag:$0x3], $0x800, $0x38;
	[tilespmem:$0x16C00] =	vst v63  }
0x187: {  	s23 =	simm.s32 $0xEC00;
	s18 =	sadd.s32 s26, s7  }
0x188: {  	[hbm4b:s18+s3] =	stream.linear.scatter [tilespmem:s23], [sflag:$0x3], $0x800, $0x38;
	[tilespmem:$0x16C00] =	vst v63  }
0x189: {  	s15 =	simm.s32 $0xF400;
	s14 =	sadd.s32 s26, s8  }
0x18a: {  	[hbm4b:s14+s3] =	stream.linear.scatter [tilespmem:s15], [sflag:$0x3], $0x800, $0x38;
	[tilespmem:$0x16C00] =	vst v63  }
0x18b: {  	s17 =	simm.s32 $0xFC00;
	s16 =	sadd.s32 s26, s9  }
0x18c: {  	[hbm4b:s16+s3] =	stream.linear.scatter [tilespmem:s17], [sflag:$0x3], $0x800, $0x38;
	[tilespmem:$0x16C00] =	vst v63  }
0x18d: {  	s18 =	sadd.s32 s26, s10;
	s23 =	simm.s32 $0x10400  }
0x18e: {  	[hbm4b:s18+s3] =	stream.linear.scatter [tilespmem:s23], [sflag:$0x3], $0x800, $0x38;
	[tilespmem:$0x16C00] =	vst v63  }
0x18f: {  	s14 =	sadd.s32 s26, s11;
	s15 =	simm.s32 $0x10C00  }
0x190: {  	[hbm4b:s14+s3] =	stream.linear.scatter [tilespmem:s15], [sflag:$0x3], $0x800, $0x38;
	[tilespmem:$0x16C00] =	vst v63  }
0x191: {  	s16 =	sadd.s32 s26, s12;
	s17 =	simm.s32 $0x11400  }
0x192: {  	[hbm4b:s16+s3] =	stream.linear.scatter [tilespmem:s17], [sflag:$0x3], $0x800, $0x38;
	[tilespmem:$0x16C00] =	vst v63  }
0x193: {  	s18 =	sadd.s32 s26, s13;
	s23 =	simm.s32 $0x11C00  }
0x194: {  	[hbm4b:s18+s3] =	stream.linear.scatter [tilespmem:s23], [sflag:$0x3], $0x800, $0x38;
	[tilespmem:$0x16C00] =	vst v63  }
0x195: {  	p0 =	seq.s32 s25, $0x31;
	_ =	swait.ge [sflag:s31], $0x4000  }
0x196: {  	p1 =	seq.s32 @!p0 s25, $0x0;
	s6 =	simm.s32 @!p0 $0x100;
	[sflag:s31] =	ssyncset.done $0x0  }
0x197: {  	s0 =	sadd.s32 @!p0 $0x200, s28;
	s14 =	simm.s32 @!p0 $0x6400;
	[sflag:s31] =	ssyncadd.s32 $0xFFFFC000  }
0x198: {  	[tilespmem:s14], [sflag:$0x1] =	stream.indirect.gather @!p0 [hbm4b:s4+s6], $0x40, s0, s6, $0xb8;
	[tilespmem:$0x16C00] =	vst v63  }
0x199: {  	p0 =	por p0, !p1  }
0x19a: {  	_ =	swait.ge @p0 [sflag:s24], $0x800  }
0x19b: {  	[sflag:s24] =	ssyncset.done @p0 $0x0  }
0x19c: {  	[sflag:s24] =	ssyncadd.s32 @p0 $0xFFFFF800  }
0x19d: {  	_ =	swait.ge @p0 [sflag:s24], $0x800  }
0x19e: {  	[sflag:s24] =	ssyncset.done @p0 $0x0  }
0x19f: {  	[sflag:s24] =	ssyncadd.s32 @p0 $0xFFFFF800  }
0x1a0: {  	_ =	swait.ge @p0 [sflag:s24], $0x800  }
0x1a1: {  	[sflag:s24] =	ssyncset.done @p0 $0x0  }
0x1a2: {  	[sflag:s24] =	ssyncadd.s32 @p0 $0xFFFFF800  }
0x1a3: {  	_ =	swait.ge @p0 [sflag:s24], $0x800  }
0x1a4: {  	[sflag:s24] =	ssyncset.done @p0 $0x0  }
0x1a5: {  	[sflag:s24] =	ssyncadd.s32 @p0 $0xFFFFF800  }
0x1a6: {  	_ =	swait.ge @p0 [sflag:s24], $0x800  }
0x1a7: {  	[sflag:s24] =	ssyncset.done @p0 $0x0  }
0x1a8: {  	[sflag:s24] =	ssyncadd.s32 @p0 $0xFFFFF800  }
0x1a9: {  	_ =	swait.ge @p0 [sflag:s24], $0x800  }
0x1aa: {  	[sflag:s24] =	ssyncset.done @p0 $0x0  }
0x1ab: {  	[sflag:s24] =	ssyncadd.s32 @p0 $0xFFFFF800  }
0x1ac: {  	_ =	swait.ge @p0 [sflag:s24], $0x800  }
0x1ad: {  	[sflag:s24] =	ssyncset.done @p0 $0x0  }
0x1ae: {  	[sflag:s24] =	ssyncadd.s32 @p0 $0xFFFFF800  }
0x1af: {  	_ =	swait.ge @p0 [sflag:s24], $0x800  }
0x1b0: {  	[sflag:s24] =	ssyncset.done @p0 $0x0  }
0x1b1: {  	s6 =	simm.s32 $0x16410;
	[sflag:s24] =	ssyncadd.s32 @p0 $0xFFFFF800  }
0x1b2: {  	v31 =	vld [tilespmem:s6+$0xFFFFFFF0];
	_ =	sdelay $0x1  }
0x1b3: {  	v29 =	vld [tilespmem:s6+$0x0];
	_ =	sdelay $0x2  }
0x1b4: {  	v17 =	vadd.s32 v1, v31;
	_ =	sdelay $0x1  }
0x1b5: {  	v18 =	vadd.s32 v1, v29  }
0x1b6: {  	s14 =	simm.s32 $0x16810  }
0x1b7: {  	v33 =	vld [tilespmem:s14+$0xFFFFFFF0]  }
0x1b8: {  	v17 =	vld.idx.msk [tilespmem:v17+s21+$0x0], $0xffff  }
0x1b9: {  	v30 =	vld [tilespmem:s14+$0x0]  }
0x1ba: {  	v18 =	vld.idx.msk [tilespmem:v18+s21+$0x0], $0xffff  }
0x1bb: {  	v19 =	vadd.s32 v2, v31;
	_ =	sdelay $0x1  }
0x1bc: {  	v21 =	vadd.s32 v2, v29;
	v17 =	vmul.f32 $8.000000000e+00, v17  }
0x1bd: {  	s30 =	simm.s32 $0x16430  }
0x1be: {  	v20 =	vld [tilespmem:s30+$0xFFFFFFF0];
	v18 =	vmul.f32 $8.000000000e+00, v18;
	[tilespmem:v33+s1+$0x0] =	vst.idx.msk $0xffff, v17  }
0x1bf: {  	v17 =	vld.idx.msk [tilespmem:v19+s21+$0x0], $0xffff  }
0x1c0: {  	v22 =	vld [tilespmem:s30+$0x0];
	[tilespmem:v30+s1+$0x0] =	vst.idx.msk $0xffff, v18  }
0x1c1: {  	v18 =	vld.idx.msk [tilespmem:v21+s21+$0x0], $0xffff;
	v21 =	vadd.s32 $0x10, v33  }
0x1c2: {  	v23 =	vadd.s32 v3, v31  }
0x1c3: {  	v25 =	vadd.s32 v1, v20  }
0x1c4: {  	v24 =	vadd.s32 $0x10, v30;
	v17 =	vmul.f32 $8.000000000e+00, v17  }
0x1c5: {  	s16 =	simm.s32 $0x16830;
	v26 =	vadd.s32 v3, v29  }
0x1c6: {  	v27 =	vadd.s32 v1, v22;
	v19 =	vld [tilespmem:s16+$0xFFFFFFF0];
	[tilespmem:v21+s1+$0x0] =	vst.idx.msk $0xffff, v17  }
0x1c7: {  	v17 =	vmul.f32 $8.000000000e+00, v18;
	v18 =	vld.idx.msk [tilespmem:v23+s21+$0x0], $0xffff  }
0x1c8: {  	v21 =	vld.idx.msk [tilespmem:v25+s21+$0x0], $0xffff  }
0x1c9: {  	[tilespmem:v24+s1+$0x0] =	vst.idx.msk $0xffff, v17;
	v24 =	vadd.s32 $0x20, v33;
	v17 =	vld [tilespmem:s16+$0x0]  }
0x1ca: {  	v25 =	vld.idx.msk [tilespmem:v26+s21+$0x0], $0xffff;
	v26 =	vadd.s32 v4, v31  }
0x1cb: {  	v43 =	vadd.s32 v2, v20;
	v27 =	vld.idx.msk [tilespmem:v27+s21+$0x0], $0xffff  }
0x1cc: {  	v28 =	vadd.s32 $0x20, v30;
	v18 =	vmul.f32 $8.000000000e+00, v18  }
0x1cd: {  	s29 =	simm.s32 $0x16450;
	v44 =	vadd.s32 v4, v29;
	v21 =	vmul.f32 $8.000000000e+00, v21  }
0x1ce: {  	v45 =	vadd.s32 v2, v22;
	v23 =	vld [tilespmem:s29+$0xFFFFFFF0];
	[tilespmem:v24+s1+$0x0] =	vst.idx.msk $0xffff, v18  }
0x1cf: {  	[tilespmem:v19+s1+$0x0] =	vst.idx.msk $0xffff, v21;
	v18 =	vmul.f32 $8.000000000e+00, v25;
	v25 =	vld.idx.msk [tilespmem:v26+s21+$0x0], $0xffff  }
0x1d0: {  	v21 =	vmul.f32 $8.000000000e+00, v27;
	v26 =	vld.idx.msk [tilespmem:v43+s21+$0x0], $0xffff  }
0x1d1: {  	v27 =	vadd.s32 $0x30, v33;
	v24 =	vld [tilespmem:s29+$0x0];
	[tilespmem:v28+s1+$0x0] =	vst.idx.msk $0xffff, v18  }
0x1d2: {  	v46 =	vadd.s32 v5, v31;
	v47 =	vadd.s32 $0x10, v19;
	[tilespmem:v17+s1+$0x0] =	vst.idx.msk $0xffff, v21;
	v28 =	vld.idx.msk [tilespmem:v44+s21+$0x0], $0xffff  }
0x1d3: {  	v48 =	vadd.s32 v3, v20;
	v35 =	vld.idx.msk [tilespmem:v45+s21+$0x0], $0xffff  }
0x1d4: {  	v49 =	vadd.s32 $0x30, v30;
	v25 =	vmul.f32 $8.000000000e+00, v25  }
0x1d5: {  	s0 =	simm.s32 $0x16850;
	v52 =	vadd.s32 v1, v23;
	v51 =	vadd.s32 $0x10, v17;
	v26 =	vmul.f32 $8.000000000e+00, v26  }
0x1d6: {  	v50 =	vadd.s32 v5, v29;
	v18 =	vld [tilespmem:s0+$0x0];
	[tilespmem:v27+s1+$0x0] =	vst.idx.msk $0xffff, v25  }
0x1d7: {  	v53 =	vadd.s32 v3, v22;
	v25 =	vmul.f32 $8.000000000e+00, v28;
	[tilespmem:v47+s1+$0x0] =	vst.idx.msk $0xffff, v26;
	v27 =	vld.idx.msk [tilespmem:v46+s21+$0x0], $0xffff  }
0x1d8: {  	v28 =	vadd.s32 v1, v24;
	v26 =	vmul.f32 $8.000000000e+00, v35;
	v54 =	vld.idx.msk [tilespmem:v48+s21+$0x0], $0xffff  }
0x1d9: {  	v55 =	vadd.s32 $0x40, v33;
	v21 =	vld [tilespmem:s0+$0xFFFFFFF0];
	[tilespmem:v49+s1+$0x0] =	vst.idx.msk $0xffff, v25  }
0x1da: {  	v58 =	vadd.s32 $0x20, v19;
	[tilespmem:v51+s1+$0x0] =	vst.idx.msk $0xffff, v26;
	v26 =	vld.idx.msk [tilespmem:v52+s21+$0x0], $0xffff  }
0x1db: {  	v57 =	vadd.s32 v6, v31;
	v56 =	vld.idx.msk [tilespmem:v50+s21+$0x0], $0xffff  }
0x1dc: {  	v59 =	vadd.s32 v4, v20;
	v39 =	vld.idx.msk [tilespmem:v53+s21+$0x0], $0xffff;
	v27 =	vmul.f32 $8.000000000e+00, v27  }
0x1dd: {  	s28 =	simm.s32 $0x16470;
	v60 =	vadd.s32 $0x40, v30;
	v28 =	vld.idx.msk [tilespmem:v28+s21+$0x0], $0xffff;
	v32 =	vmul.f32 $8.000000000e+00, v54  }
0x1de: {  	s17 =	simm.s32 $0x16490;
	v61 =	vadd.s32 v6, v29;
	v62 =	vadd.s32 $0x20, v17;
	v48 =	vadd.s32 v4, v22;
	v25 =	vld [tilespmem:s28+$0xFFFFFFF0];
	[tilespmem:v55+s1+$0x0] =	vst.idx.msk $0xffff, v27  }
0x1df: {  	v46 =	vadd.s32 v8, v29;
	v26 =	vmul.f32 $8.000000000e+00, v26;
	[tilespmem:v58+s1+$0x0] =	vst.idx.msk $0xffff, v32;
	v58 =	vadd.s32 v7, v29;
	v29 =	vld [tilespmem:s17+$0xFFFFFFF0]  }
0x1e0: {  	v63 =	vadd.s32 v2, v23;
	v27 =	vmul.f32 $8.000000000e+00, v56;
	v34 =	vld.idx.msk [tilespmem:v57+s21+$0x0], $0xffff  }
0x1e1: {  	v49 =	vadd.s32 v2, v24;
	v50 =	vmul.f32 $8.000000000e+00, v39;
	v32 =	vld.idx.msk [tilespmem:v59+s21+$0x0], $0xffff;
	[tilespmem:v21+s1+$0x0] =	vst.idx.msk $0xffff, v26  }
0x1e2: {  	[tilespmem:v60+s1+$0x0] =	vst.idx.msk $0xffff, v27;
	v26 =	vmul.f32 $8.000000000e+00, v28;
	v28 =	vld [tilespmem:s28+$0x0]  }
0x1e3: {  	v27 =	vadd.s32 $0x50, v33;
	[tilespmem:v62+s1+$0x0] =	vst.idx.msk $0xffff, v50;
	v51 =	vld.idx.msk [tilespmem:v61+s21+$0x0], $0xffff  }
0x1e4: {  	v52 =	vadd.s32 v7, v31;
	v54 =	vadd.s32 $0x30, v19;
	v55 =	vld.idx.msk [tilespmem:v48+s21+$0x0], $0xffff  }
0x1e5: {  	v56 =	vadd.s32 $0x50, v30;
	v57 =	vadd.s32 v5, v20;
	v53 =	vld.idx.msk [tilespmem:v63+s21+$0x0], $0xffff;
	[tilespmem:v18+s1+$0x0] =	vst.idx.msk $0xffff, v26  }
0x1e6: {  	s15 =	simm.s32 $0x16870;
	v61 =	vadd.s32 $0x30, v17;
	v35 =	vld.idx.msk [tilespmem:v49+s21+$0x0], $0xffff;
	v34 =	vmul.f32 $8.000000000e+00, v34  }
0x1e7: {  	v59 =	vadd.s32 $0x10, v21;
	v62 =	vadd.s32 v5, v22;
	v26 =	vld [tilespmem:s15+$0x0];
	v32 =	vmul.f32 $8.000000000e+00, v32  }
0x1e8: {  	v60 =	vadd.s32 v3, v23;
	v63 =	vadd.s32 $0x10, v18;
	[tilespmem:v27+s1+$0x0] =	vst.idx.msk $0xffff, v34;
	v37 =	vmul.f32 $8.000000000e+00, v51;
	v27 =	vld [tilespmem:s15+$0xFFFFFFF0]  }
0x1e9: {  	[tilespmem:v54+s1+$0x0] =	vst.idx.msk $0xffff, v32;
	v40 =	vmul.f32 $8.000000000e+00, v55;
	v54 =	vadd.s32 v1, v28;
	v38 =	vld.idx.msk [tilespmem:v52+s21+$0x0], $0xffff  }
0x1ea: {  	v39 =	vmul.f32 $8.000000000e+00, v53;
	v52 =	vadd.s32 v1, v25;
	v36 =	vld.idx.msk [tilespmem:v57+s21+$0x0], $0xffff;
	[tilespmem:v56+s1+$0x0] =	vst.idx.msk $0xffff, v37  }
0x1eb: {  	v53 =	vadd.s32 v3, v24;
	v55 =	vadd.s32 $0x60, v33;
	v35 =	vmul.f32 $8.000000000e+00, v35;
	[tilespmem:v61+s1+$0x0] =	vst.idx.msk $0xffff, v40;
	v41 =	vld.idx.msk [tilespmem:v58+s21+$0x0], $0xffff  }
0x1ec: {  	[tilespmem:v59+s1+$0x0] =	vst.idx.msk $0xffff, v39;
	v57 =	vadd.s32 v8, v31;
	v58 =	vadd.s32 $0x40, v19;
	v34 =	vld.idx.msk [tilespmem:v62+s21+$0x0], $0xffff  }
0x1ed: {  	v42 =	vld.idx.msk [tilespmem:v60+s21+$0x0], $0xffff;
	v60 =	vadd.s32 v6, v20;
	[tilespmem:v63+s1+$0x0] =	vst.idx.msk $0xffff, v35;
	v35 =	vadd.s32 $0x60, v30  }
0x1ee: {  	v50 =	vadd.s32 $0x40, v17;
	v37 =	vld.idx.msk [tilespmem:v54+s21+$0x0], $0xffff;
	v38 =	vmul.f32 $8.000000000e+00, v38  }
0x1ef: {  	v56 =	vadd.s32 $0x20, v21;
	v59 =	vld.idx.msk [tilespmem:v52+s21+$0x0], $0xffff;
	v61 =	vmul.f32 $8.000000000e+00, v36;
	v36 =	vadd.s32 v6, v22  }
0x1f0: {  	v49 =	vadd.s32 v4, v23;
	v48 =	vld.idx.msk [tilespmem:v53+s21+$0x0], $0xffff;
	[tilespmem:v55+s1+$0x0] =	vst.idx.msk $0xffff, v38;
	v62 =	vmul.f32 $8.000000000e+00, v41  }
0x1f1: {  	v32 =	vadd.s32 v5, v28;
	[tilespmem:v58+s1+$0x0] =	vst.idx.msk $0xffff, v61;
	v34 =	vmul.f32 $8.000000000e+00, v34;
	v38 =	vld.idx.msk [tilespmem:v57+s21+$0x0], $0xffff  }
0x1f2: {  	v51 =	vadd.s32 $0x20, v18;
	v63 =	vadd.s32 v2, v25;
	v57 =	vmul.f32 $8.000000000e+00, v42;
	v45 =	vld.idx.msk [tilespmem:v60+s21+$0x0], $0xffff;
	[tilespmem:v35+s1+$0x0] =	vst.idx.msk $0xffff, v62  }
0x1f3: {  	v58 =	vadd.s32 v4, v24;
	[tilespmem:v50+s1+$0x0] =	vst.idx.msk $0xffff, v34;
	v35 =	vadd.s32 $0x70, v30;
	v30 =	vmul.f32 $8.000000000e+00, v37;
	v61 =	vld.idx.msk [tilespmem:v46+s21+$0x0], $0xffff  }
0x1f4: {  	v33 =	vadd.s32 $0x70, v33;
	v60 =	vadd.s32 v2, v28;
	v59 =	vmul.f32 $8.000000000e+00, v59;
	[tilespmem:v56+s1+$0x0] =	vst.idx.msk $0xffff, v57;
	v40 =	vld.idx.msk [tilespmem:v36+s21+$0x0], $0xffff  }
0x1f5: {  	v31 =	vadd.s32 v5, v24;
	v41 =	vadd.s32 $0x50, v19;
	v62 =	vmul.f32 $8.000000000e+00, v48;
	v44 =	vld.idx.msk [tilespmem:v49+s21+$0x0], $0xffff;
	[tilespmem:v26+s1+$0x0] =	vst.idx.msk $0xffff, v30  }
0x1f6: {  	v39 =	vadd.s32 v3, v25;
	v52 =	vadd.s32 $0x10, v27;
	v37 =	vadd.s32 v7, v20;
	v30 =	vld [tilespmem:s17+$0x0];
	[tilespmem:v27+s1+$0x0] =	vst.idx.msk $0xffff, v59  }
0x1f7: {  	v42 =	vadd.s32 v3, v29;
	v46 =	vadd.s32 $0x30, v21;
	[tilespmem:v51+s1+$0x0] =	vst.idx.msk $0xffff, v62;
	v50 =	vld.idx.msk [tilespmem:v63+s21+$0x0], $0xffff;
	v63 =	vmul.f32 $8.000000000e+00, v38  }
0x1f8: {  	v48 =	vadd.s32 v5, v23;
	v47 =	vld.idx.msk [tilespmem:v58+s21+$0x0], $0xffff;
	v38 =	vadd.s32 $0x50, v17;
	v45 =	vmul.f32 $8.000000000e+00, v45  }
0x1f9: {  	s18 =	simm.s32 $0x8;
	s23 =	simm.s32 $0x16890;
	v36 =	vadd.s32 v7, v22;
	v49 =	vadd.s32 $0x30, v18;
	v51 =	vld.idx.msk [tilespmem:v60+s21+$0x0], $0xffff;
	[tilespmem:v33+s1+$0x0] =	vst.idx.msk $0xffff, v63;
	v43 =	vmul.f32 $8.000000000e+00, v61  }
.LBB2_9:
0x1fa: {  	s18 =	sadd.s32 $0x2, s18;
	v33 =	vld [tilespmem:s23+$0x0];
	v34 =	vmul.f32 $8.000000000e+00, v44;
	[tilespmem:v41+s1+$0x0] =	vst.idx.msk $0xffff, v45  }
0x1fb: {  	v41 =	vadd.s32 $0x10, v26;
	v40 =	vmul.f32 $8.000000000e+00, v40;
	p0 =	slt.u32 s18, $0x3E;
	v37 =	vld.idx.msk [tilespmem:v37+s21+$0x0], $0xffff;
	[tilespmem:v35+s1+$0x0] =	vst.idx.msk $0xffff, v43  }
0x1fc: {  	v44 =	vadd.s32 v3, v28;
	v35 =	vadd.s32 v1, v29;
	v43 =	vmul.f32 $8.000000000e+00, v50;
	v53 =	vld [tilespmem:s23+$0xFFFFFFF0];
	[tilespmem:v46+s1+$0x0] =	vst.idx.msk $0xffff, v34  }
0x1fd: {  	v45 =	vmul.f32 $8.000000000e+00, v47;
	v34 =	vld.idx.msk [tilespmem:v48+s21+$0x0], $0xffff;
	[tilespmem:v38+s1+$0x0] =	vst.idx.msk $0xffff, v40  }
0x1fe: {  	v40 =	vmul.f32 $8.000000000e+00, v51;
	v38 =	vadd.s32 v1, v30;
	[tilespmem:v52+s1+$0x0] =	vst.idx.msk $0xffff, v43;
	v43 =	vadd.s32 $0x60, v19;
	v36 =	vld.idx.msk [tilespmem:v36+s21+$0x0], $0xffff  }
0x1ff: {  	v46 =	vadd.s32 v5, v30;
	v47 =	vld.idx.msk [tilespmem:v39+s21+$0x0], $0xffff;
	[tilespmem:v49+s1+$0x0] =	vst.idx.msk $0xffff, v45;
	v45 =	vadd.s32 v8, v20  }
0x200: {  	v48 =	vadd.s32 $0x60, v17;
	[tilespmem:v41+s1+$0x0] =	vst.idx.msk $0xffff, v40;
	v40 =	vadd.s32 $0x40, v21;
	v41 =	vld.idx.msk [tilespmem:v31+s21+$0x0], $0xffff;
	v31 =	vmovc v32;
	v32 =	vmov v46  }
0x201: {  	v49 =	vadd.s32 v8, v22;
	v20 =	vmovc v23;
	v46 =	vadd.s32 v6, v23;
	v37 =	vmul.f32 $8.000000000e+00, v37;
	v35 =	vld.idx.msk [tilespmem:v35+s21+$0x0], $0xffff  }
0x202: {  	v54 =	vadd.s32 $0x40, v18;
	v50 =	vadd.s32 $0x20, v27;
	v51 =	vadd.s32 v4, v25;
	v23 =	vmovc v25;
	v25 =	vmovc v29;
	v52 =	vld.idx.msk [tilespmem:v44+s21+$0x0], $0xffff  }
0x203: {  	v55 =	vadd.s32 v6, v24;
	v39 =	vmov v42;
	v34 =	vmul.f32 $8.000000000e+00, v34;
	v38 =	vld.idx.msk [tilespmem:v38+s21+$0x0], $0xffff;
	[tilespmem:v43+s1+$0x0] =	vst.idx.msk $0xffff, v37  }
0x204: {  	s17 =	sadd.s32 $0x20, s17;
	v22 =	vmovc v24;
	v24 =	vmovc v28;
	v28 =	vmov v30;
	v43 =	vadd.s32 $0x20, v26;
	v36 =	vmul.f32 $8.000000000e+00, v36;
	v45 =	vld.idx.msk [tilespmem:v45+s21+$0x0], $0xffff  }
0x205: {  	v30 =	vadd.s32 v2, v25;
	v37 =	vmul.f32 $8.000000000e+00, v47;
	v47 =	vadd.s32 v4, v24;
	v29 =	vld [tilespmem:s17+$0xFFFFFFF0];
	[tilespmem:v40+s1+$0x0] =	vst.idx.msk $0xffff, v34  }
0x206: {  	v40 =	vmul.f32 $8.000000000e+00, v41;
	v34 =	vld.idx.msk [tilespmem:v46+s21+$0x0], $0xffff;
	[tilespmem:v48+s1+$0x0] =	vst.idx.msk $0xffff, v36  }
0x207: {  	v19 =	vadd.s32 $0x70, v19;
	v36 =	vmul.f32 $8.000000000e+00, v35;
	v48 =	vadd.s32 v2, v28;
	[tilespmem:v50+s1+$0x0] =	vst.idx.msk $0xffff, v37;
	v56 =	vld.idx.msk [tilespmem:v49+s21+$0x0], $0xffff  }
0x208: {  	v35 =	vadd.s32 $0x70, v17;
	v17 =	vmovc v18;
	v18 =	vmov v26;
	v46 =	vmul.f32 $8.000000000e+00, v52;
	v44 =	vld.idx.msk [tilespmem:v51+s21+$0x0], $0xffff;
	[tilespmem:v54+s1+$0x0] =	vst.idx.msk $0xffff, v40  }
.Ltmp3:
0x209: {  	v41 =	vadd.s32 $0x50, v21;
	v37 =	vadd.s32 v7, v20;
	[tilespmem:v53+s1+$0x0] =	vst.idx.msk $0xffff, v36;
	v36 =	vmul.f32 $8.000000000e+00, v38;
	v40 =	vld.idx.msk [tilespmem:v55+s21+$0x0], $0xffff;
	(pc) =	sbr.rel @p0 .LBB2_9-.Ltmp3, $4  }
0x20a: {  	v26 =	vmov v33;
	v42 =	vadd.s32 v3, v29;
	v50 =	vld.idx.msk [tilespmem:v30+s21+$0x0], $0xffff;
	[tilespmem:v43+s1+$0x0] =	vst.idx.msk $0xffff, v46;
	v30 =	vmul.f32 $8.000000000e+00, v45  }
0x20b: {  	v38 =	vadd.s32 $0x50, v17;
	v46 =	vadd.s32 $0x30, v27;
	[tilespmem:v33+s1+$0x0] =	vst.idx.msk $0xffff, v36;
	v47 =	vld.idx.msk [tilespmem:v47+s21+$0x0], $0xffff;
	v36 =	vadd.s32 v7, v22  }
0x20c: {  	v45 =	vmul.f32 $8.000000000e+00, v34;
	v51 =	vld.idx.msk [tilespmem:v48+s21+$0x0], $0xffff;
	v48 =	vadd.s32 v5, v23;
	[tilespmem:v19+s1+$0x0] =	vst.idx.msk $0xffff, v30;
	v19 =	vmov v21  }
0x20d: {  	s23 =	sadd.s32 $0x20, s23;
	v52 =	vadd.s32 $0x10, v53;
	v49 =	vadd.s32 $0x30, v18;
	v43 =	vmul.f32 $8.000000000e+00, v56;
	v21 =	vmovc v27;
	v27 =	vmovc v53;
	v30 =	vld [tilespmem:s17+$0x0]  }
0x20e: {  	_ =	sdelay $0x2  }
0x20f: {  	v53 =	vadd.s32 v1, v29  }
0x210: {  	v54 =	vadd.s32 v1, v30;
	_ =	sdelay $0x1  }
0x211: {  	v33 =	vld [tilespmem:s23+$0x0]  }
0x212: {  	v34 =	vld [tilespmem:s23+$0xFFFFFFF0]  }
0x213: {  	v53 =	vld.idx.msk [tilespmem:v53+s21+$0x0], $0xffff  }
0x214: {  	v54 =	vld.idx.msk [tilespmem:v54+s21+$0x0], $0xffff;
	_ =	sdelay $0x1  }
0x215: {  	v55 =	vadd.s32 v2, v29  }
0x216: {  	v56 =	vadd.s32 v2, v30  }
0x217: {  	v53 =	vmul.f32 $8.000000000e+00, v53  }
0x218: {  	v54 =	vmul.f32 $8.000000000e+00, v54  }
0x219: {  	[tilespmem:v34+s1+$0x0] =	vst.idx.msk $0xffff, v53  }
0x21a: {  	v53 =	vld.idx.msk [tilespmem:v55+s21+$0x0], $0xffff;
	[tilespmem:v33+s1+$0x0] =	vst.idx.msk $0xffff, v54  }
0x21b: {  	v61 =	vadd.s32 $0x10, v26;
	v62 =	vld.idx.msk [tilespmem:v56+s21+$0x0], $0xffff  }
0x21c: {  	v63 =	vadd.s32 v3, v28;
	v57 =	vadd.s32 $0x10, v34  }
0x21d: {  	v50 =	vmul.f32 $8.000000000e+00, v50;
	v58 =	vadd.s32 $0x10, v33  }
0x21e: {  	v51 =	vmul.f32 $8.000000000e+00, v51;
	v59 =	vadd.s32 v3, v30  }
0x21f: {  	[tilespmem:v52+s1+$0x0] =	vst.idx.msk $0xffff, v50;
	v60 =	vmul.f32 $8.000000000e+00, v53  }
0x220: {  	v39 =	vld.idx.msk [tilespmem:v39+s21+$0x0], $0xffff;
	[tilespmem:v61+s1+$0x0] =	vst.idx.msk $0xffff, v51;
	v61 =	vmul.f32 $8.000000000e+00, v62  }
0x221: {  	v52 =	vld.idx.msk [tilespmem:v63+s21+$0x0], $0xffff;
	[tilespmem:v57+s1+$0x0] =	vst.idx.msk $0xffff, v60  }
0x222: {  	v42 =	vld.idx.msk [tilespmem:v42+s21+$0x0], $0xffff;
	v62 =	vadd.s32 $0x20, v27;
	[tilespmem:v58+s1+$0x0] =	vst.idx.msk $0xffff, v61  }
0x223: {  	v51 =	vadd.s32 v4, v25;
	v53 =	vadd.s32 $0x20, v26;
	v63 =	vld.idx.msk [tilespmem:v59+s21+$0x0], $0xffff  }
0x224: {  	v60 =	vadd.s32 v4, v28;
	v61 =	vadd.s32 $0x20, v34  }
0x225: {  	v39 =	vmul.f32 $8.000000000e+00, v39;
	v57 =	vadd.s32 v4, v29;
	v58 =	vadd.s32 $0x20, v33  }
0x226: {  	v52 =	vmul.f32 $8.000000000e+00, v52;
	v59 =	vadd.s32 v4, v30  }
0x227: {  	[tilespmem:v62+s1+$0x0] =	vst.idx.msk $0xffff, v39;
	v62 =	vmul.f32 $8.000000000e+00, v42  }
0x228: {  	[tilespmem:v53+s1+$0x0] =	vst.idx.msk $0xffff, v52;
	v42 =	vld.idx.msk [tilespmem:v51+s21+$0x0], $0xffff;
	v63 =	vmul.f32 $8.000000000e+00, v63  }
0x229: {  	v60 =	vld.idx.msk [tilespmem:v60+s21+$0x0], $0xffff;
	[tilespmem:v61+s1+$0x0] =	vst.idx.msk $0xffff, v62  }
0x22a: {  	v61 =	vadd.s32 $0x30, v27;
	v62 =	vld.idx.msk [tilespmem:v57+s21+$0x0], $0xffff;
	[tilespmem:v58+s1+$0x0] =	vst.idx.msk $0xffff, v63  }
0x22b: {  	v44 =	vmul.f32 $8.000000000e+00, v44;
	v50 =	vadd.s32 v5, v25;
	v53 =	vadd.s32 $0x30, v26;
	v63 =	vld.idx.msk [tilespmem:v59+s21+$0x0], $0xffff  }
0x22c: {  	v47 =	vmul.f32 $8.000000000e+00, v47;
	v55 =	vadd.s32 $0x30, v34  }
0x22d: {  	[tilespmem:v46+s1+$0x0] =	vst.idx.msk $0xffff, v44;
	v56 =	vadd.s32 v5, v29;
	v57 =	vadd.s32 $0x30, v33;
	v42 =	vmul.f32 $8.000000000e+00, v42  }
0x22e: {  	[tilespmem:v49+s1+$0x0] =	vst.idx.msk $0xffff, v47;
	v60 =	vmul.f32 $8.000000000e+00, v60;
	v58 =	vld.idx.msk [tilespmem:v48+s21+$0x0], $0xffff;
	v59 =	vadd.s32 v5, v30  }
0x22f: {  	v31 =	vld.idx.msk [tilespmem:v31+s21+$0x0], $0xffff;
	[tilespmem:v61+s1+$0x0] =	vst.idx.msk $0xffff, v42;
	v61 =	vmul.f32 $8.000000000e+00, v62  }
0x230: {  	[tilespmem:v53+s1+$0x0] =	vst.idx.msk $0xffff, v60;
	v62 =	vadd.s32 $0x40, v21;
	v50 =	vld.idx.msk [tilespmem:v50+s21+$0x0], $0xffff;
	v63 =	vmul.f32 $8.000000000e+00, v63  }
0x231: {  	v52 =	vadd.s32 $0x40, v18;
	v51 =	vadd.s32 v6, v23;
	v32 =	vld.idx.msk [tilespmem:v32+s21+$0x0], $0xffff;
	[tilespmem:v55+s1+$0x0] =	vst.idx.msk $0xffff, v61  }
0x232: {  	v39 =	vadd.s32 v6, v24;
	v53 =	vadd.s32 $0x40, v27;
	v44 =	vld.idx.msk [tilespmem:v56+s21+$0x0], $0xffff;
	[tilespmem:v57+s1+$0x0] =	vst.idx.msk $0xffff, v63  }
0x233: {  	v56 =	vmul.f32 $8.000000000e+00, v58;
	v58 =	vadd.s32 $0x40, v26;
	v57 =	vadd.s32 v6, v25;
	v48 =	vld.idx.msk [tilespmem:v59+s21+$0x0], $0xffff  }
0x234: {  	[tilespmem:v41+s1+$0x0] =	vst.idx.msk $0xffff, v45;
	v31 =	vmul.f32 $8.000000000e+00, v31;
	v60 =	vadd.s32 $0x40, v34;
	v59 =	vadd.s32 v6, v28  }
0x235: {  	[tilespmem:v62+s1+$0x0] =	vst.idx.msk $0xffff, v56;
	v62 =	vadd.s32 v6, v29;
	v63 =	vadd.s32 $0x40, v33;
	v61 =	vmul.f32 $8.000000000e+00, v50  }
0x236: {  	[tilespmem:v52+s1+$0x0] =	vst.idx.msk $0xffff, v31;
	v52 =	vadd.s32 v6, v30;
	v31 =	vmul.f32 $8.000000000e+00, v32;
	v51 =	vld.idx.msk [tilespmem:v51+s21+$0x0], $0xffff  }
0x237: {  	v39 =	vld.idx.msk [tilespmem:v39+s21+$0x0], $0xffff;
	[tilespmem:v53+s1+$0x0] =	vst.idx.msk $0xffff, v61;
	v54 =	vmul.f32 $8.000000000e+00, v44  }
0x238: {  	v55 =	vadd.s32 $0x50, v21;
	[tilespmem:v58+s1+$0x0] =	vst.idx.msk $0xffff, v31;
	v47 =	vld.idx.msk [tilespmem:v57+s21+$0x0], $0xffff;
	v31 =	vmul.f32 $8.000000000e+00, v48  }
0x239: {  	v56 =	vadd.s32 v7, v23;
	v57 =	vadd.s32 $0x50, v18;
	[tilespmem:v60+s1+$0x0] =	vst.idx.msk $0xffff, v54;
	v41 =	vld.idx.msk [tilespmem:v59+s21+$0x0], $0xffff  }
0x23a: {  	v40 =	vmul.f32 $8.000000000e+00, v40;
	v42 =	vadd.s32 v7, v24;
	v58 =	vadd.s32 $0x50, v27;
	v46 =	vld.idx.msk [tilespmem:v62+s21+$0x0], $0xffff;
	[tilespmem:v63+s1+$0x0] =	vst.idx.msk $0xffff, v31  }
0x23b: {  	[tilespmem:v35+s1+$0x0] =	vst.idx.msk $0xffff, v43;
	v60 =	vadd.s32 $0x50, v26;
	v59 =	vadd.s32 v7, v25;
	v31 =	vmul.f32 $8.000000000e+00, v51;
	v32 =	vld.idx.msk [tilespmem:v52+s21+$0x0], $0xffff  }
0x23c: {  	v37 =	vld.idx.msk [tilespmem:v37+s21+$0x0], $0xffff;
	[tilespmem:v38+s1+$0x0] =	vst.idx.msk $0xffff, v40;
	v61 =	vmul.f32 $8.000000000e+00, v39;
	v62 =	vadd.s32 v7, v28;
	v63 =	vadd.s32 $0x50, v34  }
0x23d: {  	v36 =	vld.idx.msk [tilespmem:v36+s21+$0x0], $0xffff;
	v53 =	vadd.s32 $0x50, v33;
	v52 =	vadd.s32 v7, v29;
	[tilespmem:v55+s1+$0x0] =	vst.idx.msk $0xffff, v31;
	v31 =	vmul.f32 $8.000000000e+00, v47  }
0x23e: {  	v54 =	vadd.s32 $0x60, v19;
	[tilespmem:v57+s1+$0x0] =	vst.idx.msk $0xffff, v61;
	v48 =	vld.idx.msk [tilespmem:v56+s21+$0x0], $0xffff;
	v55 =	vmul.f32 $8.000000000e+00, v41;
	v56 =	vadd.s32 v7, v30  }
0x23f: {  	v20 =	vadd.s32 v8, v20;
	v57 =	vadd.s32 $0x60, v17;
	v42 =	vld.idx.msk [tilespmem:v42+s21+$0x0], $0xffff;
	[tilespmem:v58+s1+$0x0] =	vst.idx.msk $0xffff, v31;
	v31 =	vmul.f32 $8.000000000e+00, v46  }
0x240: {  	v22 =	vadd.s32 v8, v22;
	v58 =	vadd.s32 $0x60, v21;
	v35 =	vld.idx.msk [tilespmem:v59+s21+$0x0], $0xffff;
	[tilespmem:v60+s1+$0x0] =	vst.idx.msk $0xffff, v55;
	v32 =	vmul.f32 $8.000000000e+00, v32  }
0x241: {  	v37 =	vmul.f32 $8.000000000e+00, v37;
	v23 =	vadd.s32 v8, v23;
	v59 =	vadd.s32 $0x60, v18;
	v39 =	vld.idx.msk [tilespmem:v62+s21+$0x0], $0xffff;
	[tilespmem:v63+s1+$0x0] =	vst.idx.msk $0xffff, v31  }
0x242: {  	v24 =	vadd.s32 v8, v24;
	v60 =	vadd.s32 $0x60, v27;
	v31 =	vmul.f32 $8.000000000e+00, v36;
	v40 =	vld.idx.msk [tilespmem:v52+s21+$0x0], $0xffff;
	[tilespmem:v53+s1+$0x0] =	vst.idx.msk $0xffff, v32  }
0x243: {  	v25 =	vadd.s32 v8, v25;
	[tilespmem:v54+s1+$0x0] =	vst.idx.msk $0xffff, v37;
	v62 =	vadd.s32 $0x60, v26;
	v61 =	vmul.f32 $8.000000000e+00, v48;
	v41 =	vld.idx.msk [tilespmem:v56+s21+$0x0], $0xffff  }
0x244: {  	v28 =	vadd.s32 v8, v28;
	v20 =	vld.idx.msk [tilespmem:v20+s21+$0x0], $0xffff;
	v63 =	vadd.s32 $0x60, v34;
	[tilespmem:v57+s1+$0x0] =	vst.idx.msk $0xffff, v31;
	v31 =	vmul.f32 $8.000000000e+00, v42  }
0x245: {  	v44 =	vadd.s32 $0x60, v33;
	v29 =	vadd.s32 v8, v29;
	v22 =	vld.idx.msk [tilespmem:v22+s21+$0x0], $0xffff;
	[tilespmem:v58+s1+$0x0] =	vst.idx.msk $0xffff, v61;
	v43 =	vmul.f32 $8.000000000e+00, v35  }
0x246: {  	v19 =	vadd.s32 $0x70, v19;
	v30 =	vadd.s32 v8, v30;
	[tilespmem:v59+s1+$0x0] =	vst.idx.msk $0xffff, v31;
	v23 =	vld.idx.msk [tilespmem:v23+s21+$0x0], $0xffff;
	v31 =	vmul.f32 $8.000000000e+00, v39  }
0x247: {  	v17 =	vadd.s32 $0x70, v17;
	v24 =	vld.idx.msk [tilespmem:v24+s21+$0x0], $0xffff;
	[tilespmem:v60+s1+$0x0] =	vst.idx.msk $0xffff, v43;
	v45 =	vmul.f32 $8.000000000e+00, v40  }
0x248: {  	v21 =	vadd.s32 $0x70, v21;
	v25 =	vld.idx.msk [tilespmem:v25+s21+$0x0], $0xffff;
	[tilespmem:v62+s1+$0x0] =	vst.idx.msk $0xffff, v31;
	v31 =	vmul.f32 $8.000000000e+00, v41  }
0x249: {  	v18 =	vadd.s32 $0x70, v18;
	v20 =	vmul.f32 $8.000000000e+00, v20;
	v28 =	vld.idx.msk [tilespmem:v28+s21+$0x0], $0xffff;
	[tilespmem:v63+s1+$0x0] =	vst.idx.msk $0xffff, v45  }
0x24a: {  	v27 =	vadd.s32 $0x70, v27;
	v22 =	vmul.f32 $8.000000000e+00, v22;
	v29 =	vld.idx.msk [tilespmem:v29+s21+$0x0], $0xffff;
	[tilespmem:v44+s1+$0x0] =	vst.idx.msk $0xffff, v31  }
0x24b: {  	[tilespmem:v19+s1+$0x0] =	vst.idx.msk $0xffff, v20;
	v20 =	vadd.s32 $0x70, v26;
	v19 =	vmul.f32 $8.000000000e+00, v23;
	v23 =	vld.idx.msk [tilespmem:v30+s21+$0x0], $0xffff  }
0x24c: {  	[tilespmem:v17+s1+$0x0] =	vst.idx.msk $0xffff, v22;
	v17 =	vmul.f32 $8.000000000e+00, v24;
	v22 =	vadd.s32 $0x70, v34  }
0x24d: {  	[tilespmem:v21+s1+$0x0] =	vst.idx.msk $0xffff, v19;
	v19 =	vmul.f32 $8.000000000e+00, v25;
	v21 =	vadd.s32 $0x70, v33  }
0x24e: {  	[tilespmem:v18+s1+$0x0] =	vst.idx.msk $0xffff, v17;
	v17 =	vmul.f32 $8.000000000e+00, v28  }
0x24f: {  	[tilespmem:v27+s1+$0x0] =	vst.idx.msk $0xffff, v19;
	v18 =	vmul.f32 $8.000000000e+00, v29  }
0x250: {  	[tilespmem:v20+s1+$0x0] =	vst.idx.msk $0xffff, v17;
	v17 =	vmul.f32 $8.000000000e+00, v23  }
0x251: {  	[tilespmem:v22+s1+$0x0] =	vst.idx.msk $0xffff, v18  }
0x252: {  	[tilespmem:v21+s1+$0x0] =	vst.idx.msk $0xffff, v17  }
0x253: {  	v32 =	vld [tilespmem:s6+$0xFFFFFFF0]  }
0x254: {  	v29 =	vld [tilespmem:s6+$0x0];
	_ =	sdelay $0x3  }
0x255: {  	v17 =	vadd.s32 v9, v32  }
0x256: {  	v18 =	vadd.s32 v9, v29  }
0x257: {  	v31 =	vld [tilespmem:s14+$0xFFFFFFF0]  }
0x258: {  	v30 =	vld [tilespmem:s14+$0x0];
	_ =	sdelay $0x1  }
0x259: {  	v17 =	vld.idx.msk [tilespmem:v17+s21+$0x0], $0xffff  }
0x25a: {  	v18 =	vld.idx.msk [tilespmem:v18+s21+$0x0], $0xffff  }
0x25b: {  	v19 =	vadd.s32 $0x400, v31  }
0x25c: {  	v21 =	vadd.s32 v10, v32;
	v22 =	vadd.s32 $0x400, v30  }
0x25d: {  	v23 =	vadd.s32 v10, v29  }
0x25e: {  	v17 =	vmul.f32 $8.000000000e+00, v17  }
0x25f: {  	v18 =	vmul.f32 $8.000000000e+00, v18  }
0x260: {  	v20 =	vld [tilespmem:s30+$0xFFFFFFF0];
	[tilespmem:v19+s1+$0x0] =	vst.idx.msk $0xffff, v17  }
0x261: {  	[tilespmem:v22+s1+$0x0] =	vst.idx.msk $0xffff, v18;
	v17 =	vld.idx.msk [tilespmem:v21+s21+$0x0], $0xffff  }
0x262: {  	v18 =	vld.idx.msk [tilespmem:v23+s21+$0x0], $0xffff  }
0x263: {  	v21 =	vld [tilespmem:s30+$0x0]  }
0x264: {  	v19 =	vadd.s32 $0x410, v31  }
0x265: {  	v22 =	vadd.s32 v11, v32;
	v23 =	vadd.s32 $0x410, v30  }
0x266: {  	v24 =	vadd.s32 v11, v29  }
0x267: {  	v25 =	vadd.s32 v9, v20;
	v26 =	vmul.f32 $8.000000000e+00, v17  }
0x268: {  	v17 =	vld [tilespmem:s16+$0x0];
	v27 =	vadd.s32 v9, v21;
	v28 =	vmul.f32 $8.000000000e+00, v18  }
0x269: {  	v18 =	vld [tilespmem:s16+$0xFFFFFFF0];
	[tilespmem:v19+s1+$0x0] =	vst.idx.msk $0xffff, v26  }
0x26a: {  	[tilespmem:v23+s1+$0x0] =	vst.idx.msk $0xffff, v28;
	v19 =	vld.idx.msk [tilespmem:v22+s21+$0x0], $0xffff  }
0x26b: {  	v22 =	vld.idx.msk [tilespmem:v24+s21+$0x0], $0xffff  }
0x26c: {  	v24 =	vld.idx.msk [tilespmem:v25+s21+$0x0], $0xffff;
	v25 =	vadd.s32 $0x420, v31  }
0x26d: {  	v28 =	vadd.s32 $0x420, v30;
	v26 =	vld.idx.msk [tilespmem:v27+s21+$0x0], $0xffff;
	v27 =	vadd.s32 v12, v32  }
0x26e: {  	v47 =	vadd.s32 v12, v29;
	v46 =	vadd.s32 $0x400, v18  }
0x26f: {  	v48 =	vadd.s32 v10, v20;
	v49 =	vadd.s32 $0x400, v17;
	v19 =	vmul.f32 $8.000000000e+00, v19  }
0x270: {  	v50 =	vadd.s32 v10, v21;
	v22 =	vmul.f32 $8.000000000e+00, v22  }
0x271: {  	v23 =	vld [tilespmem:s29+$0xFFFFFFF0];
	v24 =	vmul.f32 $8.000000000e+00, v24;
	[tilespmem:v25+s1+$0x0] =	vst.idx.msk $0xffff, v19  }
0x272: {  	v19 =	vmul.f32 $8.000000000e+00, v26;
	[tilespmem:v28+s1+$0x0] =	vst.idx.msk $0xffff, v22;
	v25 =	vld.idx.msk [tilespmem:v27+s21+$0x0], $0xffff  }
0x273: {  	[tilespmem:v46+s1+$0x0] =	vst.idx.msk $0xffff, v24;
	v22 =	vld.idx.msk [tilespmem:v47+s21+$0x0], $0xffff  }
0x274: {  	v28 =	vadd.s32 $0x430, v31;
	v26 =	vld.idx.msk [tilespmem:v48+s21+$0x0], $0xffff;
	[tilespmem:v49+s1+$0x0] =	vst.idx.msk $0xffff, v19  }
0x275: {  	v51 =	vadd.s32 v13, v32;
	v52 =	vadd.s32 $0x430, v30;
	v27 =	vld.idx.msk [tilespmem:v50+s21+$0x0], $0xffff  }
0x276: {  	v53 =	vadd.s32 v13, v29;
	v54 =	vadd.s32 $0x410, v18;
	v24 =	vld [tilespmem:s29+$0x0]  }
0x277: {  	v55 =	vadd.s32 v11, v20;
	v56 =	vadd.s32 $0x410, v17;
	v25 =	vmul.f32 $8.000000000e+00, v25  }
0x278: {  	v59 =	vadd.s32 v9, v23;
	v19 =	vld [tilespmem:s0+$0x0];
	v58 =	vmul.f32 $8.000000000e+00, v22  }
0x279: {  	v57 =	vadd.s32 v11, v21;
	v22 =	vld [tilespmem:s0+$0xFFFFFFF0];
	v26 =	vmul.f32 $8.000000000e+00, v26;
	[tilespmem:v28+s1+$0x0] =	vst.idx.msk $0xffff, v25  }
0x27a: {  	v27 =	vmul.f32 $8.000000000e+00, v27;
	[tilespmem:v52+s1+$0x0] =	vst.idx.msk $0xffff, v58;
	v28 =	vld.idx.msk [tilespmem:v51+s21+$0x0], $0xffff  }
0x27b: {  	v25 =	vadd.s32 v9, v24;
	[tilespmem:v54+s1+$0x0] =	vst.idx.msk $0xffff, v26;
	v26 =	vld.idx.msk [tilespmem:v53+s21+$0x0], $0xffff  }
0x27c: {  	v60 =	vld.idx.msk [tilespmem:v55+s21+$0x0], $0xffff;
	[tilespmem:v56+s1+$0x0] =	vst.idx.msk $0xffff, v27;
	v27 =	vadd.s32 $0x440, v31  }
0x27d: {  	v62 =	vadd.s32 v14, v32;
	v63 =	vadd.s32 $0x440, v30;
	v48 =	vld.idx.msk [tilespmem:v59+s21+$0x0], $0xffff  }
0x27e: {  	v49 =	vadd.s32 $0x420, v18;
	v50 =	vadd.s32 v14, v29;
	v61 =	vld.idx.msk [tilespmem:v57+s21+$0x0], $0xffff  }
0x27f: {  	v51 =	vadd.s32 v12, v20;
	v53 =	vadd.s32 $0x400, v22;
	v28 =	vmul.f32 $8.000000000e+00, v28  }
0x280: {  	v52 =	vadd.s32 $0x420, v17;
	v56 =	vadd.s32 v10, v23;
	v25 =	vld.idx.msk [tilespmem:v25+s21+$0x0], $0xffff;
	v55 =	vmul.f32 $8.000000000e+00, v26  }
0x281: {  	v54 =	vadd.s32 v12, v21;
	v26 =	vld [tilespmem:s28+$0xFFFFFFF0];
	v33 =	vmul.f32 $8.000000000e+00, v60;
	[tilespmem:v27+s1+$0x0] =	vst.idx.msk $0xffff, v28  }
0x282: {  	v59 =	vmul.f32 $8.000000000e+00, v48;
	v57 =	vadd.s32 $0x400, v19;
	[tilespmem:v63+s1+$0x0] =	vst.idx.msk $0xffff, v55;
	v58 =	vld.idx.msk [tilespmem:v62+s21+$0x0], $0xffff  }
0x283: {  	v27 =	vadd.s32 v10, v24;
	v28 =	vmul.f32 $8.000000000e+00, v61;
	[tilespmem:v49+s1+$0x0] =	vst.idx.msk $0xffff, v33;
	v60 =	vld.idx.msk [tilespmem:v50+s21+$0x0], $0xffff  }
0x284: {  	[tilespmem:v53+s1+$0x0] =	vst.idx.msk $0xffff, v59;
	v61 =	vld.idx.msk [tilespmem:v51+s21+$0x0], $0xffff  }
0x285: {  	v62 =	vadd.s32 $0x450, v31;
	v38 =	vld.idx.msk [tilespmem:v56+s21+$0x0], $0xffff;
	v25 =	vmul.f32 $8.000000000e+00, v25;
	[tilespmem:v52+s1+$0x0] =	vst.idx.msk $0xffff, v28  }
0x286: {  	v63 =	vadd.s32 v15, v32;
	v52 =	vadd.s32 $0x450, v30;
	v35 =	vld.idx.msk [tilespmem:v54+s21+$0x0], $0xffff  }
0x287: {  	v53 =	vadd.s32 $0x430, v18;
	v28 =	vld [tilespmem:s28+$0x0];
	v54 =	vadd.s32 v15, v29;
	[tilespmem:v57+s1+$0x0] =	vst.idx.msk $0xffff, v25  }
0x288: {  	v55 =	vadd.s32 v13, v20;
	v56 =	vadd.s32 $0x430, v17;
	v41 =	vld.idx.msk [tilespmem:v27+s21+$0x0], $0xffff;
	v34 =	vmul.f32 $8.000000000e+00, v58  }
0x289: {  	v57 =	vadd.s32 v13, v21;
	v25 =	vld [tilespmem:s15+$0x0];
	v58 =	vadd.s32 $0x410, v22;
	v33 =	vmul.f32 $8.000000000e+00, v60  }
0x28a: {  	v59 =	vadd.s32 v11, v23;
	v27 =	vld [tilespmem:s15+$0xFFFFFFF0];
	v60 =	vadd.s32 $0x410, v19;
	v36 =	vmul.f32 $8.000000000e+00, v61;
	[tilespmem:v62+s1+$0x0] =	vst.idx.msk $0xffff, v34  }
0x28b: {  	v61 =	vadd.s32 v11, v24;
	v35 =	vmul.f32 $8.000000000e+00, v35;
	[tilespmem:v52+s1+$0x0] =	vst.idx.msk $0xffff, v33;
	v37 =	vld.idx.msk [tilespmem:v63+s21+$0x0], $0xffff  }
0x28c: {  	v38 =	vmul.f32 $8.000000000e+00, v38;
	v62 =	vadd.s32 v9, v26;
	[tilespmem:v53+s1+$0x0] =	vst.idx.msk $0xffff, v36;
	v63 =	vld.idx.msk [tilespmem:v54+s21+$0x0], $0xffff  }
0x28d: {  	v52 =	vadd.s32 v9, v28;
	v54 =	vld.idx.msk [tilespmem:v55+s21+$0x0], $0xffff;
	v53 =	vmul.f32 $8.000000000e+00, v41;
	[tilespmem:v56+s1+$0x0] =	vst.idx.msk $0xffff, v35  }
0x28e: {  	v55 =	vadd.s32 $0x460, v31;
	[tilespmem:v58+s1+$0x0] =	vst.idx.msk $0xffff, v38;
	v35 =	vld.idx.msk [tilespmem:v57+s21+$0x0], $0xffff  }
0x28f: {  	v32 =	vadd.s32 v16, v32;
	v59 =	vld.idx.msk [tilespmem:v59+s21+$0x0], $0xffff;
	[tilespmem:v60+s1+$0x0] =	vst.idx.msk $0xffff, v53;
	v60 =	vadd.s32 $0x460, v30  }
0x290: {  	v56 =	vadd.s32 v16, v29;
	v34 =	vld.idx.msk [tilespmem:v61+s21+$0x0], $0xffff;
	v61 =	vadd.s32 $0x440, v18  }
0x291: {  	v45 =	vadd.s32 v14, v20;
	v57 =	vadd.s32 $0x440, v17;
	v33 =	vld.idx.msk [tilespmem:v62+s21+$0x0], $0xffff;
	v37 =	vmul.f32 $8.000000000e+00, v37  }
0x292: {  	s0 =	simm.s32 $0x16490;
	v58 =	vadd.s32 $0x420, v22;
	v39 =	vld.idx.msk [tilespmem:v52+s21+$0x0], $0xffff;
	v62 =	vadd.s32 v14, v21;
	v36 =	vmul.f32 $8.000000000e+00, v63  }
0x293: {  	v50 =	vadd.s32 $0x420, v19;
	v29 =	vld [tilespmem:s0+$0xFFFFFFF0];
	v41 =	vmul.f32 $8.000000000e+00, v54;
	[tilespmem:v55+s1+$0x0] =	vst.idx.msk $0xffff, v37  }
0x294: {  	v49 =	vadd.s32 v12, v23;
	v63 =	vadd.s32 $0x400, v25;
	v35 =	vmul.f32 $8.000000000e+00, v35;
	v51 =	vld.idx.msk [tilespmem:v32+s21+$0x0], $0xffff;
	[tilespmem:v60+s1+$0x0] =	vst.idx.msk $0xffff, v36  }
0x295: {  	v38 =	vadd.s32 v12, v24;
	v37 =	vadd.s32 $0x400, v27;
	v59 =	vmul.f32 $8.000000000e+00, v59;
	[tilespmem:v61+s1+$0x0] =	vst.idx.msk $0xffff, v41;
	v60 =	vld.idx.msk [tilespmem:v56+s21+$0x0], $0xffff  }
0x296: {  	v52 =	vadd.s32 v10, v26;
	v34 =	vmul.f32 $8.000000000e+00, v34;
	[tilespmem:v57+s1+$0x0] =	vst.idx.msk $0xffff, v35;
	v55 =	vld.idx.msk [tilespmem:v45+s21+$0x0], $0xffff  }
0x297: {  	v61 =	vadd.s32 v10, v28;
	v39 =	vmul.f32 $8.000000000e+00, v39;
	[tilespmem:v58+s1+$0x0] =	vst.idx.msk $0xffff, v59;
	v35 =	vld.idx.msk [tilespmem:v62+s21+$0x0], $0xffff;
	v62 =	vadd.s32 $0x470, v31  }
0x298: {  	v47 =	vadd.s32 v13, v23;
	v33 =	vmul.f32 $8.000000000e+00, v33;
	v41 =	vadd.s32 $0x470, v30;
	v30 =	vld [tilespmem:s0+$0x0];
	[tilespmem:v50+s1+$0x0] =	vst.idx.msk $0xffff, v34  }
0x299: {  	v48 =	vadd.s32 $0x430, v19;
	v46 =	vadd.s32 $0x430, v22;
	v36 =	vadd.s32 $0x450, v18;
	v43 =	vld.idx.msk [tilespmem:v49+s21+$0x0], $0xffff;
	[tilespmem:v63+s1+$0x0] =	vst.idx.msk $0xffff, v39  }
0x29a: {  	[tilespmem:v37+s1+$0x0] =	vst.idx.msk $0xffff, v33;
	v44 =	vld.idx.msk [tilespmem:v38+s21+$0x0], $0xffff;
	v37 =	vadd.s32 v15, v20;
	v38 =	vadd.s32 $0x450, v17;
	v63 =	vmul.f32 $8.000000000e+00, v51  }
0x29b: {  	v32 =	vadd.s32 v13, v24;
	v39 =	vadd.s32 v15, v21;
	v49 =	vld.idx.msk [tilespmem:v52+s21+$0x0], $0xffff;
	v45 =	vmul.f32 $8.000000000e+00, v60  }
0x29c: {  	s14 =	simm.s32 $0x8;
	s6 =	simm.s32 $0x16890;
	v40 =	vadd.s32 $0x410, v27;
	v31 =	vadd.s32 v13, v28;
	v50 =	vld.idx.msk [tilespmem:v61+s21+$0x0], $0xffff;
	v42 =	vmul.f32 $8.000000000e+00, v55;
	[tilespmem:v62+s1+$0x0] =	vst.idx.msk $0xffff, v63  }
.LBB2_11:
0x29d: {  	s14 =	sadd.s32 $0x2, s14;
	v33 =	vld [tilespmem:s6+$0x0];
	v34 =	vmul.f32 $8.000000000e+00, v35;
	[tilespmem:v41+s1+$0x0] =	vst.idx.msk $0xffff, v45  }
0x29e: {  	v35 =	vadd.s32 v11, v26;
	v41 =	vadd.s32 $0x410, v25;
	v43 =	vmul.f32 $8.000000000e+00, v43;
	p0 =	slt.u32 s14, $0x3E;
	v45 =	vld [tilespmem:s6+$0xFFFFFFF0];
	[tilespmem:v36+s1+$0x0] =	vst.idx.msk $0xffff, v42  }
0x29f: {  	v36 =	vadd.s32 v11, v28;
	v42 =	vmul.f32 $8.000000000e+00, v44;
	v37 =	vld.idx.msk [tilespmem:v37+s21+$0x0], $0xffff;
	[tilespmem:v38+s1+$0x0] =	vst.idx.msk $0xffff, v34  }
0x2a0: {  	v34 =	vadd.s32 v9, v29;
	v38 =	vmul.f32 $8.000000000e+00, v49;
	[tilespmem:v46+s1+$0x0] =	vst.idx.msk $0xffff, v43;
	v39 =	vld.idx.msk [tilespmem:v39+s21+$0x0], $0xffff  }
0x2a1: {  	v44 =	vmul.f32 $8.000000000e+00, v50;
	v43 =	vadd.s32 v9, v30;
	v46 =	vld.idx.msk [tilespmem:v47+s21+$0x0], $0xffff;
	[tilespmem:v48+s1+$0x0] =	vst.idx.msk $0xffff, v42  }
0x2a2: {  	v42 =	vadd.s32 $0x460, v18;
	[tilespmem:v40+s1+$0x0] =	vst.idx.msk $0xffff, v38;
	v38 =	vld.idx.msk [tilespmem:v32+s21+$0x0], $0xffff;
	v32 =	vmov v31;
	v31 =	vadd.s32 v13, v30  }
0x2a3: {  	v40 =	vadd.s32 $0x410, v45;
	v35 =	vld.idx.msk [tilespmem:v35+s21+$0x0], $0xffff;
	[tilespmem:v41+s1+$0x0] =	vst.idx.msk $0xffff, v44;
	v41 =	vadd.s32 v16, v20;
	v44 =	vadd.s32 $0x460, v17  }
0x2a4: {  	v47 =	vadd.s32 $0x440, v22;
	v48 =	vadd.s32 v16, v21;
	v20 =	vmovc v23;
	v23 =	vmovc v26;
	v26 =	vmov v29;
	v36 =	vld.idx.msk [tilespmem:v36+s21+$0x0], $0xffff  }
0x2a5: {  	v50 =	vadd.s32 $0x440, v19;
	v21 =	vmovc v24;
	v24 =	vmovc v28;
	v49 =	vadd.s32 v14, v20;
	v37 =	vmul.f32 $8.000000000e+00, v37;
	v34 =	vld.idx.msk [tilespmem:v34+s21+$0x0], $0xffff  }
0x2a6: {  	s0 =	sadd.s32 $0x20, s0;
	v51 =	vadd.s32 $0x420, v27;
	v28 =	vmovc v30;
	v52 =	vadd.s32 v14, v21;
	v39 =	vmul.f32 $8.000000000e+00, v39;
	v43 =	vld.idx.msk [tilespmem:v43+s21+$0x0], $0xffff  }
0x2a7: {  	v53 =	vadd.s32 $0x420, v25;
	v30 =	vadd.s32 v12, v23;
	v46 =	vmul.f32 $8.000000000e+00, v46;
	v29 =	vld [tilespmem:s0+$0xFFFFFFF0];
	[tilespmem:v42+s1+$0x0] =	vst.idx.msk $0xffff, v37  }
0x2a8: {  	v37 =	vadd.s32 $0x400, v45;
	v42 =	vadd.s32 v12, v24;
	v38 =	vmul.f32 $8.000000000e+00, v38;
	v54 =	vld.idx.msk [tilespmem:v41+s21+$0x0], $0xffff;
	[tilespmem:v44+s1+$0x0] =	vst.idx.msk $0xffff, v39  }
0x2a9: {  	v55 =	vadd.s32 $0x400, v33;
	v39 =	vadd.s32 v10, v26;
	v35 =	vmul.f32 $8.000000000e+00, v35;
	[tilespmem:v47+s1+$0x0] =	vst.idx.msk $0xffff, v46;
	v47 =	vld.idx.msk [tilespmem:v48+s21+$0x0], $0xffff  }
0x2aa: {  	v46 =	vadd.s32 v10, v28;
	v36 =	vmul.f32 $8.000000000e+00, v36;
	v56 =	vld.idx.msk [tilespmem:v49+s21+$0x0], $0xffff;
	[tilespmem:v50+s1+$0x0] =	vst.idx.msk $0xffff, v38  }
0x2ab: {  	v34 =	vmul.f32 $8.000000000e+00, v34;
	[tilespmem:v51+s1+$0x0] =	vst.idx.msk $0xffff, v35;
	v35 =	vld.idx.msk [tilespmem:v52+s21+$0x0], $0xffff;
	v51 =	vadd.s32 $0x470, v18;
	v18 =	vmovc v22;
	v22 =	vmov v27  }
.Ltmp4:
0x2ac: {  	v41 =	vadd.s32 $0x470, v17;
	v17 =	vmovc v19;
	v19 =	vmov v25;
	v38 =	vmul.f32 $8.000000000e+00, v43;
	v43 =	vld.idx.msk [tilespmem:v30+s21+$0x0], $0xffff;
	[tilespmem:v53+s1+$0x0] =	vst.idx.msk $0xffff, v36;
	(pc) =	sbr.rel @p0 .LBB2_11-.Ltmp4, $4  }
0x2ad: {  	v25 =	vmov v33;
	v27 =	vmov v45;
	v36 =	vadd.s32 $0x450, v18;
	[tilespmem:v37+s1+$0x0] =	vst.idx.msk $0xffff, v34;
	v44 =	vld.idx.msk [tilespmem:v42+s21+$0x0], $0xffff  }
0x2ae: {  	v37 =	vadd.s32 v15, v20;
	v33 =	vmul.f32 $8.000000000e+00, v54;
	v49 =	vld.idx.msk [tilespmem:v39+s21+$0x0], $0xffff;
	[tilespmem:v55+s1+$0x0] =	vst.idx.msk $0xffff, v38;
	v38 =	vadd.s32 $0x450, v17  }
0x2af: {  	v39 =	vadd.s32 v15, v21;
	v45 =	vmul.f32 $8.000000000e+00, v47;
	v50 =	vld.idx.msk [tilespmem:v46+s21+$0x0], $0xffff;
	v46 =	vadd.s32 $0x430, v22  }
0x2b0: {  	s6 =	sadd.s32 $0x20, s6;
	v48 =	vadd.s32 $0x430, v19;
	v47 =	vadd.s32 v13, v23;
	v42 =	vmul.f32 $8.000000000e+00, v56;
	v30 =	vld [tilespmem:s0+$0x0];
	[tilespmem:v51+s1+$0x0] =	vst.idx.msk $0xffff, v33  }
0x2b1: {  	_ =	sdelay $0x2  }
0x2b2: {  	v51 =	vadd.s32 v9, v29  }
0x2b3: {  	v52 =	vadd.s32 v9, v30  }
0x2b4: {  	v34 =	vld [tilespmem:s6+$0xFFFFFFF0]  }
0x2b5: {  	v33 =	vld [tilespmem:s6+$0x0];
	_ =	sdelay $0x1  }
0x2b6: {  	v51 =	vld.idx.msk [tilespmem:v51+s21+$0x0], $0xffff  }
0x2b7: {  	v52 =	vld.idx.msk [tilespmem:v52+s21+$0x0], $0xffff  }
0x2b8: {  	v53 =	vadd.s32 $0x400, v34  }
0x2b9: {  	v54 =	vadd.s32 v10, v29;
	v55 =	vadd.s32 $0x400, v33  }
0x2ba: {  	v56 =	vadd.s32 v10, v30  }
0x2bb: {  	v51 =	vmul.f32 $8.000000000e+00, v51  }
0x2bc: {  	v52 =	vmul.f32 $8.000000000e+00, v52  }
0x2bd: {  	[tilespmem:v53+s1+$0x0] =	vst.idx.msk $0xffff, v51  }
0x2be: {  	v51 =	vld.idx.msk [tilespmem:v54+s21+$0x0], $0xffff;
	[tilespmem:v55+s1+$0x0] =	vst.idx.msk $0xffff, v52  }
0x2bf: {  	v53 =	vadd.s32 $0x410, v25;
	v52 =	vadd.s32 v11, v26;
	v61 =	vld.idx.msk [tilespmem:v56+s21+$0x0], $0xffff  }
0x2c0: {  	v62 =	vadd.s32 v11, v28;
	v63 =	vadd.s32 $0x410, v34  }
0x2c1: {  	v57 =	vadd.s32 v11, v29;
	v49 =	vmul.f32 $8.000000000e+00, v49;
	v58 =	vadd.s32 $0x410, v33  }
0x2c2: {  	v50 =	vmul.f32 $8.000000000e+00, v50;
	v59 =	vadd.s32 v11, v30  }
0x2c3: {  	[tilespmem:v40+s1+$0x0] =	vst.idx.msk $0xffff, v49;
	v60 =	vmul.f32 $8.000000000e+00, v51  }
0x2c4: {  	[tilespmem:v53+s1+$0x0] =	vst.idx.msk $0xffff, v50;
	v49 =	vld.idx.msk [tilespmem:v52+s21+$0x0], $0xffff;
	v61 =	vmul.f32 $8.000000000e+00, v61  }
0x2c5: {  	v51 =	vld.idx.msk [tilespmem:v62+s21+$0x0], $0xffff;
	[tilespmem:v63+s1+$0x0] =	vst.idx.msk $0xffff, v60  }
0x2c6: {  	v40 =	vadd.s32 $0x420, v27;
	v62 =	vld.idx.msk [tilespmem:v57+s21+$0x0], $0xffff;
	[tilespmem:v58+s1+$0x0] =	vst.idx.msk $0xffff, v61  }
0x2c7: {  	v50 =	vadd.s32 v12, v26;
	v53 =	vadd.s32 $0x420, v25;
	v63 =	vld.idx.msk [tilespmem:v59+s21+$0x0], $0xffff  }
0x2c8: {  	v55 =	vadd.s32 v12, v28;
	v56 =	vadd.s32 $0x420, v34  }
0x2c9: {  	v60 =	vadd.s32 v12, v29;
	v61 =	vadd.s32 $0x420, v33;
	v49 =	vmul.f32 $8.000000000e+00, v49  }
0x2ca: {  	v51 =	vmul.f32 $8.000000000e+00, v51;
	v59 =	vadd.s32 v12, v30  }
0x2cb: {  	v62 =	vmul.f32 $8.000000000e+00, v62;
	[tilespmem:v40+s1+$0x0] =	vst.idx.msk $0xffff, v49  }
0x2cc: {  	[tilespmem:v53+s1+$0x0] =	vst.idx.msk $0xffff, v51;
	v49 =	vld.idx.msk [tilespmem:v50+s21+$0x0], $0xffff;
	v63 =	vmul.f32 $8.000000000e+00, v63  }
0x2cd: {  	v51 =	vld.idx.msk [tilespmem:v55+s21+$0x0], $0xffff;
	[tilespmem:v56+s1+$0x0] =	vst.idx.msk $0xffff, v62  }
0x2ce: {  	v40 =	vadd.s32 $0x430, v27;
	v52 =	vld.idx.msk [tilespmem:v60+s21+$0x0], $0xffff;
	[tilespmem:v61+s1+$0x0] =	vst.idx.msk $0xffff, v63  }
0x2cf: {  	v43 =	vmul.f32 $8.000000000e+00, v43;
	v60 =	vadd.s32 v13, v26;
	v61 =	vadd.s32 $0x430, v25;
	v62 =	vld.idx.msk [tilespmem:v59+s21+$0x0], $0xffff  }
0x2d0: {  	v44 =	vmul.f32 $8.000000000e+00, v44;
	v55 =	vadd.s32 $0x430, v34  }
0x2d1: {  	[tilespmem:v46+s1+$0x0] =	vst.idx.msk $0xffff, v43;
	v46 =	vadd.s32 v13, v29;
	v63 =	vmul.f32 $8.000000000e+00, v49;
	v49 =	vadd.s32 $0x430, v33  }
0x2d2: {  	[tilespmem:v48+s1+$0x0] =	vst.idx.msk $0xffff, v44;
	v44 =	vld.idx.msk [tilespmem:v47+s21+$0x0], $0xffff;
	v56 =	vadd.s32 v13, v30;
	v57 =	vmul.f32 $8.000000000e+00, v51  }
0x2d3: {  	v32 =	vld.idx.msk [tilespmem:v32+s21+$0x0], $0xffff;
	v58 =	vmul.f32 $8.000000000e+00, v52;
	[tilespmem:v40+s1+$0x0] =	vst.idx.msk $0xffff, v63  }
0x2d4: {  	v59 =	vadd.s32 $0x440, v22;
	v50 =	vld.idx.msk [tilespmem:v60+s21+$0x0], $0xffff;
	[tilespmem:v61+s1+$0x0] =	vst.idx.msk $0xffff, v57;
	v60 =	vmul.f32 $8.000000000e+00, v62  }
0x2d5: {  	[tilespmem:v55+s1+$0x0] =	vst.idx.msk $0xffff, v58;
	v61 =	vadd.s32 v14, v23;
	v62 =	vadd.s32 $0x440, v19;
	v31 =	vld.idx.msk [tilespmem:v31+s21+$0x0], $0xffff  }
0x2d6: {  	v40 =	vadd.s32 v14, v24;
	v63 =	vadd.s32 $0x440, v27;
	v46 =	vld.idx.msk [tilespmem:v46+s21+$0x0], $0xffff;
	[tilespmem:v49+s1+$0x0] =	vst.idx.msk $0xffff, v60  }
0x2d7: {  	v44 =	vmul.f32 $8.000000000e+00, v44;
	v54 =	vadd.s32 v14, v26;
	v55 =	vadd.s32 $0x440, v25;
	v47 =	vld.idx.msk [tilespmem:v56+s21+$0x0], $0xffff  }
0x2d8: {  	[tilespmem:v41+s1+$0x0] =	vst.idx.msk $0xffff, v45;
	v32 =	vmul.f32 $8.000000000e+00, v32;
	v57 =	vadd.s32 $0x440, v34;
	v56 =	vadd.s32 v14, v28  }
0x2d9: {  	[tilespmem:v59+s1+$0x0] =	vst.idx.msk $0xffff, v44;
	v59 =	vadd.s32 v14, v29;
	v60 =	vadd.s32 $0x440, v33;
	v58 =	vmul.f32 $8.000000000e+00, v50  }
0x2da: {  	v61 =	vld.idx.msk [tilespmem:v61+s21+$0x0], $0xffff;
	[tilespmem:v62+s1+$0x0] =	vst.idx.msk $0xffff, v32;
	v31 =	vmul.f32 $8.000000000e+00, v31;
	v62 =	vadd.s32 v14, v30  }
0x2db: {  	v40 =	vld.idx.msk [tilespmem:v40+s21+$0x0], $0xffff;
	[tilespmem:v63+s1+$0x0] =	vst.idx.msk $0xffff, v58;
	v63 =	vmul.f32 $8.000000000e+00, v46  }
0x2dc: {  	v52 =	vadd.s32 $0x450, v22;
	v48 =	vld.idx.msk [tilespmem:v54+s21+$0x0], $0xffff;
	[tilespmem:v55+s1+$0x0] =	vst.idx.msk $0xffff, v31;
	v53 =	vmul.f32 $8.000000000e+00, v47  }
0x2dd: {  	v54 =	vadd.s32 v15, v23;
	v55 =	vadd.s32 $0x450, v19;
	v41 =	vld.idx.msk [tilespmem:v56+s21+$0x0], $0xffff;
	[tilespmem:v57+s1+$0x0] =	vst.idx.msk $0xffff, v63  }
0x2de: {  	v35 =	vmul.f32 $8.000000000e+00, v35;
	v43 =	vadd.s32 v15, v24;
	v56 =	vadd.s32 $0x450, v27;
	v44 =	vld.idx.msk [tilespmem:v59+s21+$0x0], $0xffff;
	[tilespmem:v60+s1+$0x0] =	vst.idx.msk $0xffff, v53  }
0x2df: {  	[tilespmem:v36+s1+$0x0] =	vst.idx.msk $0xffff, v42;
	v58 =	vadd.s32 v15, v26;
	v57 =	vmul.f32 $8.000000000e+00, v61;
	v59 =	vadd.s32 $0x450, v25;
	v60 =	vld.idx.msk [tilespmem:v62+s21+$0x0], $0xffff  }
0x2e0: {  	v37 =	vld.idx.msk [tilespmem:v37+s21+$0x0], $0xffff;
	[tilespmem:v38+s1+$0x0] =	vst.idx.msk $0xffff, v35;
	v38 =	vadd.s32 v15, v28;
	v61 =	vmul.f32 $8.000000000e+00, v40;
	v62 =	vadd.s32 $0x450, v34  }
0x2e1: {  	v39 =	vld.idx.msk [tilespmem:v39+s21+$0x0], $0xffff;
	v46 =	vadd.s32 v15, v29;
	[tilespmem:v52+s1+$0x0] =	vst.idx.msk $0xffff, v57;
	v63 =	vmul.f32 $8.000000000e+00, v48;
	v48 =	vadd.s32 $0x450, v33  }
0x2e2: {  	v52 =	vadd.s32 $0x460, v18;
	v47 =	vld.idx.msk [tilespmem:v54+s21+$0x0], $0xffff;
	v54 =	vadd.s32 v15, v30;
	[tilespmem:v55+s1+$0x0] =	vst.idx.msk $0xffff, v61;
	v53 =	vmul.f32 $8.000000000e+00, v41  }
0x2e3: {  	v20 =	vadd.s32 v16, v20;
	v55 =	vadd.s32 $0x460, v17;
	v43 =	vld.idx.msk [tilespmem:v43+s21+$0x0], $0xffff;
	[tilespmem:v56+s1+$0x0] =	vst.idx.msk $0xffff, v63;
	v56 =	vmul.f32 $8.000000000e+00, v44  }
0x2e4: {  	v21 =	vadd.s32 v16, v21;
	v57 =	vadd.s32 $0x460, v22;
	v32 =	vld.idx.msk [tilespmem:v58+s21+$0x0], $0xffff;
	[tilespmem:v59+s1+$0x0] =	vst.idx.msk $0xffff, v53;
	v58 =	vmul.f32 $8.000000000e+00, v60  }
0x2e5: {  	v61 =	vadd.s32 $0x460, v19;
	v59 =	vmul.f32 $8.000000000e+00, v37;
	v60 =	vadd.s32 v16, v23;
	v38 =	vld.idx.msk [tilespmem:v38+s21+$0x0], $0xffff;
	[tilespmem:v62+s1+$0x0] =	vst.idx.msk $0xffff, v56  }
0x2e6: {  	v45 =	vadd.s32 $0x460, v27;
	v63 =	vadd.s32 v16, v24;
	v62 =	vmul.f32 $8.000000000e+00, v39;
	v40 =	vld.idx.msk [tilespmem:v46+s21+$0x0], $0xffff;
	[tilespmem:v48+s1+$0x0] =	vst.idx.msk $0xffff, v58  }
0x2e7: {  	[tilespmem:v52+s1+$0x0] =	vst.idx.msk $0xffff, v59;
	v46 =	vmul.f32 $8.000000000e+00, v47;
	v47 =	vadd.s32 v16, v26;
	v48 =	vadd.s32 $0x460, v25;
	v41 =	vld.idx.msk [tilespmem:v54+s21+$0x0], $0xffff  }
0x2e8: {  	v51 =	vadd.s32 $0x460, v34;
	v50 =	vadd.s32 v16, v28;
	v20 =	vld.idx.msk [tilespmem:v20+s21+$0x0], $0xffff;
	[tilespmem:v55+s1+$0x0] =	vst.idx.msk $0xffff, v62;
	v49 =	vmul.f32 $8.000000000e+00, v43  }
0x2e9: {  	v53 =	vadd.s32 $0x460, v33;
	v52 =	vadd.s32 v16, v29;
	v21 =	vld.idx.msk [tilespmem:v21+s21+$0x0], $0xffff;
	[tilespmem:v57+s1+$0x0] =	vst.idx.msk $0xffff, v46;
	v32 =	vmul.f32 $8.000000000e+00, v32  }
0x2ea: {  	v18 =	vadd.s32 $0x470, v18;
	v55 =	vadd.s32 v16, v30;
	v23 =	vld.idx.msk [tilespmem:v60+s21+$0x0], $0xffff;
	[tilespmem:v61+s1+$0x0] =	vst.idx.msk $0xffff, v49;
	v54 =	vmul.f32 $8.000000000e+00, v38  }
0x2eb: {  	v17 =	vadd.s32 $0x470, v17;
	v24 =	vld.idx.msk [tilespmem:v63+s21+$0x0], $0xffff;
	[tilespmem:v45+s1+$0x0] =	vst.idx.msk $0xffff, v32;
	v56 =	vmul.f32 $8.000000000e+00, v40  }
0x2ec: {  	v57 =	vadd.s32 $0x470, v22;
	v26 =	vld.idx.msk [tilespmem:v47+s21+$0x0], $0xffff;
	[tilespmem:v48+s1+$0x0] =	vst.idx.msk $0xffff, v54;
	v58 =	vmul.f32 $8.000000000e+00, v41  }
0x2ed: {  	v19 =	vadd.s32 $0x470, v19;
	v20 =	vmul.f32 $8.000000000e+00, v20;
	v28 =	vld.idx.msk [tilespmem:v50+s21+$0x0], $0xffff;
	[tilespmem:v51+s1+$0x0] =	vst.idx.msk $0xffff, v56  }
0x2ee: {  	v59 =	vadd.s32 $0x470, v27;
	v21 =	vmul.f32 $8.000000000e+00, v21;
	v29 =	vld.idx.msk [tilespmem:v52+s21+$0x0], $0xffff;
	[tilespmem:v53+s1+$0x0] =	vst.idx.msk $0xffff, v58  }
0x2ef: {  	v60 =	vadd.s32 $0x470, v25;
	[tilespmem:v18+s1+$0x0] =	vst.idx.msk $0xffff, v20;
	v18 =	vmul.f32 $8.000000000e+00, v23;
	v61 =	vld.idx.msk [tilespmem:v55+s21+$0x0], $0xffff  }
0x2f0: {  	v62 =	vadd.s32 $0x470, v34;
	[tilespmem:v17+s1+$0x0] =	vst.idx.msk $0xffff, v21;
	v17 =	vmul.f32 $8.000000000e+00, v24  }
0x2f1: {  	v63 =	vadd.s32 $0x470, v33;
	[tilespmem:v57+s1+$0x0] =	vst.idx.msk $0xffff, v18;
	v18 =	vmul.f32 $8.000000000e+00, v26  }
0x2f2: {  	[tilespmem:v19+s1+$0x0] =	vst.idx.msk $0xffff, v17;
	v17 =	vmul.f32 $8.000000000e+00, v28  }
0x2f3: {  	[tilespmem:v59+s1+$0x0] =	vst.idx.msk $0xffff, v18;
	v18 =	vmul.f32 $8.000000000e+00, v29  }
0x2f4: {  	[tilespmem:v60+s1+$0x0] =	vst.idx.msk $0xffff, v17;
	v17 =	vmul.f32 $8.000000000e+00, v61  }
0x2f5: {  	s0 =	sadd.s32 s26, s2;
	[tilespmem:v62+s1+$0x0] =	vst.idx.msk $0xffff, v18  }
0x2f6: {  	s23 =	sor.u32 $0x4100, s26;
	s28 =	simm.s32 $0x12C00;
	s0 =	sadd.s32 $0x100, s0;
	[tilespmem:v63+s1+$0x0] =	vst.idx.msk $0xffff, v17  }
0x2f7: {  	[hbm4b:s0+s3] =	stream.linear.scatter [tilespmem:s1], [sflag:$0x4], $0x800, $0x38;
	[tilespmem:$0x16C00] =	vst v63  }
0x2f8: {  	s29 =	sor.u32 $0x8100, s26;
	s30 =	simm.s32 $0x13400;
	s0 =	sadd.s32 s2, s23  }
0x2f9: {  	[hbm4b:s0+s3] =	stream.linear.scatter [tilespmem:s28], [sflag:$0x4], $0x800, $0x38;
	[tilespmem:$0x16C00] =	vst v63  }
0x2fa: {  	s6 =	sor.u32 $0xC100, s26;
	s14 =	simm.s32 $0x13C00;
	s0 =	sadd.s32 s2, s29  }
0x2fb: {  	[hbm4b:s0+s3] =	stream.linear.scatter [tilespmem:s30], [sflag:$0x4], $0x800, $0x38;
	[tilespmem:$0x16C00] =	vst v63  }
0x2fc: {  	s15 =	sor.u32 $0x10100, s26;
	s16 =	simm.s32 $0x14400;
	s0 =	sadd.s32 s2, s6  }
0x2fd: {  	[hbm4b:s0+s3] =	stream.linear.scatter [tilespmem:s14], [sflag:$0x4], $0x800, $0x38;
	[tilespmem:$0x16C00] =	vst v63  }
0x2fe: {  	s17 =	sor.u32 $0x14100, s26;
	s25 =	sadd.s32 $0x1, s25;
	s0 =	sadd.s32 s2, s15  }
0x2ff: {  	[hbm4b:s0+s3] =	stream.linear.scatter [tilespmem:s16], [sflag:$0x4], $0x800, $0x38;
	[tilespmem:$0x16C00] =	vst v63  }
0x300: {  	s18 =	simm.s32 $0x14C00;
	p0 =	sne.s32 s25, $0x32;
	s0 =	sadd.s32 s2, s17  }
0x301: {  	[hbm4b:s0+s3] =	stream.linear.scatter [tilespmem:s18], [sflag:$0x4], $0x800, $0x38;
	[tilespmem:$0x16C00] =	vst v63  }
.Ltmp5:
0x302: {  	s23 =	sor.u32 $0x18100, s26;
	(pc) =	sbr.rel @p0 .LBB2_4-.Ltmp5, $4  }
0x303: {  	s28 =	simm.s32 $0x15400;
	s29 =	sor.u32 $0x1C100, s26;
	s0 =	sadd.s32 s2, s23  }
0x304: {  	[hbm4b:s0+s3] =	stream.linear.scatter [tilespmem:s28], [sflag:$0x4], $0x800, $0x38;
	[tilespmem:$0x16C00] =	vst v63  }
0x305: {  	s30 =	simm.s32 $0x15C00;
	s0 =	sadd.s32 s2, s29  }
0x306: {  	[hbm4b:s0+s3] =	stream.linear.scatter [tilespmem:s30], [sflag:$0x4], $0x800, $0x38;
	[tilespmem:$0x16C00] =	vst v63  }
0x307: {  	s0 =	simm.s32 $0x3  }
0x308: {  	_ =	swait.ge [sflag:s0], $0x800  }
0x309: {  	[sflag:s0] =	ssyncset.done $0x0  }
0x30a: {  	[sflag:s0] =	ssyncadd.s32 $0xFFFFF800  }
0x30b: {  	_ =	swait.ge [sflag:s0], $0x800  }
0x30c: {  	[sflag:s0] =	ssyncset.done $0x0  }
0x30d: {  	[sflag:s0] =	ssyncadd.s32 $0xFFFFF800  }
0x30e: {  	_ =	swait.ge [sflag:s0], $0x800  }
0x30f: {  	[sflag:s0] =	ssyncset.done $0x0  }
0x310: {  	[sflag:s0] =	ssyncadd.s32 $0xFFFFF800  }
0x311: {  	_ =	swait.ge [sflag:s0], $0x800  }
0x312: {  	[sflag:s0] =	ssyncset.done $0x0  }
0x313: {  	[sflag:s0] =	ssyncadd.s32 $0xFFFFF800  }
0x314: {  	_ =	swait.ge [sflag:s0], $0x800  }
0x315: {  	[sflag:s0] =	ssyncset.done $0x0  }
0x316: {  	[sflag:s0] =	ssyncadd.s32 $0xFFFFF800  }
0x317: {  	_ =	swait.ge [sflag:s0], $0x800  }
0x318: {  	[sflag:s0] =	ssyncset.done $0x0  }
0x319: {  	[sflag:s0] =	ssyncadd.s32 $0xFFFFF800  }
0x31a: {  	_ =	swait.ge [sflag:s0], $0x800  }
0x31b: {  	[sflag:s0] =	ssyncset.done $0x0  }
0x31c: {  	[sflag:s0] =	ssyncadd.s32 $0xFFFFF800  }
0x31d: {  	_ =	swait.ge [sflag:s0], $0x800  }
0x31e: {  	[sflag:s0] =	ssyncset.done $0x0  }
0x31f: {  	[sflag:s0] =	ssyncadd.s32 $0xFFFFF800  }
0x320: {  	_ =	swait.ge [sflag:s24], $0x800  }
0x321: {  	[sflag:s24] =	ssyncset.done $0x0  }
0x322: {  	[sflag:s24] =	ssyncadd.s32 $0xFFFFF800  }
0x323: {  	_ =	swait.ge [sflag:s24], $0x800  }
0x324: {  	[sflag:s24] =	ssyncset.done $0x0  }
0x325: {  	[sflag:s24] =	ssyncadd.s32 $0xFFFFF800  }
0x326: {  	_ =	swait.ge [sflag:s24], $0x800  }
0x327: {  	[sflag:s24] =	ssyncset.done $0x0  }
0x328: {  	[sflag:s24] =	ssyncadd.s32 $0xFFFFF800  }
0x329: {  	_ =	swait.ge [sflag:s24], $0x800  }
0x32a: {  	[sflag:s24] =	ssyncset.done $0x0  }
0x32b: {  	[sflag:s24] =	ssyncadd.s32 $0xFFFFF800  }
0x32c: {  	_ =	swait.ge [sflag:s24], $0x800  }
0x32d: {  	[sflag:s24] =	ssyncset.done $0x0  }
0x32e: {  	[sflag:s24] =	ssyncadd.s32 $0xFFFFF800  }
0x32f: {  	_ =	swait.ge [sflag:s24], $0x800  }
0x330: {  	[sflag:s24] =	ssyncset.done $0x0  }
0x331: {  	[sflag:s24] =	ssyncadd.s32 $0xFFFFF800  }
0x332: {  	_ =	swait.ge [sflag:s24], $0x800  }
0x333: {  	[sflag:s24] =	ssyncset.done $0x0  }
0x334: {  	[sflag:s24] =	ssyncadd.s32 $0xFFFFF800  }
0x335: {  	_ =	swait.ge [sflag:s24], $0x800  }
0x336: {  	s6 =	rddreg [dreg:$0x5]  }
0x337: {  	s30 =	rddreg [dreg:$0x4];
	s6 =	sadd.s32 $0x1, s6  }
0x338: {  	p0 =	sne.s32 s6, s30  }
.Ltmp6:
0x339: {  	_ = 	snop;
	(pc) =	sbr.rel @p0 .LBB2_1-.Ltmp6, $3  }
0x33a: {  	_ =	sdelay $0x1  }
0x33b: {  	[sflag:s24] =	ssyncset.done $0x0  }
0x33c: {  	[sflag:s24] =	ssyncadd.s32 $0xFFFFF800  }
0x33d: {  	_ =	sfence.sel $0x180000  }
0x33e: {  	[bflag:$0x0] =	sbarrier.arrive $0xFFFF  }
0x33f: {  	_ =	strace $0x90000047  }
0x340: {  	s0 =	stileid.u32;
	[bflag:$0x2] =	sbarrier.arrive $0xFFFF  }
0x341: {  	p0 =	sne.s32 s0, $0x0;
	s0 =	rddreg [dreg:$0x2]  }
0x342: {  	s0 =	sadd.s32 @!p0 $0x100000, s0  }
0x343: {  	[sflag:s0] =	ssyncadd.tile.s32 @!p0 $0x1;
	_ =	shalt  }
.Lfunc_end2:
_tile_overlayer_lowered:
.L_overlay_start_2:
0x344: {  	(tag) =	ssettag $0x2  }
0x345: {  	s0 =	rddreg [dreg:$0x0];
	s2 =	stileid.u32  }
0x346: {  	s1 =	rddreg [dreg:$0x1];
	p0 =	sne.s32 s2, $0x0  }
0x347: {  	s3 =	rddreg [dreg:$0x2];
	[bflag:$0x3] =	sbarrier.arrive $0xFFFF;
	s2 =	simm.s32 @!p0 $0x1C05  }
0x348: {  	[timem:s3], [sflag:s2] =	dma.local @!p0 [hbm:s0], s1  }
0x349: {  	s0 =	simm.s32 @!p0 $0x5  }
0x34a: {  	_ =	swait.ge @!p0 [sflag:s0], s1  }
0x34b: {  	s1 =	ssub.s32 @!p0 $0x0, s1;
	[sflag:s0] =	ssyncset.done @!p0 $0x0  }
0x34c: {  	[sflag:s0] =	ssyncadd.s32 @!p0 s1  }
0x34d: {  	[bflag:$0x3] =	sbarrier.arrive $0xFFFF  }
0x34e: {  	_ =	shalt  }

</sc_bundles>
